<compile_context>
chip_gen: v7x
topology: tpu7x:2x2x1
jax: 0.10.2.dev20260603
libtpu: 0.0.44.dev20260713+nightly
codegen_flags: <defaults>
</compile_context>

<pallas_src>
import functools

import jax
import jax.numpy as jnp
from jax import lax
from jax.experimental import pallas as pl
from jax.experimental.pallas import tpu as pltpu
from jax.experimental.pallas import tpu_sc as plsc

N = 10000
E = 320000
D = 128
H = 128
OUT = 10
G = 64

NC = 2
NS = 16
NW = NC * NS
EP = E // NW
KE = 80
NCHUNK = EP // KE
NPAD = 10240
RPS = NPAD // NS
WCH = 128
NWC = RPS // WCH

_mesh = plsc.VectorSubcoreMesh(
    core_axis_name="c", subcore_axis_name="s", num_cores=NC, num_subcores=NS)


def _edge_body(hw_hbm, src_hbm, dst_hbm, z_hbm, out_hbm,
               isrc0, idst0, rows0, isrc1, idst1, rows1,
               stage_v, acc_sh, gsem0, gsem1):
    cid = lax.axis_index("c")
    sid = lax.axis_index("s")
    wid = cid * NS + sid
    pltpu.sync_copy(z_hbm, stage_v)

    def zero_chunk(j, carry):
        pltpu.sync_copy(stage_v, acc_sh.at[pl.ds(sid * RPS + j * WCH, WCH)])
        return carry

    lax.fori_loop(0, NWC, zero_chunk, 0)
    plsc.subcore_barrier()

    ebase = wid * EP
    bufs = ((isrc0, idst0, rows0, gsem0),
            (isrc1, idst1, rows1, gsem1))

    def stage(buf, base):
        isrc, idst, rows, gsem = buf
        pltpu.sync_copy(src_hbm.at[pl.ds(base, KE)], isrc)
        pltpu.sync_copy(dst_hbm.at[pl.ds(base, KE)], idst)
        pltpu.async_copy(hw_hbm.at[isrc], rows, gsem)

    stage(bufs[0], ebase)

    def pair(p, carry):
        isrc_a, idst_a, rows_a, gsem_a = bufs[0]
        isrc_b, idst_b, rows_b, gsem_b = bufs[1]
        pltpu.make_async_copy(hw_hbm.at[isrc_a], rows_a, gsem_a).wait()
        stage(bufs[1], ebase + (2 * p + 1) * KE)
        pltpu.sync_copy(rows_a, acc_sh.at[idst_a], add=True)
        pltpu.make_async_copy(hw_hbm.at[isrc_b], rows_b, gsem_b).wait()
        stage(bufs[0], ebase + (2 * p + 2) * KE)
        pltpu.sync_copy(rows_b, acc_sh.at[idst_b], add=True)
        return carry

    lax.fori_loop(0, NCHUNK // 2, pair, 0)
    isrc_t, idst_t, rows_t, gsem_t = bufs[0]
    pltpu.make_async_copy(hw_hbm.at[isrc_t], rows_t, gsem_t).wait()
    pltpu.sync_copy(rows_t, acc_sh.at[idst_t], add=True)
    plsc.subcore_barrier()

    def wb_chunk(j, carry):
        base = sid * RPS + j * WCH
        pltpu.sync_copy(acc_sh.at[pl.ds(base, WCH)], stage_v)
        pltpu.sync_copy(stage_v, out_hbm.at[cid, pl.ds(base, WCH)])
        return carry

    lax.fori_loop(0, NWC, wb_chunk, 0)


_edge_call = functools.partial(
    pl.kernel,
    out_type=jax.ShapeDtypeStruct((NC, NPAD, H), jnp.float32),
    mesh=_mesh,
    scratch_types=[
        pltpu.VMEM((KE,), jnp.int32),
        pltpu.VMEM((KE,), jnp.int32),
        pltpu.VMEM((KE, H), jnp.float32),
        pltpu.VMEM((KE,), jnp.int32),
        pltpu.VMEM((KE,), jnp.int32),
        pltpu.VMEM((KE, H), jnp.float32),
        pltpu.VMEM((WCH, H), jnp.float32),
        pltpu.VMEM_SHARED((NPAD, H), jnp.float32),
        pltpu.SemaphoreType.DMA,
        pltpu.SemaphoreType.DMA,
    ],
)(_edge_body)


def _deg_body(dst_hbm, ones_hbm, z_hbm, out_hbm,
              idst_v, rows_v, stage_v, acc_sh, sem):
    cid = lax.axis_index("c")
    sid = lax.axis_index("s")
    wid = cid * NS + sid
    pltpu.sync_copy(z_hbm, stage_v)

    def zero_chunk(j, carry):
        pltpu.sync_copy(stage_v, acc_sh.at[pl.ds(sid * RPS + j * WCH, WCH)])
        return carry

    lax.fori_loop(0, NWC, zero_chunk, 0)
    pltpu.sync_copy(ones_hbm, rows_v)
    plsc.subcore_barrier()

    def chunk(i, carry):
        base = wid * EP + i * KE
        pltpu.sync_copy(dst_hbm.at[pl.ds(base, KE)], idst_v)
        pltpu.sync_copy(rows_v, acc_sh.at[idst_v], add=True)
        return carry

    lax.fori_loop(0, NCHUNK, chunk, 0)
    plsc.subcore_barrier()

    def wb_chunk(j, carry):
        base = sid * RPS + j * WCH
        pltpu.sync_copy(acc_sh.at[pl.ds(base, WCH)], stage_v)
        pltpu.sync_copy(stage_v, out_hbm.at[cid, pl.ds(base, WCH)])
        return carry

    lax.fori_loop(0, NWC, wb_chunk, 0)


_deg_call = functools.partial(
    pl.kernel,
    out_type=jax.ShapeDtypeStruct((NC, NPAD, H), jnp.float32),
    mesh=_mesh,
    scratch_types=[
        pltpu.VMEM((KE,), jnp.int32),
        pltpu.VMEM((KE, H), jnp.float32),
        pltpu.VMEM((WCH, H), jnp.float32),
        pltpu.VMEM_SHARED((NPAD, H), jnp.float32),
        pltpu.SemaphoreType.DMA,
    ],
)(_deg_body)


def _prep_body(degp_ref, x_ref, w0_ref, dinv_ref, hw0_ref):
    deg = degp_ref[0][0:N, 0:1] + degp_ref[1][0:N, 0:1] + 1.0
    dinv = 1.0 / jnp.sqrt(deg)
    dinv_ref[...] = dinv
    hw0_ref[...] = dinv * jnp.dot(x_ref[...], w0_ref[...],
                                  preferred_element_type=jnp.float32)


def _bn_block(accp_ref, hw_ref, dinv_ref, b_ref, g_ref, be_ref):
    dinv = dinv_ref[...]
    pre = dinv * (accp_ref[0][0:N] + accp_ref[1][0:N] + hw_ref[...]) + b_ref[...]
    r = jnp.maximum(pre, 0.0)
    mean = jnp.mean(r, axis=0, keepdims=True)
    var = jnp.mean((r - mean) ** 2, axis=0, keepdims=True)
    return (r - mean) / jnp.sqrt(var + 1e-5) * g_ref[...] + be_ref[...]


def _mid_body(accp_ref, hw_ref, dinv_ref, b_ref, g_ref, be_ref, wn_ref, hwn_ref):
    hb = _bn_block(accp_ref, hw_ref, dinv_ref, b_ref, g_ref, be_ref)
    hwn_ref[...] = dinv_ref[...] * jnp.dot(hb, wn_ref[...],
                                           preferred_element_type=jnp.float32)


def _final_body(accp_ref, hw_ref, dinv_ref, b_ref, g_ref, be_ref, batch_ref,
                wh1_ref, bh1_ref, wh2_ref, bh2_ref, wo_ref, bo_ref, out_ref):
    h = _bn_block(accp_ref, hw_ref, dinv_ref, b_ref, g_ref, be_ref)
    onehot = (batch_ref[...] == lax.broadcasted_iota(jnp.int32, (1, G), 1)
              ).astype(jnp.float32)
    sums = lax.dot_general(onehot, h, (((0,), (0,)), ((), ())),
                           preferred_element_type=jnp.float32)
    counts = lax.dot_general(onehot, jnp.ones((N, 1), jnp.float32),
                             (((0,), (0,)), ((), ())),
                             preferred_element_type=jnp.float32)
    pooled = sums / jnp.maximum(counts, 1.0)
    z = jax.nn.gelu(pooled @ wh1_ref[...] + bh1_ref[...])
    z = jax.nn.gelu(z @ wh2_ref[...] + bh2_ref[...])
    out_ref[...] = z @ wo_ref[...] + bo_ref[...]


def kernel(x, edge_index, batch, W0, b0, g0, be0, W1, b1, g1, be1,
           W2, b2, g2, be2, Wh1, bh1, Wh2, bh2, Wo, bo):
    src = edge_index[0]
    dst = edge_index[1]
    z128 = jnp.zeros((WCH, H), jnp.float32)
    ones128 = jnp.ones((KE, H), jnp.float32)

    degp = _deg_call(dst, ones128, z128)

    dinv, hw = pl.pallas_call(
        _prep_body,
        out_shape=(jax.ShapeDtypeStruct((N, 1), jnp.float32),
                   jax.ShapeDtypeStruct((N, H), jnp.float32)),
    )(degp, x, W0)

    for (bi, gi, bei, Wn) in ((b0, g0, be0, W1), (b1, g1, be1, W2)):
        accp = _edge_call(hw, src, dst, z128)
        hw = pl.pallas_call(
            _mid_body,
            out_shape=jax.ShapeDtypeStruct((N, H), jnp.float32),
        )(accp, hw, dinv, bi.reshape(1, H), gi.reshape(1, H),
          bei.reshape(1, H), Wn)

    accp = _edge_call(hw, src, dst, z128)
    out = pl.pallas_call(
        _final_body,
        out_shape=jax.ShapeDtypeStruct((G, OUT), jnp.float32),
    )(accp, hw, dinv, b2.reshape(1, H), g2.reshape(1, H), be2.reshape(1, H),
      batch.reshape(N, 1), Wh1, bh1.reshape(1, H), Wh2, bh2.reshape(1, H),
      Wo, bo.reshape(1, OUT))
    return out

# --- scband reference (transcript-rebuilt; emitter-appended) ---
"""Pipeline reference for scband-net-29437705847344 (READ-ONLY COPY).

The authoritative reference and input builder live on the scoring server;
editing this copy changes nothing except your own understanding.
"""

import jax, jax.numpy as jnp
import numpy as np

N = 10000
E = 320000
D = 128
H = 128
OUT = 10
G = 64


def setup_inputs(seed: int = 0) -> dict:
    key = jax.random.key(seed)
    ks = jax.random.split(key, 24)
    x = jax.random.normal(ks[0], (N, D), dtype=jnp.float32)
    edge_index = jax.random.randint(ks[1], (2, E), 0, N, dtype=jnp.int32)
    batch = jnp.sort(jax.random.randint(ks[2], (N,), 0, G, dtype=jnp.int32))
    s = 0.05
    inp = {
        'x': x, 'edge_index': edge_index, 'batch': batch,
        'W0': jax.random.normal(ks[3], (D, H), jnp.float32) * s,
        'b0': jnp.zeros((H,), jnp.float32),
        'g0': jnp.ones((H,), jnp.float32),
        'be0': jnp.zeros((H,), jnp.float32),
        'W1': jax.random.normal(ks[4], (H, H), jnp.float32) * s,
        'b1': jnp.zeros((H,), jnp.float32),
        'g1': jnp.ones((H,), jnp.float32),
        'be1': jnp.zeros((H,), jnp.float32),
        'W2': jax.random.normal(ks[5], (H, H), jnp.float32) * s,
        'b2': jnp.zeros((H,), jnp.float32),
        'g2': jnp.ones((H,), jnp.float32),
        'be2': jnp.zeros((H,), jnp.float32),
        'Wh1': jax.random.normal(ks[6], (H, H), jnp.float32) * s,
        'bh1': jnp.zeros((H,), jnp.float32),
        'Wh2': jax.random.normal(ks[7], (H, H), jnp.float32) * s,
        'bh2': jnp.zeros((H,), jnp.float32),
        'Wo': jax.random.normal(ks[8], (H, OUT), jnp.float32) * s,
        'bo': jnp.zeros((OUT,), jnp.float32),
    }
    return inp


def _gcn_layer(h, src, dst, norm, W, b):
    hw = h @ W
    msgs = hw[src] * norm[:, None]
    agg = jax.ops.segment_sum(msgs, dst, num_segments=N)
    return agg + b


def _bn(h, g, be):
    mean = jnp.mean(h, axis=0)
    var = jnp.var(h, axis=0)
    return (h - mean) / jnp.sqrt(var + 1e-5) * g + be


def reference(x, edge_index, batch, W0, b0, g0, be0, W1, b1, g1, be1, W2, b2, g2, be2, Wh1, bh1, Wh2, bh2, Wo, bo):
    # GCNConv with self-loops and symmetric normalization
    loop = jnp.arange(N, dtype=edge_index.dtype)
    src = jnp.concatenate([edge_index[0], loop])
    dst = jnp.concatenate([edge_index[1], loop])
    deg = jax.ops.segment_sum(jnp.ones(src.shape[0], jnp.float32), dst, num_segments=N)
    dinv = jnp.where(deg > 0, 1.0 / jnp.sqrt(deg), 0.0)
    norm = dinv[src] * dinv[dst]

    h = _gcn_layer(x, src, dst, norm, W0, b0)
    h = jax.nn.relu(h)
    h = _bn(h, g0, be0)

    h = _gcn_layer(h, src, dst, norm, W1, b1)
    h = jax.nn.relu(h)
    h = _bn(h, g1, be1)

    h = _gcn_layer(h, src, dst, norm, W2, b2)
    h = jax.nn.relu(h)
    h = _bn(h, g2, be2)

    # global mean pool over graphs
    counts = jax.ops.segment_sum(jnp.ones((N,), jnp.float32), batch, num_segments=G)
    sums = jax.ops.segment_sum(h, batch, num_segments=G)
    pooled = sums / jnp.clip(counts, 1.0, None)[:, None]

    # MLP head (dropout = identity in eval)
    z = jax.nn.gelu(pooled @ Wh1 + bh1)
    z = jax.nn.gelu(z @ Wh2 + bh2)
    return z @ Wo + bo


if False:  # reference __main__ guard neutralized (emitter)
    out = reference(**setup_inputs())
    print(out.shape)

if __name__ == "__main__":
    import jax
    _d = setup_inputs()
    print(jax.jit(kernel)(*tuple(_d.values())))

</pallas_src>

<mosaic_0001>
#map = affine_map<(d0, d1) -> (0, 0)>
#map1 = affine_map<(d0, d1) -> (0)>
#map2 = affine_map<(d0, d1) -> (0, 0, 0)>
module attributes {stable_mosaic.version = 14 : i64} {
  func.func @_edge_body(%arg0: i32, %arg1: i32, %arg2: memref<10000x128xf32, #tpu.memory_space<hbm>>, %arg3: memref<320000xi32, #tpu.memory_space<hbm>>, %arg4: memref<320000xi32, #tpu.memory_space<hbm>>, %arg5: memref<128x128xf32, #tpu.memory_space<hbm>>, %arg6: memref<2x10240x128xf32, #tpu.memory_space<hbm>>, %arg7: memref<80xi32, #tpu.memory_space<vmem>>, %arg8: memref<80xi32, #tpu.memory_space<vmem>>, %arg9: memref<80x128xf32, #tpu.memory_space<vmem>>, %arg10: memref<80xi32, #tpu.memory_space<vmem>>, %arg11: memref<80xi32, #tpu.memory_space<vmem>>, %arg12: memref<80x128xf32, #tpu.memory_space<vmem>>, %arg13: memref<128x128xf32, #tpu.memory_space<vmem>>, %arg14: memref<10240x128xf32, #tpu.memory_space<vmem_shared>>, %arg15: memref<!tpu.dma_semaphore, #tpu.memory_space<semaphore_mem>>, %arg16: memref<!tpu.dma_semaphore, #tpu.memory_space<semaphore_mem>>) attributes {dimension_semantics = [#tpu.dimension_semantics<core_parallel>, #tpu.dimension_semantics<subcore_parallel>], iteration_bounds = array<i64: 2, 16>, scalar_prefetch = 0 : i64, scratch_operands = 10 : i64, tpu.core_type = #tpu.core_type<sc_vector_subcore>, window_params = [{transform_indices = #map}, {transform_indices = #map1}, {transform_indices = #map1}, {transform_indices = #map}, {transform_indices = #map2}]} {
    %mul3A = arith.constant 16 : i32
    %mul3A_0 = arith.muli %arg0, %mul3A : i32
    %add3A = arith.addi %mul3A_0, %arg1 : i32
    "tpu.region"() ({
      %run_scoped3A = tpu.sem_alloc : memref<!tpu.dma_semaphore, #tpu.memory_space<semaphore_mem>>
      tpu.enqueue_dma source(%arg5 : memref<128x128xf32, #tpu.memory_space<hbm>>) target(%arg13 : memref<128x128xf32, #tpu.memory_space<vmem>>) target_semaphore(%run_scoped3A : memref<!tpu.dma_semaphore, #tpu.memory_space<semaphore_mem>>)
      tpu.wait_dma2 semaphore(%run_scoped3A : memref<!tpu.dma_semaphore, #tpu.memory_space<semaphore_mem>>) src(%arg5 : memref<128x128xf32, #tpu.memory_space<hbm>>) dst(%arg13 : memref<128x128xf32, #tpu.memory_space<vmem>>)
      tpu.yield
    }) : () -> ()
    %scan3A = arith.constant 0 : i32
    %scan3A_1 = arith.constant 0 : i32
    %scan3A_2 = arith.constant 5 : i32
    %scan3A_3 = arith.addi %scan3A_1, %scan3A_2 : i32
    %scan3A_4 = arith.constant 1 : i32
    scf.for %scan3A_25 = %scan3A_1 to %scan3A_3 step %scan3A_4  : i32 {
      %mul3A_26 = arith.constant 640 : i32
      %mul3A_27 = arith.muli %arg1, %mul3A_26 : i32
      %mul3A_28 = arith.constant 128 : i32
      %mul3A_29 = arith.muli %scan3A_25, %mul3A_28 : i32
      %add3A_30 = arith.addi %mul3A_27, %mul3A_29 : i32
      "tpu.region"() ({
        %run_scoped3A = tpu.sem_alloc : memref<!tpu.dma_semaphore, #tpu.memory_space<semaphore_mem>>
        %dma_start3A_31 = arith.constant 0 : i32
        %dma_start3A_32 = tpu.memref_slice %arg14[%add3A_30, %dma_start3A_31] : memref<10240x128xf32, #tpu.memory_space<vmem_shared>> -> memref<128x128xf32, #tpu.memory_space<vmem_shared>>
        %dma_start3A_33 = arith.constant 0 : i32
        %dma_start3A_34 = tpu.memref_slice %arg14[%add3A_30, %dma_start3A_33] : memref<10240x128xf32, #tpu.memory_space<vmem_shared>> -> memref<128x128xf32, #tpu.memory_space<vmem_shared>>
        tpu.enqueue_dma source(%arg13 : memref<128x128xf32, #tpu.memory_space<vmem>>) target(%dma_start3A_34 : memref<128x128xf32, #tpu.memory_space<vmem_shared>>) target_semaphore(%run_scoped3A : memref<!tpu.dma_semaphore, #tpu.memory_space<semaphore_mem>>)
        %dma_wait3A_35 = arith.constant 0 : i32
        %dma_wait3A_36 = tpu.memref_slice %arg14[%add3A_30, %dma_wait3A_35] : memref<10240x128xf32, #tpu.memory_space<vmem_shared>> -> memref<128x128xf32, #tpu.memory_space<vmem_shared>>
        %dma_wait3A_37 = arith.constant 0 : i32
        %dma_wait3A_38 = tpu.memref_slice %arg14[%add3A_30, %dma_wait3A_37] : memref<10240x128xf32, #tpu.memory_space<vmem_shared>> -> memref<128x128xf32, #tpu.memory_space<vmem_shared>>
        tpu.wait_dma2 semaphore(%run_scoped3A : memref<!tpu.dma_semaphore, #tpu.memory_space<semaphore_mem>>) src(%arg13 : memref<128x128xf32, #tpu.memory_space<vmem>>) dst(%dma_wait3A_38 : memref<128x128xf32, #tpu.memory_space<vmem_shared>>)
        tpu.yield
      }) : () -> ()
    }
    %scan3A_5 = arith.constant 5 : i32
    %barrier3A = arith.constant 0 : index
    tpu.barrier barrier_id(%barrier3A)
    %mul3A_6 = arith.constant 10000 : i32
    %mul3A_7 = arith.muli %add3A, %mul3A_6 : i32
    "tpu.region"() ({
      %run_scoped3A = tpu.sem_alloc : memref<!tpu.dma_semaphore, #tpu.memory_space<semaphore_mem>>
      %dma_start3A_25 = tpu.memref_slice %arg3[%mul3A_7] : memref<320000xi32, #tpu.memory_space<hbm>> -> memref<80xi32, #tpu.memory_space<hbm>>
      %dma_start3A_26 = tpu.memref_slice %arg3[%mul3A_7] : memref<320000xi32, #tpu.memory_space<hbm>> -> memref<80xi32, #tpu.memory_space<hbm>>
      tpu.enqueue_dma source(%dma_start3A_26 : memref<80xi32, #tpu.memory_space<hbm>>) target(%arg7 : memref<80xi32, #tpu.memory_space<vmem>>) target_semaphore(%run_scoped3A : memref<!tpu.dma_semaphore, #tpu.memory_space<semaphore_mem>>)
      %dma_wait3A_27 = tpu.memref_slice %arg3[%mul3A_7] : memref<320000xi32, #tpu.memory_space<hbm>> -> memref<80xi32, #tpu.memory_space<hbm>>
      %dma_wait3A_28 = tpu.memref_slice %arg3[%mul3A_7] : memref<320000xi32, #tpu.memory_space<hbm>> -> memref<80xi32, #tpu.memory_space<hbm>>
      tpu.wait_dma2 semaphore(%run_scoped3A : memref<!tpu.dma_semaphore, #tpu.memory_space<semaphore_mem>>) src(%dma_wait3A_28 : memref<80xi32, #tpu.memory_space<hbm>>) dst(%arg7 : memref<80xi32, #tpu.memory_space<vmem>>)
      tpu.yield
    }) : () -> ()
    "tpu.region"() ({
      %run_scoped3A = tpu.sem_alloc : memref<!tpu.dma_semaphore, #tpu.memory_space<semaphore_mem>>
      %dma_start3A_25 = tpu.memref_slice %arg4[%mul3A_7] : memref<320000xi32, #tpu.memory_space<hbm>> -> memref<80xi32, #tpu.memory_space<hbm>>
      %dma_start3A_26 = tpu.memref_slice %arg4[%mul3A_7] : memref<320000xi32, #tpu.memory_space<hbm>> -> memref<80xi32, #tpu.memory_space<hbm>>
      tpu.enqueue_dma source(%dma_start3A_26 : memref<80xi32, #tpu.memory_space<hbm>>) target(%arg8 : memref<80xi32, #tpu.memory_space<vmem>>) target_semaphore(%run_scoped3A : memref<!tpu.dma_semaphore, #tpu.memory_space<semaphore_mem>>)
      %dma_wait3A_27 = tpu.memref_slice %arg4[%mul3A_7] : memref<320000xi32, #tpu.memory_space<hbm>> -> memref<80xi32, #tpu.memory_space<hbm>>
      %dma_wait3A_28 = tpu.memref_slice %arg4[%mul3A_7] : memref<320000xi32, #tpu.memory_space<hbm>> -> memref<80xi32, #tpu.memory_space<hbm>>
      tpu.wait_dma2 semaphore(%run_scoped3A : memref<!tpu.dma_semaphore, #tpu.memory_space<semaphore_mem>>) src(%dma_wait3A_28 : memref<80xi32, #tpu.memory_space<hbm>>) dst(%arg8 : memref<80xi32, #tpu.memory_space<vmem>>)
      tpu.yield
    }) : () -> ()
    %dma_start3A = arith.constant 0 : i32
    %dma_start3A_8 = arith.constant 0 : i32
    %dma_start3A_9 = tpu.memref_slice %arg2[%dma_start3A, %dma_start3A_8] : memref<10000x128xf32, #tpu.memory_space<hbm>> -> memref<10000x128xf32, #tpu.memory_space<hbm>>
    tpu.enqueue_indirect_dma source(%dma_start3A_9 : memref<10000x128xf32, #tpu.memory_space<hbm>>) target(%arg9 : memref<80x128xf32, #tpu.memory_space<vmem>>) offsets(%arg7 : memref<80xi32, #tpu.memory_space<vmem>>) semaphore(%arg15 : memref<!tpu.dma_semaphore, #tpu.memory_space<semaphore_mem>>)
    %scan3A_10 = arith.constant 0 : i32
    %scan3A_11 = arith.constant 0 : i32
    %scan3A_12 = arith.constant 62 : i32
    %scan3A_13 = arith.addi %scan3A_11, %scan3A_12 : i32
    %scan3A_14 = arith.constant 1 : i32
    scf.for %scan3A_25 = %scan3A_11 to %scan3A_13 step %scan3A_14  : i32 {
      %dma_wait3A_26 = arith.constant 0 : i32
      %dma_wait3A_27 = arith.constant 0 : i32
      %dma_wait3A_28 = tpu.memref_slice %arg2[%dma_wait3A_26, %dma_wait3A_27] : memref<10000x128xf32, #tpu.memory_space<hbm>> -> memref<10000x128xf32, #tpu.memory_space<hbm>>
      tpu.wait_indirect_dma semaphore(%arg15 : memref<!tpu.dma_semaphore, #tpu.memory_space<semaphore_mem>>) src(%dma_wait3A_28 : memref<10000x128xf32, #tpu.memory_space<hbm>>) dst(%arg9 : memref<80x128xf32, #tpu.memory_space<vmem>>)
      %mul3A_29 = arith.constant 2 : i32
      %mul3A_30 = arith.muli %mul3A_29, %scan3A_25 : i32
      %add3A_31 = arith.constant 1 : i32
      %add3A_32 = arith.addi %mul3A_30, %add3A_31 : i32
      %mul3A_33 = arith.constant 80 : i32
      %mul3A_34 = arith.muli %add3A_32, %mul3A_33 : i32
      %add3A_35 = arith.addi %mul3A_7, %mul3A_34 : i32
      "tpu.region"() ({
        %run_scoped3A = tpu.sem_alloc : memref<!tpu.dma_semaphore, #tpu.memory_space<semaphore_mem>>
        %dma_start3A_52 = tpu.memref_slice %arg3[%add3A_35] : memref<320000xi32, #tpu.memory_space<hbm>> -> memref<80xi32, #tpu.memory_space<hbm>>
        %dma_start3A_53 = tpu.memref_slice %arg3[%add3A_35] : memref<320000xi32, #tpu.memory_space<hbm>> -> memref<80xi32, #tpu.memory_space<hbm>>
        tpu.enqueue_dma source(%dma_start3A_53 : memref<80xi32, #tpu.memory_space<hbm>>) target(%arg10 : memref<80xi32, #tpu.memory_space<vmem>>) target_semaphore(%run_scoped3A : memref<!tpu.dma_semaphore, #tpu.memory_space<semaphore_mem>>)
        %dma_wait3A_54 = tpu.memref_slice %arg3[%add3A_35] : memref<320000xi32, #tpu.memory_space<hbm>> -> memref<80xi32, #tpu.memory_space<hbm>>
        %dma_wait3A_55 = tpu.memref_slice %arg3[%add3A_35] : memref<320000xi32, #tpu.memory_space<hbm>> -> memref<80xi32, #tpu.memory_space<hbm>>
        tpu.wait_dma2 semaphore(%run_scoped3A : memref<!tpu.dma_semaphore, #tpu.memory_space<semaphore_mem>>) src(%dma_wait3A_55 : memref<80xi32, #tpu.memory_space<hbm>>) dst(%arg10 : memref<80xi32, #tpu.memory_space<vmem>>)
        tpu.yield
      }) : () -> ()
      "tpu.region"() ({
        %run_scoped3A = tpu.sem_alloc : memref<!tpu.dma_semaphore, #tpu.memory_space<semaphore_mem>>
        %dma_start3A_52 = tpu.memref_slice %arg4[%add3A_35] : memref<320000xi32, #tpu.memory_space<hbm>> -> memref<80xi32, #tpu.memory_space<hbm>>
        %dma_start3A_53 = tpu.memref_slice %arg4[%add3A_35] : memref<320000xi32, #tpu.memory_space<hbm>> -> memref<80xi32, #tpu.memory_space<hbm>>
        tpu.enqueue_dma source(%dma_start3A_53 : memref<80xi32, #tpu.memory_space<hbm>>) target(%arg11 : memref<80xi32, #tpu.memory_space<vmem>>) target_semaphore(%run_scoped3A : memref<!tpu.dma_semaphore, #tpu.memory_space<semaphore_mem>>)
        %dma_wait3A_54 = tpu.memref_slice %arg4[%add3A_35] : memref<320000xi32, #tpu.memory_space<hbm>> -> memref<80xi32, #tpu.memory_space<hbm>>
        %dma_wait3A_55 = tpu.memref_slice %arg4[%add3A_35] : memref<320000xi32, #tpu.memory_space<hbm>> -> memref<80xi32, #tpu.memory_space<hbm>>
        tpu.wait_dma2 semaphore(%run_scoped3A : memref<!tpu.dma_semaphore, #tpu.memory_space<semaphore_mem>>) src(%dma_wait3A_55 : memref<80xi32, #tpu.memory_space<hbm>>) dst(%arg11 : memref<80xi32, #tpu.memory_space<vmem>>)
        tpu.yield
      }) : () -> ()
      %dma_start3A_36 = arith.constant 0 : i32
      %dma_start3A_37 = arith.constant 0 : i32
      %dma_start3A_38 = tpu.memref_slice %arg2[%dma_start3A_36, %dma_start3A_37] : memref<10000x128xf32, #tpu.memory_space<hbm>> -> memref<10000x128xf32, #tpu.memory_space<hbm>>
      tpu.enqueue_indirect_dma source(%dma_start3A_38 : memref<10000x128xf32, #tpu.memory_space<hbm>>) target(%arg12 : memref<80x128xf32, #tpu.memory_space<vmem>>) offsets(%arg10 : memref<80xi32, #tpu.memory_space<vmem>>) semaphore(%arg16 : memref<!tpu.dma_semaphore, #tpu.memory_space<semaphore_mem>>)
      "tpu.region"() ({
        %run_scoped3A = tpu.sem_alloc : memref<!tpu.dma_semaphore, #tpu.memory_space<semaphore_mem>>
        %dma_start3A_52 = arith.constant 0 : i32
        %dma_start3A_53 = arith.constant 0 : i32
        %dma_start3A_54 = tpu.memref_slice %arg14[%dma_start3A_52, %dma_start3A_53] : memref<10240x128xf32, #tpu.memory_space<vmem_shared>> -> memref<10240x128xf32, #tpu.memory_space<vmem_shared>>
        tpu.enqueue_indirect_dma source(%arg9 : memref<80x128xf32, #tpu.memory_space<vmem>>) target(%dma_start3A_54 : memref<10240x128xf32, #tpu.memory_space<vmem_shared>>) offsets(%arg8 : memref<80xi32, #tpu.memory_space<vmem>>) semaphore(%run_scoped3A : memref<!tpu.dma_semaphore, #tpu.memory_space<semaphore_mem>>) {add = true}
        %dma_wait3A_55 = arith.constant 0 : i32
        %dma_wait3A_56 = arith.constant 0 : i32
        %dma_wait3A_57 = tpu.memref_slice %arg14[%dma_wait3A_55, %dma_wait3A_56] : memref<10240x128xf32, #tpu.memory_space<vmem_shared>> -> memref<10240x128xf32, #tpu.memory_space<vmem_shared>>
        tpu.wait_indirect_dma semaphore(%run_scoped3A : memref<!tpu.dma_semaphore, #tpu.memory_space<semaphore_mem>>) src(%arg9 : memref<80x128xf32, #tpu.memory_space<vmem>>) dst(%dma_wait3A_57 : memref<10240x128xf32, #tpu.memory_space<vmem_shared>>)
        tpu.yield
      }) : () -> ()
      %dma_wait3A_39 = arith.constant 0 : i32
      %dma_wait3A_40 = arith.constant 0 : i32
      %dma_wait3A_41 = tpu.memref_slice %arg2[%dma_wait3A_39, %dma_wait3A_40] : memref<10000x128xf32, #tpu.memory_space<hbm>> -> memref<10000x128xf32, #tpu.memory_space<hbm>>
      tpu.wait_indirect_dma semaphore(%arg16 : memref<!tpu.dma_semaphore, #tpu.memory_space<semaphore_mem>>) src(%dma_wait3A_41 : memref<10000x128xf32, #tpu.memory_space<hbm>>) dst(%arg12 : memref<80x128xf32, #tpu.memory_space<vmem>>)
      %mul3A_42 = arith.constant 2 : i32
      %mul3A_43 = arith.muli %mul3A_42, %scan3A_25 : i32
      %add3A_44 = arith.constant 2 : i32
      %add3A_45 = arith.addi %mul3A_43, %add3A_44 : i32
      %mul3A_46 = arith.constant 80 : i32
      %mul3A_47 = arith.muli %add3A_45, %mul3A_46 : i32
      %add3A_48 = arith.addi %mul3A_7, %mul3A_47 : i32
      "tpu.region"() ({
        %run_scoped3A = tpu.sem_alloc : memref<!tpu.dma_semaphore, #tpu.memory_space<semaphore_mem>>
        %dma_start3A_52 = tpu.memref_slice %arg3[%add3A_48] : memref<320000xi32, #tpu.memory_space<hbm>> -> memref<80xi32, #tpu.memory_space<hbm>>
        %dma_start3A_53 = tpu.memref_slice %arg3[%add3A_48] : memref<320000xi32, #tpu.memory_space<hbm>> -> memref<80xi32, #tpu.memory_space<hbm>>
        tpu.enqueue_dma source(%dma_start3A_53 : memref<80xi32, #tpu.memory_space<hbm>>) target(%arg7 : memref<80xi32, #tpu.memory_space<vmem>>) target_semaphore(%run_scoped3A : memref<!tpu.dma_semaphore, #tpu.memory_space<semaphore_mem>>)
        %dma_wait3A_54 = tpu.memref_slice %arg3[%add3A_48] : memref<320000xi32, #tpu.memory_space<hbm>> -> memref<80xi32, #tpu.memory_space<hbm>>
        %dma_wait3A_55 = tpu.memref_slice %arg3[%add3A_48] : memref<320000xi32, #tpu.memory_space<hbm>> -> memref<80xi32, #tpu.memory_space<hbm>>
        tpu.wait_dma2 semaphore(%run_scoped3A : memref<!tpu.dma_semaphore, #tpu.memory_space<semaphore_mem>>) src(%dma_wait3A_55 : memref<80xi32, #tpu.memory_space<hbm>>) dst(%arg7 : memref<80xi32, #tpu.memory_space<vmem>>)
        tpu.yield
      }) : () -> ()
      "tpu.region"() ({
        %run_scoped3A = tpu.sem_alloc : memref<!tpu.dma_semaphore, #tpu.memory_space<semaphore_mem>>
        %dma_start3A_52 = tpu.memref_slice %arg4[%add3A_48] : memref<320000xi32, #tpu.memory_space<hbm>> -> memref<80xi32, #tpu.memory_space<hbm>>
        %dma_start3A_53 = tpu.memref_slice %arg4[%add3A_48] : memref<320000xi32, #tpu.memory_space<hbm>> -> memref<80xi32, #tpu.memory_space<hbm>>
        tpu.enqueue_dma source(%dma_start3A_53 : memref<80xi32, #tpu.memory_space<hbm>>) target(%arg8 : memref<80xi32, #tpu.memory_space<vmem>>) target_semaphore(%run_scoped3A : memref<!tpu.dma_semaphore, #tpu.memory_space<semaphore_mem>>)
        %dma_wait3A_54 = tpu.memref_slice %arg4[%add3A_48] : memref<320000xi32, #tpu.memory_space<hbm>> -> memref<80xi32, #tpu.memory_space<hbm>>
        %dma_wait3A_55 = tpu.memref_slice %arg4[%add3A_48] : memref<320000xi32, #tpu.memory_space<hbm>> -> memref<80xi32, #tpu.memory_space<hbm>>
        tpu.wait_dma2 semaphore(%run_scoped3A : memref<!tpu.dma_semaphore, #tpu.memory_space<semaphore_mem>>) src(%dma_wait3A_55 : memref<80xi32, #tpu.memory_space<hbm>>) dst(%arg8 : memref<80xi32, #tpu.memory_space<vmem>>)
        tpu.yield
      }) : () -> ()
      %dma_start3A_49 = arith.constant 0 : i32
      %dma_start3A_50 = arith.constant 0 : i32
      %dma_start3A_51 = tpu.memref_slice %arg2[%dma_start3A_49, %dma_start3A_50] : memref<10000x128xf32, #tpu.memory_space<hbm>> -> memref<10000x128xf32, #tpu.memory_space<hbm>>
      tpu.enqueue_indirect_dma source(%dma_start3A_51 : memref<10000x128xf32, #tpu.memory_space<hbm>>) target(%arg9 : memref<80x128xf32, #tpu.memory_space<vmem>>) offsets(%arg7 : memref<80xi32, #tpu.memory_space<vmem>>) semaphore(%arg15 : memref<!tpu.dma_semaphore, #tpu.memory_space<semaphore_mem>>)
      "tpu.region"() ({
        %run_scoped3A = tpu.sem_alloc : memref<!tpu.dma_semaphore, #tpu.memory_space<semaphore_mem>>
        %dma_start3A_52 = arith.constant 0 : i32
        %dma_start3A_53 = arith.constant 0 : i32
        %dma_start3A_54 = tpu.memref_slice %arg14[%dma_start3A_52, %dma_start3A_53] : memref<10240x128xf32, #tpu.memory_space<vmem_shared>> -> memref<10240x128xf32, #tpu.memory_space<vmem_shared>>
        tpu.enqueue_indirect_dma source(%arg12 : memref<80x128xf32, #tpu.memory_space<vmem>>) target(%dma_start3A_54 : memref<10240x128xf32, #tpu.memory_space<vmem_shared>>) offsets(%arg11 : memref<80xi32, #tpu.memory_space<vmem>>) semaphore(%run_scoped3A : memref<!tpu.dma_semaphore, #tpu.memory_space<semaphore_mem>>) {add = true}
        %dma_wait3A_55 = arith.constant 0 : i32
        %dma_wait3A_56 = arith.constant 0 : i32
        %dma_wait3A_57 = tpu.memref_slice %arg14[%dma_wait3A_55, %dma_wait3A_56] : memref<10240x128xf32, #tpu.memory_space<vmem_shared>> -> memref<10240x128xf32, #tpu.memory_space<vmem_shared>>
        tpu.wait_indirect_dma semaphore(%run_scoped3A : memref<!tpu.dma_semaphore, #tpu.memory_space<semaphore_mem>>) src(%arg12 : memref<80x128xf32, #tpu.memory_space<vmem>>) dst(%dma_wait3A_57 : memref<10240x128xf32, #tpu.memory_space<vmem_shared>>)
        tpu.yield
      }) : () -> ()
    }
    %scan3A_15 = arith.constant 62 : i32
    %dma_wait3A = arith.constant 0 : i32
    %dma_wait3A_16 = arith.constant 0 : i32
    %dma_wait3A_17 = tpu.memref_slice %arg2[%dma_wait3A, %dma_wait3A_16] : memref<10000x128xf32, #tpu.memory_space<hbm>> -> memref<10000x128xf32, #tpu.memory_space<hbm>>
    tpu.wait_indirect_dma semaphore(%arg15 : memref<!tpu.dma_semaphore, #tpu.memory_space<semaphore_mem>>) src(%dma_wait3A_17 : memref<10000x128xf32, #tpu.memory_space<hbm>>) dst(%arg9 : memref<80x128xf32, #tpu.memory_space<vmem>>)
    "tpu.region"() ({
      %run_scoped3A = tpu.sem_alloc : memref<!tpu.dma_semaphore, #tpu.memory_space<semaphore_mem>>
      %dma_start3A_25 = arith.constant 0 : i32
      %dma_start3A_26 = arith.constant 0 : i32
      %dma_start3A_27 = tpu.memref_slice %arg14[%dma_start3A_25, %dma_start3A_26] : memref<10240x128xf32, #tpu.memory_space<vmem_shared>> -> memref<10240x128xf32, #tpu.memory_space<vmem_shared>>
      tpu.enqueue_indirect_dma source(%arg9 : memref<80x128xf32, #tpu.memory_space<vmem>>) target(%dma_start3A_27 : memref<10240x128xf32, #tpu.memory_space<vmem_shared>>) offsets(%arg8 : memref<80xi32, #tpu.memory_space<vmem>>) semaphore(%run_scoped3A : memref<!tpu.dma_semaphore, #tpu.memory_space<semaphore_mem>>) {add = true}
      %dma_wait3A_28 = arith.constant 0 : i32
      %dma_wait3A_29 = arith.constant 0 : i32
      %dma_wait3A_30 = tpu.memref_slice %arg14[%dma_wait3A_28, %dma_wait3A_29] : memref<10240x128xf32, #tpu.memory_space<vmem_shared>> -> memref<10240x128xf32, #tpu.memory_space<vmem_shared>>
      tpu.wait_indirect_dma semaphore(%run_scoped3A : memref<!tpu.dma_semaphore, #tpu.memory_space<semaphore_mem>>) src(%arg9 : memref<80x128xf32, #tpu.memory_space<vmem>>) dst(%dma_wait3A_30 : memref<10240x128xf32, #tpu.memory_space<vmem_shared>>)
      tpu.yield
    }) : () -> ()
    %barrier3A_18 = arith.constant 0 : index
    tpu.barrier barrier_id(%barrier3A_18)
    %scan3A_19 = arith.constant 0 : i32
    %scan3A_20 = arith.constant 0 : i32
    %scan3A_21 = arith.constant 5 : i32
    %scan3A_22 = arith.addi %scan3A_20, %scan3A_21 : i32
    %scan3A_23 = arith.constant 1 : i32
    scf.for %scan3A_25 = %scan3A_20 to %scan3A_22 step %scan3A_23  : i32 {
      %mul3A_26 = arith.constant 640 : i32
      %mul3A_27 = arith.muli %arg1, %mul3A_26 : i32
      %mul3A_28 = arith.constant 128 : i32
      %mul3A_29 = arith.muli %scan3A_25, %mul3A_28 : i32
      %add3A_30 = arith.addi %mul3A_27, %mul3A_29 : i32
      "tpu.region"() ({
        %run_scoped3A = tpu.sem_alloc : memref<!tpu.dma_semaphore, #tpu.memory_space<semaphore_mem>>
        %dma_start3A_31 = arith.constant 0 : i32
        %dma_start3A_32 = tpu.memref_slice %arg14[%add3A_30, %dma_start3A_31] : memref<10240x128xf32, #tpu.memory_space<vmem_shared>> -> memref<128x128xf32, #tpu.memory_space<vmem_shared>>
        %dma_start3A_33 = arith.constant 0 : i32
        %dma_start3A_34 = tpu.memref_slice %arg14[%add3A_30, %dma_start3A_33] : memref<10240x128xf32, #tpu.memory_space<vmem_shared>> -> memref<128x128xf32, #tpu.memory_space<vmem_shared>>
        tpu.enqueue_dma source(%dma_start3A_34 : memref<128x128xf32, #tpu.memory_space<vmem_shared>>) target(%arg13 : memref<128x128xf32, #tpu.memory_space<vmem>>) target_semaphore(%run_scoped3A : memref<!tpu.dma_semaphore, #tpu.memory_space<semaphore_mem>>)
        %dma_wait3A_35 = arith.constant 0 : i32
        %dma_wait3A_36 = tpu.memref_slice %arg14[%add3A_30, %dma_wait3A_35] : memref<10240x128xf32, #tpu.memory_space<vmem_shared>> -> memref<128x128xf32, #tpu.memory_space<vmem_shared>>
        %dma_wait3A_37 = arith.constant 0 : i32
        %dma_wait3A_38 = tpu.memref_slice %arg14[%add3A_30, %dma_wait3A_37] : memref<10240x128xf32, #tpu.memory_space<vmem_shared>> -> memref<128x128xf32, #tpu.memory_space<vmem_shared>>
        tpu.wait_dma2 semaphore(%run_scoped3A : memref<!tpu.dma_semaphore, #tpu.memory_space<semaphore_mem>>) src(%dma_wait3A_38 : memref<128x128xf32, #tpu.memory_space<vmem_shared>>) dst(%arg13 : memref<128x128xf32, #tpu.memory_space<vmem>>)
        tpu.yield
      }) : () -> ()
      "tpu.region"() ({
        %run_scoped3A = tpu.sem_alloc : memref<!tpu.dma_semaphore, #tpu.memory_space<semaphore_mem>>
        %dma_start3A_31 = arith.constant 0 : i32
        %dma_start3A_32 = tpu.memref_slice %arg6[%arg0, %add3A_30, %dma_start3A_31] : memref<2x10240x128xf32, #tpu.memory_space<hbm>> -> memref<1x128x128xf32, #tpu.memory_space<hbm>>
        %dma_start3A_33 = tpu.memref_squeeze %dma_start3A_32 : memref<1x128x128xf32, #tpu.memory_space<hbm>> -> memref<128x128xf32, #tpu.memory_space<hbm>>
        %dma_start3A_34 = arith.constant 0 : i32
        %dma_start3A_35 = tpu.memref_slice %arg6[%arg0, %add3A_30, %dma_start3A_34] : memref<2x10240x128xf32, #tpu.memory_space<hbm>> -> memref<1x128x128xf32, #tpu.memory_space<hbm>>
        %dma_start3A_36 = tpu.memref_squeeze %dma_start3A_35 : memref<1x128x128xf32, #tpu.memory_space<hbm>> -> memref<128x128xf32, #tpu.memory_space<hbm>>
        tpu.enqueue_dma source(%arg13 : memref<128x128xf32, #tpu.memory_space<vmem>>) target(%dma_start3A_36 : memref<128x128xf32, #tpu.memory_space<hbm>>) target_semaphore(%run_scoped3A : memref<!tpu.dma_semaphore, #tpu.memory_space<semaphore_mem>>)
        %dma_wait3A_37 = arith.constant 0 : i32
        %dma_wait3A_38 = tpu.memref_slice %arg6[%arg0, %add3A_30, %dma_wait3A_37] : memref<2x10240x128xf32, #tpu.memory_space<hbm>> -> memref<1x128x128xf32, #tpu.memory_space<hbm>>
        %dma_wait3A_39 = tpu.memref_squeeze %dma_wait3A_38 : memref<1x128x128xf32, #tpu.memory_space<hbm>> -> memref<128x128xf32, #tpu.memory_space<hbm>>
        %dma_wait3A_40 = arith.constant 0 : i32
        %dma_wait3A_41 = tpu.memref_slice %arg6[%arg0, %add3A_30, %dma_wait3A_40] : memref<2x10240x128xf32, #tpu.memory_space<hbm>> -> memref<1x128x128xf32, #tpu.memory_space<hbm>>
        %dma_wait3A_42 = tpu.memref_squeeze %dma_wait3A_41 : memref<1x128x128xf32, #tpu.memory_space<hbm>> -> memref<128x128xf32, #tpu.memory_space<hbm>>
        tpu.wait_dma2 semaphore(%run_scoped3A : memref<!tpu.dma_semaphore, #tpu.memory_space<semaphore_mem>>) src(%arg13 : memref<128x128xf32, #tpu.memory_space<vmem>>) dst(%dma_wait3A_42 : memref<128x128xf32, #tpu.memory_space<hbm>>)
        tpu.yield
      }) : () -> ()
    }
    %scan3A_24 = arith.constant 5 : i32
    return
  }
}

#map = affine_map<(d0, d1) -> (0, 0)>
#map1 = affine_map<(d0, d1) -> (0)>
#map2 = affine_map<(d0, d1) -> (0, 0, 0)>
module attributes {stable_mosaic.version = 14 : i64} {
  func.func @_edge_body(%arg0: i32, %arg1: i32, %arg2: memref<10000x128xf32, #tpu.memory_space<hbm>>, %arg3: memref<320000xi32, #tpu.memory_space<hbm>>, %arg4: memref<320000xi32, #tpu.memory_space<hbm>>, %arg5: memref<128x128xf32, #tpu.memory_space<hbm>>, %arg6: memref<2x10240x128xf32, #tpu.memory_space<hbm>>, %arg7: memref<80xi32, #tpu.memory_space<vmem>>, %arg8: memref<80xi32, #tpu.memory_space<vmem>>, %arg9: memref<80x128xf32, #tpu.memory_space<vmem>>, %arg10: memref<80xi32, #tpu.memory_space<vmem>>, %arg11: memref<80xi32, #tpu.memory_space<vmem>>, %arg12: memref<80x128xf32, #tpu.memory_space<vmem>>, %arg13: memref<128x128xf32, #tpu.memory_space<vmem>>, %arg14: memref<10240x128xf32, #tpu.memory_space<vmem_shared>>, %arg15: memref<!tpu.dma_semaphore, #tpu.memory_space<semaphore_mem>>, %arg16: memref<!tpu.dma_semaphore, #tpu.memory_space<semaphore_mem>>) attributes {dimension_semantics = [#tpu.dimension_semantics<core_parallel>, #tpu.dimension_semantics<subcore_parallel>], iteration_bounds = array<i64: 2, 16>, scalar_prefetch = 0 : i64, scratch_operands = 10 : i64, tpu.core_type = #tpu.core_type<sc_vector_subcore>, window_params = [{transform_indices = #map}, {transform_indices = #map1}, {transform_indices = #map1}, {transform_indices = #map}, {transform_indices = #map2}]} {
    %mul3A = arith.constant 16 : i32
    %mul3A_0 = arith.muli %arg0, %mul3A : i32
    %add3A = arith.addi %mul3A_0, %arg1 : i32
    "tpu.region"() ({
      %run_scoped3A = tpu.sem_alloc : memref<!tpu.dma_semaphore, #tpu.memory_space<semaphore_mem>>
      tpu.enqueue_dma source(%arg5 : memref<128x128xf32, #tpu.memory_space<hbm>>) target(%arg13 : memref<128x128xf32, #tpu.memory_space<vmem>>) target_semaphore(%run_scoped3A : memref<!tpu.dma_semaphore, #tpu.memory_space<semaphore_mem>>)
      tpu.wait_dma2 semaphore(%run_scoped3A : memref<!tpu.dma_semaphore, #tpu.memory_space<semaphore_mem>>) src(%arg5 : memref<128x128xf32, #tpu.memory_space<hbm>>) dst(%arg13 : memref<128x128xf32, #tpu.memory_space<vmem>>)
      tpu.yield
    }) : () -> ()
    %scan3A = arith.constant 0 : i32
    %scan3A_1 = arith.constant 0 : i32
    %scan3A_2 = arith.constant 5 : i32
    %scan3A_3 = arith.addi %scan3A_1, %scan3A_2 : i32
    %scan3A_4 = arith.constant 1 : i32
    scf.for %scan3A_25 = %scan3A_1 to %scan3A_3 step %scan3A_4  : i32 {
      %mul3A_26 = arith.constant 640 : i32
      %mul3A_27 = arith.muli %arg1, %mul3A_26 : i32
      %mul3A_28 = arith.constant 128 : i32
      %mul3A_29 = arith.muli %scan3A_25, %mul3A_28 : i32
      %add3A_30 = arith.addi %mul3A_27, %mul3A_29 : i32
      "tpu.region"() ({
        %run_scoped3A = tpu.sem_alloc : memref<!tpu.dma_semaphore, #tpu.memory_space<semaphore_mem>>
        %dma_start3A_31 = arith.constant 0 : i32
        %dma_start3A_32 = tpu.memref_slice %arg14[%add3A_30, %dma_start3A_31] : memref<10240x128xf32, #tpu.memory_space<vmem_shared>> -> memref<128x128xf32, #tpu.memory_space<vmem_shared>>
        %dma_start3A_33 = arith.constant 0 : i32
        %dma_start3A_34 = tpu.memref_slice %arg14[%add3A_30, %dma_start3A_33] : memref<10240x128xf32, #tpu.memory_space<vmem_shared>> -> memref<128x128xf32, #tpu.memory_space<vmem_shared>>
        tpu.enqueue_dma source(%arg13 : memref<128x128xf32, #tpu.memory_space<vmem>>) target(%dma_start3A_34 : memref<128x128xf32, #tpu.memory_space<vmem_shared>>) target_semaphore(%run_scoped3A : memref<!tpu.dma_semaphore, #tpu.memory_space<semaphore_mem>>)
        %dma_wait3A_35 = arith.constant 0 : i32
        %dma_wait3A_36 = tpu.memref_slice %arg14[%add3A_30, %dma_wait3A_35] : memref<10240x128xf32, #tpu.memory_space<vmem_shared>> -> memref<128x128xf32, #tpu.memory_space<vmem_shared>>
        %dma_wait3A_37 = arith.constant 0 : i32
        %dma_wait3A_38 = tpu.memref_slice %arg14[%add3A_30, %dma_wait3A_37] : memref<10240x128xf32, #tpu.memory_space<vmem_shared>> -> memref<128x128xf32, #tpu.memory_space<vmem_shared>>
        tpu.wait_dma2 semaphore(%run_scoped3A : memref<!tpu.dma_semaphore, #tpu.memory_space<semaphore_mem>>) src(%arg13 : memref<128x128xf32, #tpu.memory_space<vmem>>) dst(%dma_wait3A_38 : memref<128x128xf32, #tpu.memory_space<vmem_shared>>)
        tpu.yield
      }) : () -> ()
    }
    %scan3A_5 = arith.constant 5 : i32
    %barrier3A = arith.constant 0 : index
    tpu.barrier barrier_id(%barrier3A)
    %mul3A_6 = arith.constant 10000 : i32
    %mul3A_7 = arith.muli %add3A, %mul3A_6 : i32
    "tpu.region"() ({
      %run_scoped3A = tpu.sem_alloc : memref<!tpu.dma_semaphore, #tpu.memory_space<semaphore_mem>>
      %dma_start3A_25 = tpu.memref_slice %arg3[%mul3A_7] : memref<320000xi32, #tpu.memory_space<hbm>> -> memref<80xi32, #tpu.memory_space<hbm>>
      %dma_start3A_26 = tpu.memref_slice %arg3[%mul3A_7] : memref<320000xi32, #tpu.memory_space<hbm>> -> memref<80xi32, #tpu.memory_space<hbm>>
      tpu.enqueue_dma source(%dma_start3A_26 : memref<80xi32, #tpu.memory_space<hbm>>) target(%arg7 : memref<80xi32, #tpu.memory_space<vmem>>) target_semaphore(%run_scoped3A : memref<!tpu.dma_semaphore, #tpu.memory_space<semaphore_mem>>)
      %dma_wait3A_27 = tpu.memref_slice %arg3[%mul3A_7] : memref<320000xi32, #tpu.memory_space<hbm>> -> memref<80xi32, #tpu.memory_space<hbm>>
      %dma_wait3A_28 = tpu.memref_slice %arg3[%mul3A_7] : memref<320000xi32, #tpu.memory_space<hbm>> -> memref<80xi32, #tpu.memory_space<hbm>>
      tpu.wait_dma2 semaphore(%run_scoped3A : memref<!tpu.dma_semaphore, #tpu.memory_space<semaphore_mem>>) src(%dma_wait3A_28 : memref<80xi32, #tpu.memory_space<hbm>>) dst(%arg7 : memref<80xi32, #tpu.memory_space<vmem>>)
      tpu.yield
    }) : () -> ()
    "tpu.region"() ({
      %run_scoped3A = tpu.sem_alloc : memref<!tpu.dma_semaphore, #tpu.memory_space<semaphore_mem>>
      %dma_start3A_25 = tpu.memref_slice %arg4[%mul3A_7] : memref<320000xi32, #tpu.memory_space<hbm>> -> memref<80xi32, #tpu.memory_space<hbm>>
      %dma_start3A_26 = tpu.memref_slice %arg4[%mul3A_7] : memref<320000xi32, #tpu.memory_space<hbm>> -> memref<80xi32, #tpu.memory_space<hbm>>
      tpu.enqueue_dma source(%dma_start3A_26 : memref<80xi32, #tpu.memory_space<hbm>>) target(%arg8 : memref<80xi32, #tpu.memory_space<vmem>>) target_semaphore(%run_scoped3A : memref<!tpu.dma_semaphore, #tpu.memory_space<semaphore_mem>>)
      %dma_wait3A_27 = tpu.memref_slice %arg4[%mul3A_7] : memref<320000xi32, #tpu.memory_space<hbm>> -> memref<80xi32, #tpu.memory_space<hbm>>
      %dma_wait3A_28 = tpu.memref_slice %arg4[%mul3A_7] : memref<320000xi32, #tpu.memory_space<hbm>> -> memref<80xi32, #tpu.memory_space<hbm>>
      tpu.wait_dma2 semaphore(%run_scoped3A : memref<!tpu.dma_semaphore, #tpu.memory_space<semaphore_mem>>) src(%dma_wait3A_28 : memref<80xi32, #tpu.memory_space<hbm>>) dst(%arg8 : memref<80xi32, #tpu.memory_space<vmem>>)
      tpu.yield
    }) : () -> ()
    %dma_start3A = arith.constant 0 : i32
    %dma_start3A_8 = arith.constant 0 : i32
    %dma_start3A_9 = tpu.memref_slice %arg2[%dma_start3A, %dma_start3A_8] : memref<10000x128xf32, #tpu.memory_space<hbm>> -> memref<10000x128xf32, #tpu.memory_space<hbm>>
    tpu.enqueue_indirect_dma source(%dma_start3A_9 : memref<10000x128xf32, #tpu.memory_space<hbm>>) target(%arg9 : memref<80x128xf32, #tpu.memory_space<vmem>>) offsets(%arg7 : memref<80xi32, #tpu.memory_space<vmem>>) semaphore(%arg15 : memref<!tpu.dma_semaphore, #tpu.memory_space<semaphore_mem>>)
    %scan3A_10 = arith.constant 0 : i32
    %scan3A_11 = arith.constant 0 : i32
    %scan3A_12 = arith.constant 62 : i32
    %scan3A_13 = arith.addi %scan3A_11, %scan3A_12 : i32
    %scan3A_14 = arith.constant 1 : i32
    scf.for %scan3A_25 = %scan3A_11 to %scan3A_13 step %scan3A_14  : i32 {
      %dma_wait3A_26 = arith.constant 0 : i32
      %dma_wait3A_27 = arith.constant 0 : i32
      %dma_wait3A_28 = tpu.memref_slice %arg2[%dma_wait3A_26, %dma_wait3A_27] : memref<10000x128xf32, #tpu.memory_space<hbm>> -> memref<10000x128xf32, #tpu.memory_space<hbm>>
      tpu.wait_indirect_dma semaphore(%arg15 : memref<!tpu.dma_semaphore, #tpu.memory_space<semaphore_mem>>) src(%dma_wait3A_28 : memref<10000x128xf32, #tpu.memory_space<hbm>>) dst(%arg9 : memref<80x128xf32, #tpu.memory_space<vmem>>)
      %mul3A_29 = arith.constant 2 : i32
      %mul3A_30 = arith.muli %mul3A_29, %scan3A_25 : i32
      %add3A_31 = arith.constant 1 : i32
      %add3A_32 = arith.addi %mul3A_30, %add3A_31 : i32
      %mul3A_33 = arith.constant 80 : i32
      %mul3A_34 = arith.muli %add3A_32, %mul3A_33 : i32
      %add3A_35 = arith.addi %mul3A_7, %mul3A_34 : i32
      "tpu.region"() ({
        %run_scoped3A = tpu.sem_alloc : memref<!tpu.dma_semaphore, #tpu.memory_space<semaphore_mem>>
        %dma_start3A_52 = tpu.memref_slice %arg3[%add3A_35] : memref<320000xi32, #tpu.memory_space<hbm>> -> memref<80xi32, #tpu.memory_space<hbm>>
        %dma_start3A_53 = tpu.memref_slice %arg3[%add3A_35] : memref<320000xi32, #tpu.memory_space<hbm>> -> memref<80xi32, #tpu.memory_space<hbm>>
        tpu.enqueue_dma source(%dma_start3A_53 : memref<80xi32, #tpu.memory_space<hbm>>) target(%arg10 : memref<80xi32, #tpu.memory_space<vmem>>) target_semaphore(%run_scoped3A : memref<!tpu.dma_semaphore, #tpu.memory_space<semaphore_mem>>)
        %dma_wait3A_54 = tpu.memref_slice %arg3[%add3A_35] : memref<320000xi32, #tpu.memory_space<hbm>> -> memref<80xi32, #tpu.memory_space<hbm>>
        %dma_wait3A_55 = tpu.memref_slice %arg3[%add3A_35] : memref<320000xi32, #tpu.memory_space<hbm>> -> memref<80xi32, #tpu.memory_space<hbm>>
        tpu.wait_dma2 semaphore(%run_scoped3A : memref<!tpu.dma_semaphore, #tpu.memory_space<semaphore_mem>>) src(%dma_wait3A_55 : memref<80xi32, #tpu.memory_space<hbm>>) dst(%arg10 : memref<80xi32, #tpu.memory_space<vmem>>)
        tpu.yield
      }) : () -> ()
      "tpu.region"() ({
        %run_scoped3A = tpu.sem_alloc : memref<!tpu.dma_semaphore, #tpu.memory_space<semaphore_mem>>
        %dma_start3A_52 = tpu.memref_slice %arg4[%add3A_35] : memref<320000xi32, #tpu.memory_space<hbm>> -> memref<80xi32, #tpu.memory_space<hbm>>
        %dma_start3A_53 = tpu.memref_slice %arg4[%add3A_35] : memref<320000xi32, #tpu.memory_space<hbm>> -> memref<80xi32, #tpu.memory_space<hbm>>
        tpu.enqueue_dma source(%dma_start3A_53 : memref<80xi32, #tpu.memory_space<hbm>>) target(%arg11 : memref<80xi32, #tpu.memory_space<vmem>>) target_semaphore(%run_scoped3A : memref<!tpu.dma_semaphore, #tpu.memory_space<semaphore_mem>>)
        %dma_wait3A_54 = tpu.memref_slice %arg4[%add3A_35] : memref<320000xi32, #tpu.memory_space<hbm>> -> memref<80xi32, #tpu.memory_space<hbm>>
        %dma_wait3A_55 = tpu.memref_slice %arg4[%add3A_35] : memref<320000xi32, #tpu.memory_space<hbm>> -> memref<80xi32, #tpu.memory_space<hbm>>
        tpu.wait_dma2 semaphore(%run_scoped3A : memref<!tpu.dma_semaphore, #tpu.memory_space<semaphore_mem>>) src(%dma_wait3A_55 : memref<80xi32, #tpu.memory_space<hbm>>) dst(%arg11 : memref<80xi32, #tpu.memory_space<vmem>>)
        tpu.yield
      }) : () -> ()
      %dma_start3A_36 = arith.constant 0 : i32
      %dma_start3A_37 = arith.constant 0 : i32
      %dma_start3A_38 = tpu.memref_slice %arg2[%dma_start3A_36, %dma_start3A_37] : memref<10000x128xf32, #tpu.memory_space<hbm>> -> memref<10000x128xf32, #tpu.memory_space<hbm>>
      tpu.enqueue_indirect_dma source(%dma_start3A_38 : memref<10000x128xf32, #tpu.memory_space<hbm>>) target(%arg12 : memref<80x128xf32, #tpu.memory_space<vmem>>) offsets(%arg10 : memref<80xi32, #tpu.memory_space<vmem>>) semaphore(%arg16 : memref<!tpu.dma_semaphore, #tpu.memory_space<semaphore_mem>>)
      "tpu.region"() ({
        %run_scoped3A = tpu.sem_alloc : memref<!tpu.dma_semaphore, #tpu.memory_space<semaphore_mem>>
        %dma_start3A_52 = arith.constant 0 : i32
        %dma_start3A_53 = arith.constant 0 : i32
        %dma_start3A_54 = tpu.memref_slice %arg14[%dma_start3A_52, %dma_start3A_53] : memref<10240x128xf32, #tpu.memory_space<vmem_shared>> -> memref<10240x128xf32, #tpu.memory_space<vmem_shared>>
        tpu.enqueue_indirect_dma source(%arg9 : memref<80x128xf32, #tpu.memory_space<vmem>>) target(%dma_start3A_54 : memref<10240x128xf32, #tpu.memory_space<vmem_shared>>) offsets(%arg8 : memref<80xi32, #tpu.memory_space<vmem>>) semaphore(%run_scoped3A : memref<!tpu.dma_semaphore, #tpu.memory_space<semaphore_mem>>) {add = true}
        %dma_wait3A_55 = arith.constant 0 : i32
        %dma_wait3A_56 = arith.constant 0 : i32
        %dma_wait3A_57 = tpu.memref_slice %arg14[%dma_wait3A_55, %dma_wait3A_56] : memref<10240x128xf32, #tpu.memory_space<vmem_shared>> -> memref<10240x128xf32, #tpu.memory_space<vmem_shared>>
        tpu.wait_indirect_dma semaphore(%run_scoped3A : memref<!tpu.dma_semaphore, #tpu.memory_space<semaphore_mem>>) src(%arg9 : memref<80x128xf32, #tpu.memory_space<vmem>>) dst(%dma_wait3A_57 : memref<10240x128xf32, #tpu.memory_space<vmem_shared>>)
        tpu.yield
      }) : () -> ()
      %dma_wait3A_39 = arith.constant 0 : i32
      %dma_wait3A_40 = arith.constant 0 : i32
      %dma_wait3A_41 = tpu.memref_slice %arg2[%dma_wait3A_39, %dma_wait3A_40] : memref<10000x128xf32, #tpu.memory_space<hbm>> -> memref<10000x128xf32, #tpu.memory_space<hbm>>
      tpu.wait_indirect_dma semaphore(%arg16 : memref<!tpu.dma_semaphore, #tpu.memory_space<semaphore_mem>>) src(%dma_wait3A_41 : memref<10000x128xf32, #tpu.memory_space<hbm>>) dst(%arg12 : memref<80x128xf32, #tpu.memory_space<vmem>>)
      %mul3A_42 = arith.constant 2 : i32
      %mul3A_43 = arith.muli %mul3A_42, %scan3A_25 : i32
      %add3A_44 = arith.constant 2 : i32
      %add3A_45 = arith.addi %mul3A_43, %add3A_44 : i32
      %mul3A_46 = arith.constant 80 : i32
      %mul3A_47 = arith.muli %add3A_45, %mul3A_46 : i32
      %add3A_48 = arith.addi %mul3A_7, %mul3A_47 : i32
      "tpu.region"() ({
        %run_scoped3A = tpu.sem_alloc : memref<!tpu.dma_semaphore, #tpu.memory_space<semaphore_mem>>
        %dma_start3A_52 = tpu.memref_slice %arg3[%add3A_48] : memref<320000xi32, #tpu.memory_space<hbm>> -> memref<80xi32, #tpu.memory_space<hbm>>
        %dma_start3A_53 = tpu.memref_slice %arg3[%add3A_48] : memref<320000xi32, #tpu.memory_space<hbm>> -> memref<80xi32, #tpu.memory_space<hbm>>
        tpu.enqueue_dma source(%dma_start3A_53 : memref<80xi32, #tpu.memory_space<hbm>>) target(%arg7 : memref<80xi32, #tpu.memory_space<vmem>>) target_semaphore(%run_scoped3A : memref<!tpu.dma_semaphore, #tpu.memory_space<semaphore_mem>>)
        %dma_wait3A_54 = tpu.memref_slice %arg3[%add3A_48] : memref<320000xi32, #tpu.memory_space<hbm>> -> memref<80xi32, #tpu.memory_space<hbm>>
        %dma_wait3A_55 = tpu.memref_slice %arg3[%add3A_48] : memref<320000xi32, #tpu.memory_space<hbm>> -> memref<80xi32, #tpu.memory_space<hbm>>
        tpu.wait_dma2 semaphore(%run_scoped3A : memref<!tpu.dma_semaphore, #tpu.memory_space<semaphore_mem>>) src(%dma_wait3A_55 : memref<80xi32, #tpu.memory_space<hbm>>) dst(%arg7 : memref<80xi32, #tpu.memory_space<vmem>>)
        tpu.yield
      }) : () -> ()
      "tpu.region"() ({
        %run_scoped3A = tpu.sem_alloc : memref<!tpu.dma_semaphore, #tpu.memory_space<semaphore_mem>>
        %dma_start3A_52 = tpu.memref_slice %arg4[%add3A_48] : memref<320000xi32, #tpu.memory_space<hbm>> -> memref<80xi32, #tpu.memory_space<hbm>>
        %dma_start3A_53 = tpu.memref_slice %arg4[%add3A_48] : memref<320000xi32, #tpu.memory_space<hbm>> -> memref<80xi32, #tpu.memory_space<hbm>>
        tpu.enqueue_dma source(%dma_start3A_53 : memref<80xi32, #tpu.memory_space<hbm>>) target(%arg8 : memref<80xi32, #tpu.memory_space<vmem>>) target_semaphore(%run_scoped3A : memref<!tpu.dma_semaphore, #tpu.memory_space<semaphore_mem>>)
        %dma_wait3A_54 = tpu.memref_slice %arg4[%add3A_48] : memref<320000xi32, #tpu.memory_space<hbm>> -> memref<80xi32, #tpu.memory_space<hbm>>
        %dma_wait3A_55 = tpu.memref_slice %arg4[%add3A_48] : memref<320000xi32, #tpu.memory_space<hbm>> -> memref<80xi32, #tpu.memory_space<hbm>>
        tpu.wait_dma2 semaphore(%run_scoped3A : memref<!tpu.dma_semaphore, #tpu.memory_space<semaphore_mem>>) src(%dma_wait3A_55 : memref<80xi32, #tpu.memory_space<hbm>>) dst(%arg8 : memref<80xi32, #tpu.memory_space<vmem>>)
        tpu.yield
      }) : () -> ()
      %dma_start3A_49 = arith.constant 0 : i32
      %dma_start3A_50 = arith.constant 0 : i32
      %dma_start3A_51 = tpu.memref_slice %arg2[%dma_start3A_49, %dma_start3A_50] : memref<10000x128xf32, #tpu.memory_space<hbm>> -> memref<10000x128xf32, #tpu.memory_space<hbm>>
      tpu.enqueue_indirect_dma source(%dma_start3A_51 : memref<10000x128xf32, #tpu.memory_space<hbm>>) target(%arg9 : memref<80x128xf32, #tpu.memory_space<vmem>>) offsets(%arg7 : memref<80xi32, #tpu.memory_space<vmem>>) semaphore(%arg15 : memref<!tpu.dma_semaphore, #tpu.memory_space<semaphore_mem>>)
      "tpu.region"() ({
        %run_scoped3A = tpu.sem_alloc : memref<!tpu.dma_semaphore, #tpu.memory_space<semaphore_mem>>
        %dma_start3A_52 = arith.constant 0 : i32
        %dma_start3A_53 = arith.constant 0 : i32
        %dma_start3A_54 = tpu.memref_slice %arg14[%dma_start3A_52, %dma_start3A_53] : memref<10240x128xf32, #tpu.memory_space<vmem_shared>> -> memref<10240x128xf32, #tpu.memory_space<vmem_shared>>
        tpu.enqueue_indirect_dma source(%arg12 : memref<80x128xf32, #tpu.memory_space<vmem>>) target(%dma_start3A_54 : memref<10240x128xf32, #tpu.memory_space<vmem_shared>>) offsets(%arg11 : memref<80xi32, #tpu.memory_space<vmem>>) semaphore(%run_scoped3A : memref<!tpu.dma_semaphore, #tpu.memory_space<semaphore_mem>>) {add = true}
        %dma_wait3A_55 = arith.constant 0 : i32
        %dma_wait3A_56 = arith.constant 0 : i32
        %dma_wait3A_57 = tpu.memref_slice %arg14[%dma_wait3A_55, %dma_wait3A_56] : memref<10240x128xf32, #tpu.memory_space<vmem_shared>> -> memref<10240x128xf32, #tpu.memory_space<vmem_shared>>
        tpu.wait_indirect_dma semaphore(%run_scoped3A : memref<!tpu.dma_semaphore, #tpu.memory_space<semaphore_mem>>) src(%arg12 : memref<80x128xf32, #tpu.memory_space<vmem>>) dst(%dma_wait3A_57 : memref<10240x128xf32, #tpu.memory_space<vmem_shared>>)
        tpu.yield
      }) : () -> ()
    }
    %scan3A_15 = arith.constant 62 : i32
    %dma_wait3A = arith.constant 0 : i32
    %dma_wait3A_16 = arith.constant 0 : i32
    %dma_wait3A_17 = tpu.memref_slice %arg2[%dma_wait3A, %dma_wait3A_16] : memref<10000x128xf32, #tpu.memory_space<hbm>> -> memref<10000x128xf32, #tpu.memory_space<hbm>>
    tpu.wait_indirect_dma semaphore(%arg15 : memref<!tpu.dma_semaphore, #tpu.memory_space<semaphore_mem>>) src(%dma_wait3A_17 : memref<10000x128xf32, #tpu.memory_space<hbm>>) dst(%arg9 : memref<80x128xf32, #tpu.memory_space<vmem>>)
    "tpu.region"() ({
      %run_scoped3A = tpu.sem_alloc : memref<!tpu.dma_semaphore, #tpu.memory_space<semaphore_mem>>
      %dma_start3A_25 = arith.constant 0 : i32
      %dma_start3A_26 = arith.constant 0 : i32
      %dma_start3A_27 = tpu.memref_slice %arg14[%dma_start3A_25, %dma_start3A_26] : memref<10240x128xf32, #tpu.memory_space<vmem_shared>> -> memref<10240x128xf32, #tpu.memory_space<vmem_shared>>
      tpu.enqueue_indirect_dma source(%arg9 : memref<80x128xf32, #tpu.memory_space<vmem>>) target(%dma_start3A_27 : memref<10240x128xf32, #tpu.memory_space<vmem_shared>>) offsets(%arg8 : memref<80xi32, #tpu.memory_space<vmem>>) semaphore(%run_scoped3A : memref<!tpu.dma_semaphore, #tpu.memory_space<semaphore_mem>>) {add = true}
      %dma_wait3A_28 = arith.constant 0 : i32
      %dma_wait3A_29 = arith.constant 0 : i32
      %dma_wait3A_30 = tpu.memref_slice %arg14[%dma_wait3A_28, %dma_wait3A_29] : memref<10240x128xf32, #tpu.memory_space<vmem_shared>> -> memref<10240x128xf32, #tpu.memory_space<vmem_shared>>
      tpu.wait_indirect_dma semaphore(%run_scoped3A : memref<!tpu.dma_semaphore, #tpu.memory_space<semaphore_mem>>) src(%arg9 : memref<80x128xf32, #tpu.memory_space<vmem>>) dst(%dma_wait3A_30 : memref<10240x128xf32, #tpu.memory_space<vmem_shared>>)
      tpu.yield
    }) : () -> ()
    %barrier3A_18 = arith.constant 0 : index
    tpu.barrier barrier_id(%barrier3A_18)
    %scan3A_19 = arith.constant 0 : i32
    %scan3A_20 = arith.constant 0 : i32
    %scan3A_21 = arith.constant 5 : i32
    %scan3A_22 = arith.addi %scan3A_20, %scan3A_21 : i32
    %scan3A_23 = arith.constant 1 : i32
    scf.for %scan3A_25 = %scan3A_20 to %scan3A_22 step %scan3A_23  : i32 {
      %mul3A_26 = arith.constant 640 : i32
      %mul3A_27 = arith.muli %arg1, %mul3A_26 : i32
      %mul3A_28 = arith.constant 128 : i32
      %mul3A_29 = arith.muli %scan3A_25, %mul3A_28 : i32
      %add3A_30 = arith.addi %mul3A_27, %mul3A_29 : i32
      "tpu.region"() ({
        %run_scoped3A = tpu.sem_alloc : memref<!tpu.dma_semaphore, #tpu.memory_space<semaphore_mem>>
        %dma_start3A_31 = arith.constant 0 : i32
        %dma_start3A_32 = tpu.memref_slice %arg14[%add3A_30, %dma_start3A_31] : memref<10240x128xf32, #tpu.memory_space<vmem_shared>> -> memref<128x128xf32, #tpu.memory_space<vmem_shared>>
        %dma_start3A_33 = arith.constant 0 : i32
        %dma_start3A_34 = tpu.memref_slice %arg14[%add3A_30, %dma_start3A_33] : memref<10240x128xf32, #tpu.memory_space<vmem_shared>> -> memref<128x128xf32, #tpu.memory_space<vmem_shared>>
        tpu.enqueue_dma source(%dma_start3A_34 : memref<128x128xf32, #tpu.memory_space<vmem_shared>>) target(%arg13 : memref<128x128xf32, #tpu.memory_space<vmem>>) target_semaphore(%run_scoped3A : memref<!tpu.dma_semaphore, #tpu.memory_space<semaphore_mem>>)
        %dma_wait3A_35 = arith.constant 0 : i32
        %dma_wait3A_36 = tpu.memref_slice %arg14[%add3A_30, %dma_wait3A_35] : memref<10240x128xf32, #tpu.memory_space<vmem_shared>> -> memref<128x128xf32, #tpu.memory_space<vmem_shared>>
        %dma_wait3A_37 = arith.constant 0 : i32
        %dma_wait3A_38 = tpu.memref_slice %arg14[%add3A_30, %dma_wait3A_37] : memref<10240x128xf32, #tpu.memory_space<vmem_shared>> -> memref<128x128xf32, #tpu.memory_space<vmem_shared>>
        tpu.wait_dma2 semaphore(%run_scoped3A : memref<!tpu.dma_semaphore, #tpu.memory_space<semaphore_mem>>) src(%dma_wait3A_38 : memref<128x128xf32, #tpu.memory_space<vmem_shared>>) dst(%arg13 : memref<128x128xf32, #tpu.memory_space<vmem>>)
        tpu.yield
      }) : () -> ()
      "tpu.region"() ({
        %run_scoped3A = tpu.sem_alloc : memref<!tpu.dma_semaphore, #tpu.memory_space<semaphore_mem>>
        %dma_start3A_31 = arith.constant 0 : i32
        %dma_start3A_32 = tpu.memref_slice %arg6[%arg0, %add3A_30, %dma_start3A_31] : memref<2x10240x128xf32, #tpu.memory_space<hbm>> -> memref<1x128x128xf32, #tpu.memory_space<hbm>>
        %dma_start3A_33 = tpu.memref_squeeze %dma_start3A_32 : memref<1x128x128xf32, #tpu.memory_space<hbm>> -> memref<128x128xf32, #tpu.memory_space<hbm>>
        %dma_start3A_34 = arith.constant 0 : i32
        %dma_start3A_35 = tpu.memref_slice %arg6[%arg0, %add3A_30, %dma_start3A_34] : memref<2x10240x128xf32, #tpu.memory_space<hbm>> -> memref<1x128x128xf32, #tpu.memory_space<hbm>>
        %dma_start3A_36 = tpu.memref_squeeze %dma_start3A_35 : memref<1x128x128xf32, #tpu.memory_space<hbm>> -> memref<128x128xf32, #tpu.memory_space<hbm>>
        tpu.enqueue_dma source(%arg13 : memref<128x128xf32, #tpu.memory_space<vmem>>) target(%dma_start3A_36 : memref<128x128xf32, #tpu.memory_space<hbm>>) target_semaphore(%run_scoped3A : memref<!tpu.dma_semaphore, #tpu.memory_space<semaphore_mem>>)
        %dma_wait3A_37 = arith.constant 0 : i32
        %dma_wait3A_38 = tpu.memref_slice %arg6[%arg0, %add3A_30, %dma_wait3A_37] : memref<2x10240x128xf32, #tpu.memory_space<hbm>> -> memref<1x128x128xf32, #tpu.memory_space<hbm>>
        %dma_wait3A_39 = tpu.memref_squeeze %dma_wait3A_38 : memref<1x128x128xf32, #tpu.memory_space<hbm>> -> memref<128x128xf32, #tpu.memory_space<hbm>>
        %dma_wait3A_40 = arith.constant 0 : i32
        %dma_wait3A_41 = tpu.memref_slice %arg6[%arg0, %add3A_30, %dma_wait3A_40] : memref<2x10240x128xf32, #tpu.memory_space<hbm>> -> memref<1x128x128xf32, #tpu.memory_space<hbm>>
        %dma_wait3A_42 = tpu.memref_squeeze %dma_wait3A_41 : memref<1x128x128xf32, #tpu.memory_space<hbm>> -> memref<128x128xf32, #tpu.memory_space<hbm>>
        tpu.wait_dma2 semaphore(%run_scoped3A : memref<!tpu.dma_semaphore, #tpu.memory_space<semaphore_mem>>) src(%arg13 : memref<128x128xf32, #tpu.memory_space<vmem>>) dst(%dma_wait3A_42 : memref<128x128xf32, #tpu.memory_space<hbm>>)
        tpu.yield
      }) : () -> ()
    }
    %scan3A_24 = arith.constant 5 : i32
    return
  }
}

#map = affine_map<(d0, d1) -> (0)>
#map1 = affine_map<(d0, d1) -> (0, 0)>
#map2 = affine_map<(d0, d1) -> (0, 0, 0)>
module attributes {stable_mosaic.version = 14 : i64} {
  func.func @_deg_body(%arg0: i32, %arg1: i32, %arg2: memref<320000xi32, #tpu.memory_space<hbm>>, %arg3: memref<80x128xf32, #tpu.memory_space<hbm>>, %arg4: memref<128x128xf32, #tpu.memory_space<hbm>>, %arg5: memref<2x10240x128xf32, #tpu.memory_space<hbm>>, %arg6: memref<80xi32, #tpu.memory_space<vmem>>, %arg7: memref<80x128xf32, #tpu.memory_space<vmem>>, %arg8: memref<128x128xf32, #tpu.memory_space<vmem>>, %arg9: memref<10240x128xf32, #tpu.memory_space<vmem_shared>>, %arg10: memref<!tpu.dma_semaphore, #tpu.memory_space<semaphore_mem>>) attributes {dimension_semantics = [#tpu.dimension_semantics<core_parallel>, #tpu.dimension_semantics<subcore_parallel>], iteration_bounds = array<i64: 2, 16>, scalar_prefetch = 0 : i64, scratch_operands = 5 : i64, tpu.core_type = #tpu.core_type<sc_vector_subcore>, window_params = [{transform_indices = #map}, {transform_indices = #map1}, {transform_indices = #map1}, {transform_indices = #map2}]} {
    %mul3A = arith.constant 16 : i32
    %mul3A_0 = arith.muli %arg0, %mul3A : i32
    %add3A = arith.addi %mul3A_0, %arg1 : i32
    "tpu.region"() ({
      %run_scoped3A = tpu.sem_alloc : memref<!tpu.dma_semaphore, #tpu.memory_space<semaphore_mem>>
      tpu.enqueue_dma source(%arg4 : memref<128x128xf32, #tpu.memory_space<hbm>>) target(%arg8 : memref<128x128xf32, #tpu.memory_space<vmem>>) target_semaphore(%run_scoped3A : memref<!tpu.dma_semaphore, #tpu.memory_space<semaphore_mem>>)
      tpu.wait_dma2 semaphore(%run_scoped3A : memref<!tpu.dma_semaphore, #tpu.memory_space<semaphore_mem>>) src(%arg4 : memref<128x128xf32, #tpu.memory_space<hbm>>) dst(%arg8 : memref<128x128xf32, #tpu.memory_space<vmem>>)
      tpu.yield
    }) : () -> ()
    %scan3A = arith.constant 0 : i32
    %scan3A_1 = arith.constant 0 : i32
    %scan3A_2 = arith.constant 5 : i32
    %scan3A_3 = arith.addi %scan3A_1, %scan3A_2 : i32
    %scan3A_4 = arith.constant 1 : i32
    scf.for %scan3A_19 = %scan3A_1 to %scan3A_3 step %scan3A_4  : i32 {
      %mul3A_20 = arith.constant 640 : i32
      %mul3A_21 = arith.muli %arg1, %mul3A_20 : i32
      %mul3A_22 = arith.constant 128 : i32
      %mul3A_23 = arith.muli %scan3A_19, %mul3A_22 : i32
      %add3A_24 = arith.addi %mul3A_21, %mul3A_23 : i32
      "tpu.region"() ({
        %run_scoped3A = tpu.sem_alloc : memref<!tpu.dma_semaphore, #tpu.memory_space<semaphore_mem>>
        %dma_start3A = arith.constant 0 : i32
        %dma_start3A_25 = tpu.memref_slice %arg9[%add3A_24, %dma_start3A] : memref<10240x128xf32, #tpu.memory_space<vmem_shared>> -> memref<128x128xf32, #tpu.memory_space<vmem_shared>>
        %dma_start3A_26 = arith.constant 0 : i32
        %dma_start3A_27 = tpu.memref_slice %arg9[%add3A_24, %dma_start3A_26] : memref<10240x128xf32, #tpu.memory_space<vmem_shared>> -> memref<128x128xf32, #tpu.memory_space<vmem_shared>>
        tpu.enqueue_dma source(%arg8 : memref<128x128xf32, #tpu.memory_space<vmem>>) target(%dma_start3A_27 : memref<128x128xf32, #tpu.memory_space<vmem_shared>>) target_semaphore(%run_scoped3A : memref<!tpu.dma_semaphore, #tpu.memory_space<semaphore_mem>>)
        %dma_wait3A = arith.constant 0 : i32
        %dma_wait3A_28 = tpu.memref_slice %arg9[%add3A_24, %dma_wait3A] : memref<10240x128xf32, #tpu.memory_space<vmem_shared>> -> memref<128x128xf32, #tpu.memory_space<vmem_shared>>
        %dma_wait3A_29 = arith.constant 0 : i32
        %dma_wait3A_30 = tpu.memref_slice %arg9[%add3A_24, %dma_wait3A_29] : memref<10240x128xf32, #tpu.memory_space<vmem_shared>> -> memref<128x128xf32, #tpu.memory_space<vmem_shared>>
        tpu.wait_dma2 semaphore(%run_scoped3A : memref<!tpu.dma_semaphore, #tpu.memory_space<semaphore_mem>>) src(%arg8 : memref<128x128xf32, #tpu.memory_space<vmem>>) dst(%dma_wait3A_30 : memref<128x128xf32, #tpu.memory_space<vmem_shared>>)
        tpu.yield
      }) : () -> ()
    }
    %scan3A_5 = arith.constant 5 : i32
    "tpu.region"() ({
      %run_scoped3A = tpu.sem_alloc : memref<!tpu.dma_semaphore, #tpu.memory_space<semaphore_mem>>
      tpu.enqueue_dma source(%arg3 : memref<80x128xf32, #tpu.memory_space<hbm>>) target(%arg7 : memref<80x128xf32, #tpu.memory_space<vmem>>) target_semaphore(%run_scoped3A : memref<!tpu.dma_semaphore, #tpu.memory_space<semaphore_mem>>)
      tpu.wait_dma2 semaphore(%run_scoped3A : memref<!tpu.dma_semaphore, #tpu.memory_space<semaphore_mem>>) src(%arg3 : memref<80x128xf32, #tpu.memory_space<hbm>>) dst(%arg7 : memref<80x128xf32, #tpu.memory_space<vmem>>)
      tpu.yield
    }) : () -> ()
    %barrier3A = arith.constant 0 : index
    tpu.barrier barrier_id(%barrier3A)
    %scan3A_6 = arith.constant 0 : i32
    %scan3A_7 = arith.constant 0 : i32
    %scan3A_8 = arith.constant 125 : i32
    %scan3A_9 = arith.addi %scan3A_7, %scan3A_8 : i32
    %scan3A_10 = arith.constant 1 : i32
    scf.for %scan3A_19 = %scan3A_7 to %scan3A_9 step %scan3A_10  : i32 {
      %mul3A_20 = arith.constant 10000 : i32
      %mul3A_21 = arith.muli %add3A, %mul3A_20 : i32
      %mul3A_22 = arith.constant 80 : i32
      %mul3A_23 = arith.muli %scan3A_19, %mul3A_22 : i32
      %add3A_24 = arith.addi %mul3A_21, %mul3A_23 : i32
      "tpu.region"() ({
        %run_scoped3A = tpu.sem_alloc : memref<!tpu.dma_semaphore, #tpu.memory_space<semaphore_mem>>
        %dma_start3A = tpu.memref_slice %arg2[%add3A_24] : memref<320000xi32, #tpu.memory_space<hbm>> -> memref<80xi32, #tpu.memory_space<hbm>>
        %dma_start3A_25 = tpu.memref_slice %arg2[%add3A_24] : memref<320000xi32, #tpu.memory_space<hbm>> -> memref<80xi32, #tpu.memory_space<hbm>>
        tpu.enqueue_dma source(%dma_start3A_25 : memref<80xi32, #tpu.memory_space<hbm>>) target(%arg6 : memref<80xi32, #tpu.memory_space<vmem>>) target_semaphore(%run_scoped3A : memref<!tpu.dma_semaphore, #tpu.memory_space<semaphore_mem>>)
        %dma_wait3A = tpu.memref_slice %arg2[%add3A_24] : memref<320000xi32, #tpu.memory_space<hbm>> -> memref<80xi32, #tpu.memory_space<hbm>>
        %dma_wait3A_26 = tpu.memref_slice %arg2[%add3A_24] : memref<320000xi32, #tpu.memory_space<hbm>> -> memref<80xi32, #tpu.memory_space<hbm>>
        tpu.wait_dma2 semaphore(%run_scoped3A : memref<!tpu.dma_semaphore, #tpu.memory_space<semaphore_mem>>) src(%dma_wait3A_26 : memref<80xi32, #tpu.memory_space<hbm>>) dst(%arg6 : memref<80xi32, #tpu.memory_space<vmem>>)
        tpu.yield
      }) : () -> ()
      "tpu.region"() ({
        %run_scoped3A = tpu.sem_alloc : memref<!tpu.dma_semaphore, #tpu.memory_space<semaphore_mem>>
        %dma_start3A = arith.constant 0 : i32
        %dma_start3A_25 = arith.constant 0 : i32
        %dma_start3A_26 = tpu.memref_slice %arg9[%dma_start3A, %dma_start3A_25] : memref<10240x128xf32, #tpu.memory_space<vmem_shared>> -> memref<10240x128xf32, #tpu.memory_space<vmem_shared>>
        tpu.enqueue_indirect_dma source(%arg7 : memref<80x128xf32, #tpu.memory_space<vmem>>) target(%dma_start3A_26 : memref<10240x128xf32, #tpu.memory_space<vmem_shared>>) offsets(%arg6 : memref<80xi32, #tpu.memory_space<vmem>>) semaphore(%run_scoped3A : memref<!tpu.dma_semaphore, #tpu.memory_space<semaphore_mem>>) {add = true}
        %dma_wait3A = arith.constant 0 : i32
        %dma_wait3A_27 = arith.constant 0 : i32
        %dma_wait3A_28 = tpu.memref_slice %arg9[%dma_wait3A, %dma_wait3A_27] : memref<10240x128xf32, #tpu.memory_space<vmem_shared>> -> memref<10240x128xf32, #tpu.memory_space<vmem_shared>>
        tpu.wait_indirect_dma semaphore(%run_scoped3A : memref<!tpu.dma_semaphore, #tpu.memory_space<semaphore_mem>>) src(%arg7 : memref<80x128xf32, #tpu.memory_space<vmem>>) dst(%dma_wait3A_28 : memref<10240x128xf32, #tpu.memory_space<vmem_shared>>)
        tpu.yield
      }) : () -> ()
    }
    %scan3A_11 = arith.constant 125 : i32
    %barrier3A_12 = arith.constant 0 : index
    tpu.barrier barrier_id(%barrier3A_12)
    %scan3A_13 = arith.constant 0 : i32
    %scan3A_14 = arith.constant 0 : i32
    %scan3A_15 = arith.constant 5 : i32
    %scan3A_16 = arith.addi %scan3A_14, %scan3A_15 : i32
    %scan3A_17 = arith.constant 1 : i32
    scf.for %scan3A_19 = %scan3A_14 to %scan3A_16 step %scan3A_17  : i32 {
      %mul3A_20 = arith.constant 640 : i32
      %mul3A_21 = arith.muli %arg1, %mul3A_20 : i32
      %mul3A_22 = arith.constant 128 : i32
      %mul3A_23 = arith.muli %scan3A_19, %mul3A_22 : i32
      %add3A_24 = arith.addi %mul3A_21, %mul3A_23 : i32
      "tpu.region"() ({
        %run_scoped3A = tpu.sem_alloc : memref<!tpu.dma_semaphore, #tpu.memory_space<semaphore_mem>>
        %dma_start3A = arith.constant 0 : i32
        %dma_start3A_25 = tpu.memref_slice %arg9[%add3A_24, %dma_start3A] : memref<10240x128xf32, #tpu.memory_space<vmem_shared>> -> memref<128x128xf32, #tpu.memory_space<vmem_shared>>
        %dma_start3A_26 = arith.constant 0 : i32
        %dma_start3A_27 = tpu.memref_slice %arg9[%add3A_24, %dma_start3A_26] : memref<10240x128xf32, #tpu.memory_space<vmem_shared>> -> memref<128x128xf32, #tpu.memory_space<vmem_shared>>
        tpu.enqueue_dma source(%dma_start3A_27 : memref<128x128xf32, #tpu.memory_space<vmem_shared>>) target(%arg8 : memref<128x128xf32, #tpu.memory_space<vmem>>) target_semaphore(%run_scoped3A : memref<!tpu.dma_semaphore, #tpu.memory_space<semaphore_mem>>)
        %dma_wait3A = arith.constant 0 : i32
        %dma_wait3A_28 = tpu.memref_slice %arg9[%add3A_24, %dma_wait3A] : memref<10240x128xf32, #tpu.memory_space<vmem_shared>> -> memref<128x128xf32, #tpu.memory_space<vmem_shared>>
        %dma_wait3A_29 = arith.constant 0 : i32
        %dma_wait3A_30 = tpu.memref_slice %arg9[%add3A_24, %dma_wait3A_29] : memref<10240x128xf32, #tpu.memory_space<vmem_shared>> -> memref<128x128xf32, #tpu.memory_space<vmem_shared>>
        tpu.wait_dma2 semaphore(%run_scoped3A : memref<!tpu.dma_semaphore, #tpu.memory_space<semaphore_mem>>) src(%dma_wait3A_30 : memref<128x128xf32, #tpu.memory_space<vmem_shared>>) dst(%arg8 : memref<128x128xf32, #tpu.memory_space<vmem>>)
        tpu.yield
      }) : () -> ()
      "tpu.region"() ({
        %run_scoped3A = tpu.sem_alloc : memref<!tpu.dma_semaphore, #tpu.memory_space<semaphore_mem>>
        %dma_start3A = arith.constant 0 : i32
        %dma_start3A_25 = tpu.memref_slice %arg5[%arg0, %add3A_24, %dma_start3A] : memref<2x10240x128xf32, #tpu.memory_space<hbm>> -> memref<1x128x128xf32, #tpu.memory_space<hbm>>
        %dma_start3A_26 = tpu.memref_squeeze %dma_start3A_25 : memref<1x128x128xf32, #tpu.memory_space<hbm>> -> memref<128x128xf32, #tpu.memory_space<hbm>>
        %dma_start3A_27 = arith.constant 0 : i32
        %dma_start3A_28 = tpu.memref_slice %arg5[%arg0, %add3A_24, %dma_start3A_27] : memref<2x10240x128xf32, #tpu.memory_space<hbm>> -> memref<1x128x128xf32, #tpu.memory_space<hbm>>
        %dma_start3A_29 = tpu.memref_squeeze %dma_start3A_28 : memref<1x128x128xf32, #tpu.memory_space<hbm>> -> memref<128x128xf32, #tpu.memory_space<hbm>>
        tpu.enqueue_dma source(%arg8 : memref<128x128xf32, #tpu.memory_space<vmem>>) target(%dma_start3A_29 : memref<128x128xf32, #tpu.memory_space<hbm>>) target_semaphore(%run_scoped3A : memref<!tpu.dma_semaphore, #tpu.memory_space<semaphore_mem>>)
        %dma_wait3A = arith.constant 0 : i32
        %dma_wait3A_30 = tpu.memref_slice %arg5[%arg0, %add3A_24, %dma_wait3A] : memref<2x10240x128xf32, #tpu.memory_space<hbm>> -> memref<1x128x128xf32, #tpu.memory_space<hbm>>
        %dma_wait3A_31 = tpu.memref_squeeze %dma_wait3A_30 : memref<1x128x128xf32, #tpu.memory_space<hbm>> -> memref<128x128xf32, #tpu.memory_space<hbm>>
        %dma_wait3A_32 = arith.constant 0 : i32
        %dma_wait3A_33 = tpu.memref_slice %arg5[%arg0, %add3A_24, %dma_wait3A_32] : memref<2x10240x128xf32, #tpu.memory_space<hbm>> -> memref<1x128x128xf32, #tpu.memory_space<hbm>>
        %dma_wait3A_34 = tpu.memref_squeeze %dma_wait3A_33 : memref<1x128x128xf32, #tpu.memory_space<hbm>> -> memref<128x128xf32, #tpu.memory_space<hbm>>
        tpu.wait_dma2 semaphore(%run_scoped3A : memref<!tpu.dma_semaphore, #tpu.memory_space<semaphore_mem>>) src(%arg8 : memref<128x128xf32, #tpu.memory_space<vmem>>) dst(%dma_wait3A_34 : memref<128x128xf32, #tpu.memory_space<hbm>>)
        tpu.yield
      }) : () -> ()
    }
    %scan3A_18 = arith.constant 5 : i32
    return
  }
}

#map = affine_map<(d0, d1) -> (0, 0)>
#map1 = affine_map<(d0, d1) -> (0)>
#map2 = affine_map<(d0, d1) -> (0, 0, 0)>
module attributes {stable_mosaic.version = 14 : i64} {
  func.func @_edge_body(%arg0: i32, %arg1: i32, %arg2: memref<10000x128xf32, #tpu.memory_space<hbm>>, %arg3: memref<320000xi32, #tpu.memory_space<hbm>>, %arg4: memref<320000xi32, #tpu.memory_space<hbm>>, %arg5: memref<128x128xf32, #tpu.memory_space<hbm>>, %arg6: memref<2x10240x128xf32, #tpu.memory_space<hbm>>, %arg7: memref<80xi32, #tpu.memory_space<vmem>>, %arg8: memref<80xi32, #tpu.memory_space<vmem>>, %arg9: memref<80x128xf32, #tpu.memory_space<vmem>>, %arg10: memref<80xi32, #tpu.memory_space<vmem>>, %arg11: memref<80xi32, #tpu.memory_space<vmem>>, %arg12: memref<80x128xf32, #tpu.memory_space<vmem>>, %arg13: memref<128x128xf32, #tpu.memory_space<vmem>>, %arg14: memref<10240x128xf32, #tpu.memory_space<vmem_shared>>, %arg15: memref<!tpu.dma_semaphore, #tpu.memory_space<semaphore_mem>>, %arg16: memref<!tpu.dma_semaphore, #tpu.memory_space<semaphore_mem>>) attributes {dimension_semantics = [#tpu.dimension_semantics<core_parallel>, #tpu.dimension_semantics<subcore_parallel>], iteration_bounds = array<i64: 2, 16>, scalar_prefetch = 0 : i64, scratch_operands = 10 : i64, tpu.core_type = #tpu.core_type<sc_vector_subcore>, window_params = [{transform_indices = #map}, {transform_indices = #map1}, {transform_indices = #map1}, {transform_indices = #map}, {transform_indices = #map2}]} {
    %mul3A = arith.constant 16 : i32
    %mul3A_0 = arith.muli %arg0, %mul3A : i32
    %add3A = arith.addi %mul3A_0, %arg1 : i32
    "tpu.region"() ({
      %run_scoped3A = tpu.sem_alloc : memref<!tpu.dma_semaphore, #tpu.memory_space<semaphore_mem>>
      tpu.enqueue_dma source(%arg5 : memref<128x128xf32, #tpu.memory_space<hbm>>) target(%arg13 : memref<128x128xf32, #tpu.memory_space<vmem>>) target_semaphore(%run_scoped3A : memref<!tpu.dma_semaphore, #tpu.memory_space<semaphore_mem>>)
      tpu.wait_dma2 semaphore(%run_scoped3A : memref<!tpu.dma_semaphore, #tpu.memory_space<semaphore_mem>>) src(%arg5 : memref<128x128xf32, #tpu.memory_space<hbm>>) dst(%arg13 : memref<128x128xf32, #tpu.memory_space<vmem>>)
      tpu.yield
    }) : () -> ()
    %scan3A = arith.constant 0 : i32
    %scan3A_1 = arith.constant 0 : i32
    %scan3A_2 = arith.constant 5 : i32
    %scan3A_3 = arith.addi %scan3A_1, %scan3A_2 : i32
    %scan3A_4 = arith.constant 1 : i32
    scf.for %scan3A_25 = %scan3A_1 to %scan3A_3 step %scan3A_4  : i32 {
      %mul3A_26 = arith.constant 640 : i32
      %mul3A_27 = arith.muli %arg1, %mul3A_26 : i32
      %mul3A_28 = arith.constant 128 : i32
      %mul3A_29 = arith.muli %scan3A_25, %mul3A_28 : i32
      %add3A_30 = arith.addi %mul3A_27, %mul3A_29 : i32
      "tpu.region"() ({
        %run_scoped3A = tpu.sem_alloc : memref<!tpu.dma_semaphore, #tpu.memory_space<semaphore_mem>>
        %dma_start3A_31 = arith.constant 0 : i32
        %dma_start3A_32 = tpu.memref_slice %arg14[%add3A_30, %dma_start3A_31] : memref<10240x128xf32, #tpu.memory_space<vmem_shared>> -> memref<128x128xf32, #tpu.memory_space<vmem_shared>>
        %dma_start3A_33 = arith.constant 0 : i32
        %dma_start3A_34 = tpu.memref_slice %arg14[%add3A_30, %dma_start3A_33] : memref<10240x128xf32, #tpu.memory_space<vmem_shared>> -> memref<128x128xf32, #tpu.memory_space<vmem_shared>>
        tpu.enqueue_dma source(%arg13 : memref<128x128xf32, #tpu.memory_space<vmem>>) target(%dma_start3A_34 : memref<128x128xf32, #tpu.memory_space<vmem_shared>>) target_semaphore(%run_scoped3A : memref<!tpu.dma_semaphore, #tpu.memory_space<semaphore_mem>>)
        %dma_wait3A_35 = arith.constant 0 : i32
        %dma_wait3A_36 = tpu.memref_slice %arg14[%add3A_30, %dma_wait3A_35] : memref<10240x128xf32, #tpu.memory_space<vmem_shared>> -> memref<128x128xf32, #tpu.memory_space<vmem_shared>>
        %dma_wait3A_37 = arith.constant 0 : i32
        %dma_wait3A_38 = tpu.memref_slice %arg14[%add3A_30, %dma_wait3A_37] : memref<10240x128xf32, #tpu.memory_space<vmem_shared>> -> memref<128x128xf32, #tpu.memory_space<vmem_shared>>
        tpu.wait_dma2 semaphore(%run_scoped3A : memref<!tpu.dma_semaphore, #tpu.memory_space<semaphore_mem>>) src(%arg13 : memref<128x128xf32, #tpu.memory_space<vmem>>) dst(%dma_wait3A_38 : memref<128x128xf32, #tpu.memory_space<vmem_shared>>)
        tpu.yield
      }) : () -> ()
    }
    %scan3A_5 = arith.constant 5 : i32
    %barrier3A = arith.constant 0 : index
    tpu.barrier barrier_id(%barrier3A)
    %mul3A_6 = arith.constant 10000 : i32
    %mul3A_7 = arith.muli %add3A, %mul3A_6 : i32
    "tpu.region"() ({
      %run_scoped3A = tpu.sem_alloc : memref<!tpu.dma_semaphore, #tpu.memory_space<semaphore_mem>>
      %dma_start3A_25 = tpu.memref_slice %arg3[%mul3A_7] : memref<320000xi32, #tpu.memory_space<hbm>> -> memref<80xi32, #tpu.memory_space<hbm>>
      %dma_start3A_26 = tpu.memref_slice %arg3[%mul3A_7] : memref<320000xi32, #tpu.memory_space<hbm>> -> memref<80xi32, #tpu.memory_space<hbm>>
      tpu.enqueue_dma source(%dma_start3A_26 : memref<80xi32, #tpu.memory_space<hbm>>) target(%arg7 : memref<80xi32, #tpu.memory_space<vmem>>) target_semaphore(%run_scoped3A : memref<!tpu.dma_semaphore, #tpu.memory_space<semaphore_mem>>)
      %dma_wait3A_27 = tpu.memref_slice %arg3[%mul3A_7] : memref<320000xi32, #tpu.memory_space<hbm>> -> memref<80xi32, #tpu.memory_space<hbm>>
      %dma_wait3A_28 = tpu.memref_slice %arg3[%mul3A_7] : memref<320000xi32, #tpu.memory_space<hbm>> -> memref<80xi32, #tpu.memory_space<hbm>>
      tpu.wait_dma2 semaphore(%run_scoped3A : memref<!tpu.dma_semaphore, #tpu.memory_space<semaphore_mem>>) src(%dma_wait3A_28 : memref<80xi32, #tpu.memory_space<hbm>>) dst(%arg7 : memref<80xi32, #tpu.memory_space<vmem>>)
      tpu.yield
    }) : () -> ()
    "tpu.region"() ({
      %run_scoped3A = tpu.sem_alloc : memref<!tpu.dma_semaphore, #tpu.memory_space<semaphore_mem>>
      %dma_start3A_25 = tpu.memref_slice %arg4[%mul3A_7] : memref<320000xi32, #tpu.memory_space<hbm>> -> memref<80xi32, #tpu.memory_space<hbm>>
      %dma_start3A_26 = tpu.memref_slice %arg4[%mul3A_7] : memref<320000xi32, #tpu.memory_space<hbm>> -> memref<80xi32, #tpu.memory_space<hbm>>
      tpu.enqueue_dma source(%dma_start3A_26 : memref<80xi32, #tpu.memory_space<hbm>>) target(%arg8 : memref<80xi32, #tpu.memory_space<vmem>>) target_semaphore(%run_scoped3A : memref<!tpu.dma_semaphore, #tpu.memory_space<semaphore_mem>>)
      %dma_wait3A_27 = tpu.memref_slice %arg4[%mul3A_7] : memref<320000xi32, #tpu.memory_space<hbm>> -> memref<80xi32, #tpu.memory_space<hbm>>
      %dma_wait3A_28 = tpu.memref_slice %arg4[%mul3A_7] : memref<320000xi32, #tpu.memory_space<hbm>> -> memref<80xi32, #tpu.memory_space<hbm>>
      tpu.wait_dma2 semaphore(%run_scoped3A : memref<!tpu.dma_semaphore, #tpu.memory_space<semaphore_mem>>) src(%dma_wait3A_28 : memref<80xi32, #tpu.memory_space<hbm>>) dst(%arg8 : memref<80xi32, #tpu.memory_space<vmem>>)
      tpu.yield
    }) : () -> ()
    %dma_start3A = arith.constant 0 : i32
    %dma_start3A_8 = arith.constant 0 : i32
    %dma_start3A_9 = tpu.memref_slice %arg2[%dma_start3A, %dma_start3A_8] : memref<10000x128xf32, #tpu.memory_space<hbm>> -> memref<10000x128xf32, #tpu.memory_space<hbm>>
    tpu.enqueue_indirect_dma source(%dma_start3A_9 : memref<10000x128xf32, #tpu.memory_space<hbm>>) target(%arg9 : memref<80x128xf32, #tpu.memory_space<vmem>>) offsets(%arg7 : memref<80xi32, #tpu.memory_space<vmem>>) semaphore(%arg15 : memref<!tpu.dma_semaphore, #tpu.memory_space<semaphore_mem>>)
    %scan3A_10 = arith.constant 0 : i32
    %scan3A_11 = arith.constant 0 : i32
    %scan3A_12 = arith.constant 62 : i32
    %scan3A_13 = arith.addi %scan3A_11, %scan3A_12 : i32
    %scan3A_14 = arith.constant 1 : i32
    scf.for %scan3A_25 = %scan3A_11 to %scan3A_13 step %scan3A_14  : i32 {
      %dma_wait3A_26 = arith.constant 0 : i32
      %dma_wait3A_27 = arith.constant 0 : i32
      %dma_wait3A_28 = tpu.memref_slice %arg2[%dma_wait3A_26, %dma_wait3A_27] : memref<10000x128xf32, #tpu.memory_space<hbm>> -> memref<10000x128xf32, #tpu.memory_space<hbm>>
      tpu.wait_indirect_dma semaphore(%arg15 : memref<!tpu.dma_semaphore, #tpu.memory_space<semaphore_mem>>) src(%dma_wait3A_28 : memref<10000x128xf32, #tpu.memory_space<hbm>>) dst(%arg9 : memref<80x128xf32, #tpu.memory_space<vmem>>)
      %mul3A_29 = arith.constant 2 : i32
      %mul3A_30 = arith.muli %mul3A_29, %scan3A_25 : i32
      %add3A_31 = arith.constant 1 : i32
      %add3A_32 = arith.addi %mul3A_30, %add3A_31 : i32
      %mul3A_33 = arith.constant 80 : i32
      %mul3A_34 = arith.muli %add3A_32, %mul3A_33 : i32
      %add3A_35 = arith.addi %mul3A_7, %mul3A_34 : i32
      "tpu.region"() ({
        %run_scoped3A = tpu.sem_alloc : memref<!tpu.dma_semaphore, #tpu.memory_space<semaphore_mem>>
        %dma_start3A_52 = tpu.memref_slice %arg3[%add3A_35] : memref<320000xi32, #tpu.memory_space<hbm>> -> memref<80xi32, #tpu.memory_space<hbm>>
        %dma_start3A_53 = tpu.memref_slice %arg3[%add3A_35] : memref<320000xi32, #tpu.memory_space<hbm>> -> memref<80xi32, #tpu.memory_space<hbm>>
        tpu.enqueue_dma source(%dma_start3A_53 : memref<80xi32, #tpu.memory_space<hbm>>) target(%arg10 : memref<80xi32, #tpu.memory_space<vmem>>) target_semaphore(%run_scoped3A : memref<!tpu.dma_semaphore, #tpu.memory_space<semaphore_mem>>)
        %dma_wait3A_54 = tpu.memref_slice %arg3[%add3A_35] : memref<320000xi32, #tpu.memory_space<hbm>> -> memref<80xi32, #tpu.memory_space<hbm>>
        %dma_wait3A_55 = tpu.memref_slice %arg3[%add3A_35] : memref<320000xi32, #tpu.memory_space<hbm>> -> memref<80xi32, #tpu.memory_space<hbm>>
        tpu.wait_dma2 semaphore(%run_scoped3A : memref<!tpu.dma_semaphore, #tpu.memory_space<semaphore_mem>>) src(%dma_wait3A_55 : memref<80xi32, #tpu.memory_space<hbm>>) dst(%arg10 : memref<80xi32, #tpu.memory_space<vmem>>)
        tpu.yield
      }) : () -> ()
      "tpu.region"() ({
        %run_scoped3A = tpu.sem_alloc : memref<!tpu.dma_semaphore, #tpu.memory_space<semaphore_mem>>
        %dma_start3A_52 = tpu.memref_slice %arg4[%add3A_35] : memref<320000xi32, #tpu.memory_space<hbm>> -> memref<80xi32, #tpu.memory_space<hbm>>
        %dma_start3A_53 = tpu.memref_slice %arg4[%add3A_35] : memref<320000xi32, #tpu.memory_space<hbm>> -> memref<80xi32, #tpu.memory_space<hbm>>
        tpu.enqueue_dma source(%dma_start3A_53 : memref<80xi32, #tpu.memory_space<hbm>>) target(%arg11 : memref<80xi32, #tpu.memory_space<vmem>>) target_semaphore(%run_scoped3A : memref<!tpu.dma_semaphore, #tpu.memory_space<semaphore_mem>>)
        %dma_wait3A_54 = tpu.memref_slice %arg4[%add3A_35] : memref<320000xi32, #tpu.memory_space<hbm>> -> memref<80xi32, #tpu.memory_space<hbm>>
        %dma_wait3A_55 = tpu.memref_slice %arg4[%add3A_35] : memref<320000xi32, #tpu.memory_space<hbm>> -> memref<80xi32, #tpu.memory_space<hbm>>
        tpu.wait_dma2 semaphore(%run_scoped3A : memref<!tpu.dma_semaphore, #tpu.memory_space<semaphore_mem>>) src(%dma_wait3A_55 : memref<80xi32, #tpu.memory_space<hbm>>) dst(%arg11 : memref<80xi32, #tpu.memory_space<vmem>>)
        tpu.yield
      }) : () -> ()
      %dma_start3A_36 = arith.constant 0 : i32
      %dma_start3A_37 = arith.constant 0 : i32
      %dma_start3A_38 = tpu.memref_slice %arg2[%dma_start3A_36, %dma_start3A_37] : memref<10000x128xf32, #tpu.memory_space<hbm>> -> memref<10000x128xf32, #tpu.memory_space<hbm>>
      tpu.enqueue_indirect_dma source(%dma_start3A_38 : memref<10000x128xf32, #tpu.memory_space<hbm>>) target(%arg12 : memref<80x128xf32, #tpu.memory_space<vmem>>) offsets(%arg10 : memref<80xi32, #tpu.memory_space<vmem>>) semaphore(%arg16 : memref<!tpu.dma_semaphore, #tpu.memory_space<semaphore_mem>>)
      "tpu.region"() ({
        %run_scoped3A = tpu.sem_alloc : memref<!tpu.dma_semaphore, #tpu.memory_space<semaphore_mem>>
        %dma_start3A_52 = arith.constant 0 : i32
        %dma_start3A_53 = arith.constant 0 : i32
        %dma_start3A_54 = tpu.memref_slice %arg14[%dma_start3A_52, %dma_start3A_53] : memref<10240x128xf32, #tpu.memory_space<vmem_shared>> -> memref<10240x128xf32, #tpu.memory_space<vmem_shared>>
        tpu.enqueue_indirect_dma source(%arg9 : memref<80x128xf32, #tpu.memory_space<vmem>>) target(%dma_start3A_54 : memref<10240x128xf32, #tpu.memory_space<vmem_shared>>) offsets(%arg8 : memref<80xi32, #tpu.memory_space<vmem>>) semaphore(%run_scoped3A : memref<!tpu.dma_semaphore, #tpu.memory_space<semaphore_mem>>) {add = true}
        %dma_wait3A_55 = arith.constant 0 : i32
        %dma_wait3A_56 = arith.constant 0 : i32
        %dma_wait3A_57 = tpu.memref_slice %arg14[%dma_wait3A_55, %dma_wait3A_56] : memref<10240x128xf32, #tpu.memory_space<vmem_shared>> -> memref<10240x128xf32, #tpu.memory_space<vmem_shared>>
        tpu.wait_indirect_dma semaphore(%run_scoped3A : memref<!tpu.dma_semaphore, #tpu.memory_space<semaphore_mem>>) src(%arg9 : memref<80x128xf32, #tpu.memory_space<vmem>>) dst(%dma_wait3A_57 : memref<10240x128xf32, #tpu.memory_space<vmem_shared>>)
        tpu.yield
      }) : () -> ()
      %dma_wait3A_39 = arith.constant 0 : i32
      %dma_wait3A_40 = arith.constant 0 : i32
      %dma_wait3A_41 = tpu.memref_slice %arg2[%dma_wait3A_39, %dma_wait3A_40] : memref<10000x128xf32, #tpu.memory_space<hbm>> -> memref<10000x128xf32, #tpu.memory_space<hbm>>
      tpu.wait_indirect_dma semaphore(%arg16 : memref<!tpu.dma_semaphore, #tpu.memory_space<semaphore_mem>>) src(%dma_wait3A_41 : memref<10000x128xf32, #tpu.memory_space<hbm>>) dst(%arg12 : memref<80x128xf32, #tpu.memory_space<vmem>>)
      %mul3A_42 = arith.constant 2 : i32
      %mul3A_43 = arith.muli %mul3A_42, %scan3A_25 : i32
      %add3A_44 = arith.constant 2 : i32
      %add3A_45 = arith.addi %mul3A_43, %add3A_44 : i32
      %mul3A_46 = arith.constant 80 : i32
      %mul3A_47 = arith.muli %add3A_45, %mul3A_46 : i32
      %add3A_48 = arith.addi %mul3A_7, %mul3A_47 : i32
      "tpu.region"() ({
        %run_scoped3A = tpu.sem_alloc : memref<!tpu.dma_semaphore, #tpu.memory_space<semaphore_mem>>
        %dma_start3A_52 = tpu.memref_slice %arg3[%add3A_48] : memref<320000xi32, #tpu.memory_space<hbm>> -> memref<80xi32, #tpu.memory_space<hbm>>
        %dma_start3A_53 = tpu.memref_slice %arg3[%add3A_48] : memref<320000xi32, #tpu.memory_space<hbm>> -> memref<80xi32, #tpu.memory_space<hbm>>
        tpu.enqueue_dma source(%dma_start3A_53 : memref<80xi32, #tpu.memory_space<hbm>>) target(%arg7 : memref<80xi32, #tpu.memory_space<vmem>>) target_semaphore(%run_scoped3A : memref<!tpu.dma_semaphore, #tpu.memory_space<semaphore_mem>>)
        %dma_wait3A_54 = tpu.memref_slice %arg3[%add3A_48] : memref<320000xi32, #tpu.memory_space<hbm>> -> memref<80xi32, #tpu.memory_space<hbm>>
        %dma_wait3A_55 = tpu.memref_slice %arg3[%add3A_48] : memref<320000xi32, #tpu.memory_space<hbm>> -> memref<80xi32, #tpu.memory_space<hbm>>
        tpu.wait_dma2 semaphore(%run_scoped3A : memref<!tpu.dma_semaphore, #tpu.memory_space<semaphore_mem>>) src(%dma_wait3A_55 : memref<80xi32, #tpu.memory_space<hbm>>) dst(%arg7 : memref<80xi32, #tpu.memory_space<vmem>>)
        tpu.yield
      }) : () -> ()
      "tpu.region"() ({
        %run_scoped3A = tpu.sem_alloc : memref<!tpu.dma_semaphore, #tpu.memory_space<semaphore_mem>>
        %dma_start3A_52 = tpu.memref_slice %arg4[%add3A_48] : memref<320000xi32, #tpu.memory_space<hbm>> -> memref<80xi32, #tpu.memory_space<hbm>>
        %dma_start3A_53 = tpu.memref_slice %arg4[%add3A_48] : memref<320000xi32, #tpu.memory_space<hbm>> -> memref<80xi32, #tpu.memory_space<hbm>>
        tpu.enqueue_dma source(%dma_start3A_53 : memref<80xi32, #tpu.memory_space<hbm>>) target(%arg8 : memref<80xi32, #tpu.memory_space<vmem>>) target_semaphore(%run_scoped3A : memref<!tpu.dma_semaphore, #tpu.memory_space<semaphore_mem>>)
        %dma_wait3A_54 = tpu.memref_slice %arg4[%add3A_48] : memref<320000xi32, #tpu.memory_space<hbm>> -> memref<80xi32, #tpu.memory_space<hbm>>
        %dma_wait3A_55 = tpu.memref_slice %arg4[%add3A_48] : memref<320000xi32, #tpu.memory_space<hbm>> -> memref<80xi32, #tpu.memory_space<hbm>>
        tpu.wait_dma2 semaphore(%run_scoped3A : memref<!tpu.dma_semaphore, #tpu.memory_space<semaphore_mem>>) src(%dma_wait3A_55 : memref<80xi32, #tpu.memory_space<hbm>>) dst(%arg8 : memref<80xi32, #tpu.memory_space<vmem>>)
        tpu.yield
      }) : () -> ()
      %dma_start3A_49 = arith.constant 0 : i32
      %dma_start3A_50 = arith.constant 0 : i32
      %dma_start3A_51 = tpu.memref_slice %arg2[%dma_start3A_49, %dma_start3A_50] : memref<10000x128xf32, #tpu.memory_space<hbm>> -> memref<10000x128xf32, #tpu.memory_space<hbm>>
      tpu.enqueue_indirect_dma source(%dma_start3A_51 : memref<10000x128xf32, #tpu.memory_space<hbm>>) target(%arg9 : memref<80x128xf32, #tpu.memory_space<vmem>>) offsets(%arg7 : memref<80xi32, #tpu.memory_space<vmem>>) semaphore(%arg15 : memref<!tpu.dma_semaphore, #tpu.memory_space<semaphore_mem>>)
      "tpu.region"() ({
        %run_scoped3A = tpu.sem_alloc : memref<!tpu.dma_semaphore, #tpu.memory_space<semaphore_mem>>
        %dma_start3A_52 = arith.constant 0 : i32
        %dma_start3A_53 = arith.constant 0 : i32
        %dma_start3A_54 = tpu.memref_slice %arg14[%dma_start3A_52, %dma_start3A_53] : memref<10240x128xf32, #tpu.memory_space<vmem_shared>> -> memref<10240x128xf32, #tpu.memory_space<vmem_shared>>
        tpu.enqueue_indirect_dma source(%arg12 : memref<80x128xf32, #tpu.memory_space<vmem>>) target(%dma_start3A_54 : memref<10240x128xf32, #tpu.memory_space<vmem_shared>>) offsets(%arg11 : memref<80xi32, #tpu.memory_space<vmem>>) semaphore(%run_scoped3A : memref<!tpu.dma_semaphore, #tpu.memory_space<semaphore_mem>>) {add = true}
        %dma_wait3A_55 = arith.constant 0 : i32
        %dma_wait3A_56 = arith.constant 0 : i32
        %dma_wait3A_57 = tpu.memref_slice %arg14[%dma_wait3A_55, %dma_wait3A_56] : memref<10240x128xf32, #tpu.memory_space<vmem_shared>> -> memref<10240x128xf32, #tpu.memory_space<vmem_shared>>
        tpu.wait_indirect_dma semaphore(%run_scoped3A : memref<!tpu.dma_semaphore, #tpu.memory_space<semaphore_mem>>) src(%arg12 : memref<80x128xf32, #tpu.memory_space<vmem>>) dst(%dma_wait3A_57 : memref<10240x128xf32, #tpu.memory_space<vmem_shared>>)
        tpu.yield
      }) : () -> ()
    }
    %scan3A_15 = arith.constant 62 : i32
    %dma_wait3A = arith.constant 0 : i32
    %dma_wait3A_16 = arith.constant 0 : i32
    %dma_wait3A_17 = tpu.memref_slice %arg2[%dma_wait3A, %dma_wait3A_16] : memref<10000x128xf32, #tpu.memory_space<hbm>> -> memref<10000x128xf32, #tpu.memory_space<hbm>>
    tpu.wait_indirect_dma semaphore(%arg15 : memref<!tpu.dma_semaphore, #tpu.memory_space<semaphore_mem>>) src(%dma_wait3A_17 : memref<10000x128xf32, #tpu.memory_space<hbm>>) dst(%arg9 : memref<80x128xf32, #tpu.memory_space<vmem>>)
    "tpu.region"() ({
      %run_scoped3A = tpu.sem_alloc : memref<!tpu.dma_semaphore, #tpu.memory_space<semaphore_mem>>
      %dma_start3A_25 = arith.constant 0 : i32
      %dma_start3A_26 = arith.constant 0 : i32
      %dma_start3A_27 = tpu.memref_slice %arg14[%dma_start3A_25, %dma_start3A_26] : memref<10240x128xf32, #tpu.memory_space<vmem_shared>> -> memref<10240x128xf32, #tpu.memory_space<vmem_shared>>
      tpu.enqueue_indirect_dma source(%arg9 : memref<80x128xf32, #tpu.memory_space<vmem>>) target(%dma_start3A_27 : memref<10240x128xf32, #tpu.memory_space<vmem_shared>>) offsets(%arg8 : memref<80xi32, #tpu.memory_space<vmem>>) semaphore(%run_scoped3A : memref<!tpu.dma_semaphore, #tpu.memory_space<semaphore_mem>>) {add = true}
      %dma_wait3A_28 = arith.constant 0 : i32
      %dma_wait3A_29 = arith.constant 0 : i32
      %dma_wait3A_30 = tpu.memref_slice %arg14[%dma_wait3A_28, %dma_wait3A_29] : memref<10240x128xf32, #tpu.memory_space<vmem_shared>> -> memref<10240x128xf32, #tpu.memory_space<vmem_shared>>
      tpu.wait_indirect_dma semaphore(%run_scoped3A : memref<!tpu.dma_semaphore, #tpu.memory_space<semaphore_mem>>) src(%arg9 : memref<80x128xf32, #tpu.memory_space<vmem>>) dst(%dma_wait3A_30 : memref<10240x128xf32, #tpu.memory_space<vmem_shared>>)
      tpu.yield
    }) : () -> ()
    %barrier3A_18 = arith.constant 0 : index
    tpu.barrier barrier_id(%barrier3A_18)
    %scan3A_19 = arith.constant 0 : i32
    %scan3A_20 = arith.constant 0 : i32
    %scan3A_21 = arith.constant 5 : i32
    %scan3A_22 = arith.addi %scan3A_20, %scan3A_21 : i32
    %scan3A_23 = arith.constant 1 : i32
    scf.for %scan3A_25 = %scan3A_20 to %scan3A_22 step %scan3A_23  : i32 {
      %mul3A_26 = arith.constant 640 : i32
      %mul3A_27 = arith.muli %arg1, %mul3A_26 : i32
      %mul3A_28 = arith.constant 128 : i32
      %mul3A_29 = arith.muli %scan3A_25, %mul3A_28 : i32
      %add3A_30 = arith.addi %mul3A_27, %mul3A_29 : i32
      "tpu.region"() ({
        %run_scoped3A = tpu.sem_alloc : memref<!tpu.dma_semaphore, #tpu.memory_space<semaphore_mem>>
        %dma_start3A_31 = arith.constant 0 : i32
        %dma_start3A_32 = tpu.memref_slice %arg14[%add3A_30, %dma_start3A_31] : memref<10240x128xf32, #tpu.memory_space<vmem_shared>> -> memref<128x128xf32, #tpu.memory_space<vmem_shared>>
        %dma_start3A_33 = arith.constant 0 : i32
        %dma_start3A_34 = tpu.memref_slice %arg14[%add3A_30, %dma_start3A_33] : memref<10240x128xf32, #tpu.memory_space<vmem_shared>> -> memref<128x128xf32, #tpu.memory_space<vmem_shared>>
        tpu.enqueue_dma source(%dma_start3A_34 : memref<128x128xf32, #tpu.memory_space<vmem_shared>>) target(%arg13 : memref<128x128xf32, #tpu.memory_space<vmem>>) target_semaphore(%run_scoped3A : memref<!tpu.dma_semaphore, #tpu.memory_space<semaphore_mem>>)
        %dma_wait3A_35 = arith.constant 0 : i32
        %dma_wait3A_36 = tpu.memref_slice %arg14[%add3A_30, %dma_wait3A_35] : memref<10240x128xf32, #tpu.memory_space<vmem_shared>> -> memref<128x128xf32, #tpu.memory_space<vmem_shared>>
        %dma_wait3A_37 = arith.constant 0 : i32
        %dma_wait3A_38 = tpu.memref_slice %arg14[%add3A_30, %dma_wait3A_37] : memref<10240x128xf32, #tpu.memory_space<vmem_shared>> -> memref<128x128xf32, #tpu.memory_space<vmem_shared>>
        tpu.wait_dma2 semaphore(%run_scoped3A : memref<!tpu.dma_semaphore, #tpu.memory_space<semaphore_mem>>) src(%dma_wait3A_38 : memref<128x128xf32, #tpu.memory_space<vmem_shared>>) dst(%arg13 : memref<128x128xf32, #tpu.memory_space<vmem>>)
        tpu.yield
      }) : () -> ()
      "tpu.region"() ({
        %run_scoped3A = tpu.sem_alloc : memref<!tpu.dma_semaphore, #tpu.memory_space<semaphore_mem>>
        %dma_start3A_31 = arith.constant 0 : i32
        %dma_start3A_32 = tpu.memref_slice %arg6[%arg0, %add3A_30, %dma_start3A_31] : memref<2x10240x128xf32, #tpu.memory_space<hbm>> -> memref<1x128x128xf32, #tpu.memory_space<hbm>>
        %dma_start3A_33 = tpu.memref_squeeze %dma_start3A_32 : memref<1x128x128xf32, #tpu.memory_space<hbm>> -> memref<128x128xf32, #tpu.memory_space<hbm>>
        %dma_start3A_34 = arith.constant 0 : i32
        %dma_start3A_35 = tpu.memref_slice %arg6[%arg0, %add3A_30, %dma_start3A_34] : memref<2x10240x128xf32, #tpu.memory_space<hbm>> -> memref<1x128x128xf32, #tpu.memory_space<hbm>>
        %dma_start3A_36 = tpu.memref_squeeze %dma_start3A_35 : memref<1x128x128xf32, #tpu.memory_space<hbm>> -> memref<128x128xf32, #tpu.memory_space<hbm>>
        tpu.enqueue_dma source(%arg13 : memref<128x128xf32, #tpu.memory_space<vmem>>) target(%dma_start3A_36 : memref<128x128xf32, #tpu.memory_space<hbm>>) target_semaphore(%run_scoped3A : memref<!tpu.dma_semaphore, #tpu.memory_space<semaphore_mem>>)
        %dma_wait3A_37 = arith.constant 0 : i32
        %dma_wait3A_38 = tpu.memref_slice %arg6[%arg0, %add3A_30, %dma_wait3A_37] : memref<2x10240x128xf32, #tpu.memory_space<hbm>> -> memref<1x128x128xf32, #tpu.memory_space<hbm>>
        %dma_wait3A_39 = tpu.memref_squeeze %dma_wait3A_38 : memref<1x128x128xf32, #tpu.memory_space<hbm>> -> memref<128x128xf32, #tpu.memory_space<hbm>>
        %dma_wait3A_40 = arith.constant 0 : i32
        %dma_wait3A_41 = tpu.memref_slice %arg6[%arg0, %add3A_30, %dma_wait3A_40] : memref<2x10240x128xf32, #tpu.memory_space<hbm>> -> memref<1x128x128xf32, #tpu.memory_space<hbm>>
        %dma_wait3A_42 = tpu.memref_squeeze %dma_wait3A_41 : memref<1x128x128xf32, #tpu.memory_space<hbm>> -> memref<128x128xf32, #tpu.memory_space<hbm>>
        tpu.wait_dma2 semaphore(%run_scoped3A : memref<!tpu.dma_semaphore, #tpu.memory_space<semaphore_mem>>) src(%arg13 : memref<128x128xf32, #tpu.memory_space<vmem>>) dst(%dma_wait3A_42 : memref<128x128xf32, #tpu.memory_space<hbm>>)
        tpu.yield
      }) : () -> ()
    }
    %scan3A_24 = arith.constant 5 : i32
    return
  }
}

module attributes {stable_mosaic.version = 14 : i64} {
  func.func @_prep_body(%arg0: memref<2x10240x128xf32, #tpu.memory_space<vmem>>, %arg1: memref<10000x128xf32, #tpu.memory_space<vmem>>, %arg2: memref<128x128xf32, #tpu.memory_space<vmem>>, %arg3: memref<10000x1xf32, #tpu.memory_space<vmem>>, %arg4: memref<10000x128xf32, #tpu.memory_space<vmem>>) attributes {dimension_semantics = [], scalar_prefetch = 0 : i64, scratch_operands = 0 : i64, tpu.core_type = #tpu.core_type<tc>} {
    %get3A = arith.constant 0 : index
    %get3A_0 = arith.constant 0 : index
    %get3A_1 = arith.constant 0 : index
    %get3A_2 = vector.load %arg0[%get3A, %get3A_0, %get3A_1] : memref<2x10240x128xf32, #tpu.memory_space<vmem>>, vector<1x10240x128xf32>
    %get3A_3 = vector.shape_cast %get3A_2 : vector<1x10240x128xf32> to vector<10240x128xf32>
    %slice3A = vector.extract_strided_slice %get3A_3 {offsets = [0, 0], sizes = [10000, 1], strides = [1, 1]} : vector<10240x128xf32> to vector<10000x1xf32>
    %get3A_4 = arith.constant 1 : index
    %get3A_5 = arith.constant 0 : index
    %get3A_6 = arith.constant 0 : index
    %get3A_7 = vector.load %arg0[%get3A_4, %get3A_5, %get3A_6] : memref<2x10240x128xf32, #tpu.memory_space<vmem>>, vector<1x10240x128xf32>
    %get3A_8 = vector.shape_cast %get3A_7 : vector<1x10240x128xf32> to vector<10240x128xf32>
    %slice3A_9 = vector.extract_strided_slice %get3A_8 {offsets = [0, 0], sizes = [10000, 1], strides = [1, 1]} : vector<10240x128xf32> to vector<10000x1xf32>
    %add3A = arith.addf %slice3A, %slice3A_9 : vector<10000x1xf32>
    %add3A_10 = arith.constant 1.000000e+00 : f32
    %add3A_11 = vector.broadcast %add3A_10 : f32 to vector<10000x1xf32>
    %add3A_12 = arith.addf %add3A, %add3A_11 : vector<10000x1xf32>
    %sqrt3A = math.sqrt %add3A_12 : vector<10000x1xf32>
    %div3A = arith.constant 1.000000e+00 : f32
    %div3A_13 = vector.broadcast %div3A : f32 to vector<10000x1xf32>
    %div3A_14 = arith.divf %div3A_13, %sqrt3A : vector<10000x1xf32>
    %swap3A = arith.constant 0 : index
    %swap3A_15 = arith.constant 0 : index
    %swap3A_16 = vector.load %arg3[%swap3A, %swap3A_15] : memref<10000x1xf32, #tpu.memory_space<vmem>>, vector<10000x1xf32>
    tpu.vector_store %arg3[%swap3A, %swap3A_15], %div3A_14 {strides = array<i32>} : memref<10000x1xf32, #tpu.memory_space<vmem>>, vector<10000x1xf32>,
    %get3A_17 = arith.constant 0 : index
    %get3A_18 = arith.constant 0 : index
    %get3A_19 = vector.load %arg1[%get3A_17, %get3A_18] : memref<10000x128xf32, #tpu.memory_space<vmem>>, vector<10000x128xf32>
    %get3A_20 = arith.constant 0 : index
    %get3A_21 = arith.constant 0 : index
    %get3A_22 = vector.load %arg2[%get3A_20, %get3A_21] : memref<128x128xf32, #tpu.memory_space<vmem>>, vector<128x128xf32>
    %dot_general3A = arith.constant dense<0.000000e+00> : vector<10000x128xf32>
    %dot_general3A_23 = tpu.matmul %get3A_19, %get3A_22, %dot_general3A {dimension_numbers = #tpu.dot_dimension_numbers<[1], [0], [0], [1], [0, 0, 1, 1], [], []>, transpose_lhs_hint = false} : vector<10000x128xf32>, vector<128x128xf32>, vector<10000x128xf32> -> vector<10000x128xf32>
    %mul3A = vector.broadcast %div3A_14 : vector<10000x1xf32> to vector<10000x128xf32>
    %mul3A_24 = arith.mulf %mul3A, %dot_general3A_23 : vector<10000x128xf32>
    %swap3A_25 = arith.constant 0 : index
    %swap3A_26 = arith.constant 0 : index
    %swap3A_27 = vector.load %arg4[%swap3A_25, %swap3A_26] : memref<10000x128xf32, #tpu.memory_space<vmem>>, vector<10000x128xf32>
    tpu.vector_store %arg4[%swap3A_25, %swap3A_26], %mul3A_24 {strides = array<i32>} : memref<10000x128xf32, #tpu.memory_space<vmem>>, vector<10000x128xf32>,
    return
  }
}

module attributes {stable_mosaic.version = 14 : i64} {
  func.func @_mid_body(%arg0: memref<2x10240x128xf32, #tpu.memory_space<vmem>>, %arg1: memref<10000x128xf32, #tpu.memory_space<vmem>>, %arg2: memref<10000x1xf32, #tpu.memory_space<vmem>>, %arg3: memref<1x128xf32, #tpu.memory_space<vmem>>, %arg4: memref<1x128xf32, #tpu.memory_space<vmem>>, %arg5: memref<1x128xf32, #tpu.memory_space<vmem>>, %arg6: memref<128x128xf32, #tpu.memory_space<vmem>>, %arg7: memref<10000x128xf32, #tpu.memory_space<vmem>>) attributes {dimension_semantics = [], scalar_prefetch = 0 : i64, scratch_operands = 0 : i64, tpu.core_type = #tpu.core_type<tc>} {
    %get3A = arith.constant 0 : index
    %get3A_0 = arith.constant 0 : index
    %get3A_1 = vector.load %arg2[%get3A, %get3A_0] : memref<10000x1xf32, #tpu.memory_space<vmem>>, vector<10000x1xf32>
    %get3A_2 = arith.constant 0 : index
    %get3A_3 = arith.constant 0 : index
    %get3A_4 = arith.constant 0 : index
    %get3A_5 = vector.load %arg0[%get3A_2, %get3A_3, %get3A_4] : memref<2x10240x128xf32, #tpu.memory_space<vmem>>, vector<1x10240x128xf32>
    %get3A_6 = vector.shape_cast %get3A_5 : vector<1x10240x128xf32> to vector<10240x128xf32>
    %slice3A = vector.extract_strided_slice %get3A_6 {offsets = [0, 0], sizes = [10000, 128], strides = [1, 1]} : vector<10240x128xf32> to vector<10000x128xf32>
    %get3A_7 = arith.constant 1 : index
    %get3A_8 = arith.constant 0 : index
    %get3A_9 = arith.constant 0 : index
    %get3A_10 = vector.load %arg0[%get3A_7, %get3A_8, %get3A_9] : memref<2x10240x128xf32, #tpu.memory_space<vmem>>, vector<1x10240x128xf32>
    %get3A_11 = vector.shape_cast %get3A_10 : vector<1x10240x128xf32> to vector<10240x128xf32>
    %slice3A_12 = vector.extract_strided_slice %get3A_11 {offsets = [0, 0], sizes = [10000, 128], strides = [1, 1]} : vector<10240x128xf32> to vector<10000x128xf32>
    %add3A = arith.addf %slice3A, %slice3A_12 : vector<10000x128xf32>
    %get3A_13 = arith.constant 0 : index
    %get3A_14 = arith.constant 0 : index
    %get3A_15 = vector.load %arg1[%get3A_13, %get3A_14] : memref<10000x128xf32, #tpu.memory_space<vmem>>, vector<10000x128xf32>
    %add3A_16 = arith.addf %add3A, %get3A_15 : vector<10000x128xf32>
    %mul3A = vector.broadcast %get3A_1 : vector<10000x1xf32> to vector<10000x128xf32>
    %mul3A_17 = arith.mulf %mul3A, %add3A_16 : vector<10000x128xf32>
    %get3A_18 = arith.constant 0 : index
    %get3A_19 = arith.constant 0 : index
    %get3A_20 = vector.load %arg3[%get3A_18, %get3A_19] : memref<1x128xf32, #tpu.memory_space<vmem>>, vector<1x128xf32>
    %add3A_21 = vector.broadcast %get3A_20 : vector<1x128xf32> to vector<10000x128xf32>
    %add3A_22 = arith.addf %mul3A_17, %add3A_21 : vector<10000x128xf32>
    %max3A = arith.constant 0.000000e+00 : f32
    %max3A_23 = vector.broadcast %max3A : f32 to vector<10000x128xf32>
    %max3A_24 = arith.maximumf %add3A_22, %max3A_23 : vector<10000x128xf32>
    %reduce_sum3A = arith.constant dense<0.000000e+00> : vector<128xf32>
    %reduce_sum3A_25 = vector.multi_reduction <add>, %max3A_24, %reduce_sum3A [0] : vector<10000x128xf32> to vector<128xf32>
    %broadcast_in_dim3A = vector.shape_cast %reduce_sum3A_25 : vector<128xf32> to vector<1x128xf32>
    %div3A = arith.constant 1.000000e+04 : f32
    %div3A_26 = vector.broadcast %div3A : f32 to vector<1x128xf32>
    %div3A_27 = arith.divf %broadcast_in_dim3A, %div3A_26 : vector<1x128xf32>
    %sub3A = vector.broadcast %div3A_27 : vector<1x128xf32> to vector<10000x128xf32>
    %sub3A_28 = arith.subf %max3A_24, %sub3A : vector<10000x128xf32>
    %integer_pow3A = arith.mulf %sub3A_28, %sub3A_28 : vector<10000x128xf32>
    %reduce_sum3A_29 = arith.constant dense<0.000000e+00> : vector<128xf32>
    %reduce_sum3A_30 = vector.multi_reduction <add>, %integer_pow3A, %reduce_sum3A_29 [0] : vector<10000x128xf32> to vector<128xf32>
    %broadcast_in_dim3A_31 = vector.shape_cast %reduce_sum3A_30 : vector<128xf32> to vector<1x128xf32>
    %div3A_32 = arith.constant 1.000000e+04 : f32
    %div3A_33 = vector.broadcast %div3A_32 : f32 to vector<1x128xf32>
    %div3A_34 = arith.divf %broadcast_in_dim3A_31, %div3A_33 : vector<1x128xf32>
    %sub3A_35 = vector.broadcast %div3A_27 : vector<1x128xf32> to vector<10000x128xf32>
    %sub3A_36 = arith.subf %max3A_24, %sub3A_35 : vector<10000x128xf32>
    %add3A_37 = arith.constant 9.99999974E-6 : f32
    %add3A_38 = vector.broadcast %add3A_37 : f32 to vector<1x128xf32>
    %add3A_39 = arith.addf %div3A_34, %add3A_38 : vector<1x128xf32>
    %sqrt3A = math.sqrt %add3A_39 : vector<1x128xf32>
    %div3A_40 = vector.broadcast %sqrt3A : vector<1x128xf32> to vector<10000x128xf32>
    %div3A_41 = arith.divf %sub3A_36, %div3A_40 : vector<10000x128xf32>
    %get3A_42 = arith.constant 0 : index
    %get3A_43 = arith.constant 0 : index
    %get3A_44 = vector.load %arg4[%get3A_42, %get3A_43] : memref<1x128xf32, #tpu.memory_space<vmem>>, vector<1x128xf32>
    %mul3A_45 = vector.broadcast %get3A_44 : vector<1x128xf32> to vector<10000x128xf32>
    %mul3A_46 = arith.mulf %div3A_41, %mul3A_45 : vector<10000x128xf32>
    %get3A_47 = arith.constant 0 : index
    %get3A_48 = arith.constant 0 : index
    %get3A_49 = vector.load %arg5[%get3A_47, %get3A_48] : memref<1x128xf32, #tpu.memory_space<vmem>>, vector<1x128xf32>
    %add3A_50 = vector.broadcast %get3A_49 : vector<1x128xf32> to vector<10000x128xf32>
    %add3A_51 = arith.addf %mul3A_46, %add3A_50 : vector<10000x128xf32>
    %get3A_52 = arith.constant 0 : index
    %get3A_53 = arith.constant 0 : index
    %get3A_54 = vector.load %arg2[%get3A_52, %get3A_53] : memref<10000x1xf32, #tpu.memory_space<vmem>>, vector<10000x1xf32>
    %get3A_55 = arith.constant 0 : index
    %get3A_56 = arith.constant 0 : index
    %get3A_57 = vector.load %arg6[%get3A_55, %get3A_56] : memref<128x128xf32, #tpu.memory_space<vmem>>, vector<128x128xf32>
    %dot_general3A = arith.constant dense<0.000000e+00> : vector<10000x128xf32>
    %dot_general3A_58 = tpu.matmul %add3A_51, %get3A_57, %dot_general3A {dimension_numbers = #tpu.dot_dimension_numbers<[1], [0], [0], [1], [0, 0, 1, 1], [], []>, transpose_lhs_hint = false} : vector<10000x128xf32>, vector<128x128xf32>, vector<10000x128xf32> -> vector<10000x128xf32>
    %mul3A_59 = vector.broadcast %get3A_54 : vector<10000x1xf32> to vector<10000x128xf32>
    %mul3A_60 = arith.mulf %mul3A_59, %dot_general3A_58 : vector<10000x128xf32>
    %swap3A = arith.constant 0 : index
    %swap3A_61 = arith.constant 0 : index
    %swap3A_62 = vector.load %arg7[%swap3A, %swap3A_61] : memref<10000x128xf32, #tpu.memory_space<vmem>>, vector<10000x128xf32>
    tpu.vector_store %arg7[%swap3A, %swap3A_61], %mul3A_60 {strides = array<i32>} : memref<10000x128xf32, #tpu.memory_space<vmem>>, vector<10000x128xf32>,
    return
  }
}

module attributes {stable_mosaic.version = 14 : i64} {
  func.func @_final_body(%arg0: memref<2x10240x128xf32, #tpu.memory_space<vmem>>, %arg1: memref<10000x128xf32, #tpu.memory_space<vmem>>, %arg2: memref<10000x1xf32, #tpu.memory_space<vmem>>, %arg3: memref<1x128xf32, #tpu.memory_space<vmem>>, %arg4: memref<1x128xf32, #tpu.memory_space<vmem>>, %arg5: memref<1x128xf32, #tpu.memory_space<vmem>>, %arg6: memref<10000x1xi32, #tpu.memory_space<vmem>>, %arg7: memref<128x128xf32, #tpu.memory_space<vmem>>, %arg8: memref<1x128xf32, #tpu.memory_space<vmem>>, %arg9: memref<128x128xf32, #tpu.memory_space<vmem>>, %arg10: memref<1x128xf32, #tpu.memory_space<vmem>>, %arg11: memref<128x10xf32, #tpu.memory_space<vmem>>, %arg12: memref<1x10xf32, #tpu.memory_space<vmem>>, %arg13: memref<64x10xf32, #tpu.memory_space<vmem>>) attributes {dimension_semantics = [], scalar_prefetch = 0 : i64, scratch_operands = 0 : i64, tpu.core_type = #tpu.core_type<tc>} {
    %get3A = arith.constant 0 : index
    %get3A_0 = arith.constant 0 : index
    %get3A_1 = vector.load %arg2[%get3A, %get3A_0] : memref<10000x1xf32, #tpu.memory_space<vmem>>, vector<10000x1xf32>
    %get3A_2 = arith.constant 0 : index
    %get3A_3 = arith.constant 0 : index
    %get3A_4 = arith.constant 0 : index
    %get3A_5 = vector.load %arg0[%get3A_2, %get3A_3, %get3A_4] : memref<2x10240x128xf32, #tpu.memory_space<vmem>>, vector<1x10240x128xf32>
    %get3A_6 = vector.shape_cast %get3A_5 : vector<1x10240x128xf32> to vector<10240x128xf32>
    %slice3A = vector.extract_strided_slice %get3A_6 {offsets = [0, 0], sizes = [10000, 128], strides = [1, 1]} : vector<10240x128xf32> to vector<10000x128xf32>
    %get3A_7 = arith.constant 1 : index
    %get3A_8 = arith.constant 0 : index
    %get3A_9 = arith.constant 0 : index
    %get3A_10 = vector.load %arg0[%get3A_7, %get3A_8, %get3A_9] : memref<2x10240x128xf32, #tpu.memory_space<vmem>>, vector<1x10240x128xf32>
    %get3A_11 = vector.shape_cast %get3A_10 : vector<1x10240x128xf32> to vector<10240x128xf32>
    %slice3A_12 = vector.extract_strided_slice %get3A_11 {offsets = [0, 0], sizes = [10000, 128], strides = [1, 1]} : vector<10240x128xf32> to vector<10000x128xf32>
    %add3A = arith.addf %slice3A, %slice3A_12 : vector<10000x128xf32>
    %get3A_13 = arith.constant 0 : index
    %get3A_14 = arith.constant 0 : index
    %get3A_15 = vector.load %arg1[%get3A_13, %get3A_14] : memref<10000x128xf32, #tpu.memory_space<vmem>>, vector<10000x128xf32>
    %add3A_16 = arith.addf %add3A, %get3A_15 : vector<10000x128xf32>
    %mul3A = vector.broadcast %get3A_1 : vector<10000x1xf32> to vector<10000x128xf32>
    %mul3A_17 = arith.mulf %mul3A, %add3A_16 : vector<10000x128xf32>
    %get3A_18 = arith.constant 0 : index
    %get3A_19 = arith.constant 0 : index
    %get3A_20 = vector.load %arg3[%get3A_18, %get3A_19] : memref<1x128xf32, #tpu.memory_space<vmem>>, vector<1x128xf32>
    %add3A_21 = vector.broadcast %get3A_20 : vector<1x128xf32> to vector<10000x128xf32>
    %add3A_22 = arith.addf %mul3A_17, %add3A_21 : vector<10000x128xf32>
    %max3A = arith.constant 0.000000e+00 : f32
    %max3A_23 = vector.broadcast %max3A : f32 to vector<10000x128xf32>
    %max3A_24 = arith.maximumf %add3A_22, %max3A_23 : vector<10000x128xf32>
    %reduce_sum3A = arith.constant dense<0.000000e+00> : vector<128xf32>
    %reduce_sum3A_25 = vector.multi_reduction <add>, %max3A_24, %reduce_sum3A [0] : vector<10000x128xf32> to vector<128xf32>
    %broadcast_in_dim3A = vector.shape_cast %reduce_sum3A_25 : vector<128xf32> to vector<1x128xf32>
    %div3A = arith.constant 1.000000e+04 : f32
    %div3A_26 = vector.broadcast %div3A : f32 to vector<1x128xf32>
    %div3A_27 = arith.divf %broadcast_in_dim3A, %div3A_26 : vector<1x128xf32>
    %sub3A = vector.broadcast %div3A_27 : vector<1x128xf32> to vector<10000x128xf32>
    %sub3A_28 = arith.subf %max3A_24, %sub3A : vector<10000x128xf32>
    %integer_pow3A = arith.mulf %sub3A_28, %sub3A_28 : vector<10000x128xf32>
    %reduce_sum3A_29 = arith.constant dense<0.000000e+00> : vector<128xf32>
    %reduce_sum3A_30 = vector.multi_reduction <add>, %integer_pow3A, %reduce_sum3A_29 [0] : vector<10000x128xf32> to vector<128xf32>
    %broadcast_in_dim3A_31 = vector.shape_cast %reduce_sum3A_30 : vector<128xf32> to vector<1x128xf32>
    %div3A_32 = arith.constant 1.000000e+04 : f32
    %div3A_33 = vector.broadcast %div3A_32 : f32 to vector<1x128xf32>
    %div3A_34 = arith.divf %broadcast_in_dim3A_31, %div3A_33 : vector<1x128xf32>
    %sub3A_35 = vector.broadcast %div3A_27 : vector<1x128xf32> to vector<10000x128xf32>
    %sub3A_36 = arith.subf %max3A_24, %sub3A_35 : vector<10000x128xf32>
    %add3A_37 = arith.constant 9.99999974E-6 : f32
    %add3A_38 = vector.broadcast %add3A_37 : f32 to vector<1x128xf32>
    %add3A_39 = arith.addf %div3A_34, %add3A_38 : vector<1x128xf32>
    %sqrt3A = math.sqrt %add3A_39 : vector<1x128xf32>
    %div3A_40 = vector.broadcast %sqrt3A : vector<1x128xf32> to vector<10000x128xf32>
    %div3A_41 = arith.divf %sub3A_36, %div3A_40 : vector<10000x128xf32>
    %get3A_42 = arith.constant 0 : index
    %get3A_43 = arith.constant 0 : index
    %get3A_44 = vector.load %arg4[%get3A_42, %get3A_43] : memref<1x128xf32, #tpu.memory_space<vmem>>, vector<1x128xf32>
    %mul3A_45 = vector.broadcast %get3A_44 : vector<1x128xf32> to vector<10000x128xf32>
    %mul3A_46 = arith.mulf %div3A_41, %mul3A_45 : vector<10000x128xf32>
    %get3A_47 = arith.constant 0 : index
    %get3A_48 = arith.constant 0 : index
    %get3A_49 = vector.load %arg5[%get3A_47, %get3A_48] : memref<1x128xf32, #tpu.memory_space<vmem>>, vector<1x128xf32>
    %add3A_50 = vector.broadcast %get3A_49 : vector<1x128xf32> to vector<10000x128xf32>
    %add3A_51 = arith.addf %mul3A_46, %add3A_50 : vector<10000x128xf32>
    %get3A_52 = arith.constant 0 : index
    %get3A_53 = arith.constant 0 : index
    %get3A_54 = vector.load %arg6[%get3A_52, %get3A_53] : memref<10000x1xi32, #tpu.memory_space<vmem>>, vector<10000x1xi32>
    %iota3A = tpu.iota {dimensions = array<i32: 1>} : vector<1x64xi32>
    %eq3A = vector.broadcast %get3A_54 : vector<10000x1xi32> to vector<10000x64xi32>
    %eq3A_55 = vector.broadcast %iota3A : vector<1x64xi32> to vector<10000x64xi32>
    %eq3A_56 = arith.cmpi eq, %eq3A, %eq3A_55 : vector<10000x64xi32>
    %convert_element_type3A = arith.extui %eq3A_56 : vector<10000x64xi1> to vector<10000x64xi32>
    %convert_element_type3A_57 = arith.sitofp %convert_element_type3A : vector<10000x64xi32> to vector<10000x64xf32>
    %dot_general3A = arith.constant dense<0.000000e+00> : vector<64x128xf32>
    %dot_general3A_58 = tpu.matmul %convert_element_type3A_57, %add3A_51, %dot_general3A {dimension_numbers = #tpu.dot_dimension_numbers<[0], [0], [1], [1], [0, 1, 1, 1], [], []>, transpose_lhs_hint = false} : vector<10000x64xf32>, vector<10000x128xf32>, vector<64x128xf32> -> vector<64x128xf32>
    %broadcast_in_dim3A_59 = arith.constant 1.000000e+00 : f32
    %broadcast_in_dim3A_60 = vector.broadcast %broadcast_in_dim3A_59 : f32 to vector<10000x1xf32>
    %dot_general3A_61 = arith.constant dense<0.000000e+00> : vector<64x1xf32>
    %dot_general3A_62 = tpu.matmul %convert_element_type3A_57, %broadcast_in_dim3A_60, %dot_general3A_61 {dimension_numbers = #tpu.dot_dimension_numbers<[0], [0], [1], [1], [0, 1, 1, 1], [], []>, transpose_lhs_hint = false} : vector<10000x64xf32>, vector<10000x1xf32>, vector<64x1xf32> -> vector<64x1xf32>
    %max3A_63 = arith.constant 1.000000e+00 : f32
    %max3A_64 = vector.broadcast %max3A_63 : f32 to vector<64x1xf32>
    %max3A_65 = arith.maximumf %dot_general3A_62, %max3A_64 : vector<64x1xf32>
    %div3A_66 = vector.broadcast %max3A_65 : vector<64x1xf32> to vector<64x128xf32>
    %div3A_67 = arith.divf %dot_general3A_58, %div3A_66 : vector<64x128xf32>
    %get3A_68 = arith.constant 0 : index
    %get3A_69 = arith.constant 0 : index
    %get3A_70 = vector.load %arg7[%get3A_68, %get3A_69] : memref<128x128xf32, #tpu.memory_space<vmem>>, vector<128x128xf32>
    %dot_general3A_71 = arith.constant dense<0.000000e+00> : vector<64x128xf32>
    %dot_general3A_72 = tpu.matmul %div3A_67, %get3A_70, %dot_general3A_71 {dimension_numbers = #tpu.dot_dimension_numbers<[1], [0], [0], [1], [0, 0, 1, 1], [], []>, transpose_lhs_hint = false} : vector<64x128xf32>, vector<128x128xf32>, vector<64x128xf32> -> vector<64x128xf32>
    %get3A_73 = arith.constant 0 : index
    %get3A_74 = arith.constant 0 : index
    %get3A_75 = vector.load %arg8[%get3A_73, %get3A_74] : memref<1x128xf32, #tpu.memory_space<vmem>>, vector<1x128xf32>
    %add3A_76 = vector.broadcast %get3A_75 : vector<1x128xf32> to vector<64x128xf32>
    %add3A_77 = arith.addf %dot_general3A_72, %add3A_76 : vector<64x128xf32>
    %integer_pow3A_78 = arith.mulf %add3A_77, %add3A_77 : vector<64x128xf32>
    %integer_pow3A_79 = arith.mulf %add3A_77, %integer_pow3A_78 : vector<64x128xf32>
    %mul3A_80 = arith.constant 4.471500e-02 : f32
    %mul3A_81 = vector.broadcast %mul3A_80 : f32 to vector<64x128xf32>
    %mul3A_82 = arith.mulf %mul3A_81, %integer_pow3A_79 : vector<64x128xf32>
    %add3A_83 = arith.addf %add3A_77, %mul3A_82 : vector<64x128xf32>
    %mul3A_84 = arith.constant 0.797884583 : f32
    %mul3A_85 = vector.broadcast %mul3A_84 : f32 to vector<64x128xf32>
    %mul3A_86 = arith.mulf %mul3A_85, %add3A_83 : vector<64x128xf32>
    %tanh3A = math.tanh %mul3A_86 : vector<64x128xf32>
    %add3A_87 = arith.constant 1.000000e+00 : f32
    %add3A_88 = vector.broadcast %add3A_87 : f32 to vector<64x128xf32>
    %add3A_89 = arith.addf %add3A_88, %tanh3A : vector<64x128xf32>
    %mul3A_90 = arith.constant 5.000000e-01 : f32
    %mul3A_91 = vector.broadcast %mul3A_90 : f32 to vector<64x128xf32>
    %mul3A_92 = arith.mulf %mul3A_91, %add3A_89 : vector<64x128xf32>
    %mul3A_93 = arith.mulf %add3A_77, %mul3A_92 : vector<64x128xf32>
    %get3A_94 = arith.constant 0 : index
    %get3A_95 = arith.constant 0 : index
    %get3A_96 = vector.load %arg9[%get3A_94, %get3A_95] : memref<128x128xf32, #tpu.memory_space<vmem>>, vector<128x128xf32>
    %dot_general3A_97 = arith.constant dense<0.000000e+00> : vector<64x128xf32>
    %dot_general3A_98 = tpu.matmul %mul3A_93, %get3A_96, %dot_general3A_97 {dimension_numbers = #tpu.dot_dimension_numbers<[1], [0], [0], [1], [0, 0, 1, 1], [], []>, transpose_lhs_hint = false} : vector<64x128xf32>, vector<128x128xf32>, vector<64x128xf32> -> vector<64x128xf32>
    %get3A_99 = arith.constant 0 : index
    %get3A_100 = arith.constant 0 : index
    %get3A_101 = vector.load %arg10[%get3A_99, %get3A_100] : memref<1x128xf32, #tpu.memory_space<vmem>>, vector<1x128xf32>
    %add3A_102 = vector.broadcast %get3A_101 : vector<1x128xf32> to vector<64x128xf32>
    %add3A_103 = arith.addf %dot_general3A_98, %add3A_102 : vector<64x128xf32>
    %integer_pow3A_104 = arith.mulf %add3A_103, %add3A_103 : vector<64x128xf32>
    %integer_pow3A_105 = arith.mulf %add3A_103, %integer_pow3A_104 : vector<64x128xf32>
    %mul3A_106 = arith.constant 4.471500e-02 : f32
    %mul3A_107 = vector.broadcast %mul3A_106 : f32 to vector<64x128xf32>
    %mul3A_108 = arith.mulf %mul3A_107, %integer_pow3A_105 : vector<64x128xf32>
    %add3A_109 = arith.addf %add3A_103, %mul3A_108 : vector<64x128xf32>
    %mul3A_110 = arith.constant 0.797884583 : f32
    %mul3A_111 = vector.broadcast %mul3A_110 : f32 to vector<64x128xf32>
    %mul3A_112 = arith.mulf %mul3A_111, %add3A_109 : vector<64x128xf32>
    %tanh3A_113 = math.tanh %mul3A_112 : vector<64x128xf32>
    %add3A_114 = arith.constant 1.000000e+00 : f32
    %add3A_115 = vector.broadcast %add3A_114 : f32 to vector<64x128xf32>
    %add3A_116 = arith.addf %add3A_115, %tanh3A_113 : vector<64x128xf32>
    %mul3A_117 = arith.constant 5.000000e-01 : f32
    %mul3A_118 = vector.broadcast %mul3A_117 : f32 to vector<64x128xf32>
    %mul3A_119 = arith.mulf %mul3A_118, %add3A_116 : vector<64x128xf32>
    %mul3A_120 = arith.mulf %add3A_103, %mul3A_119 : vector<64x128xf32>
    %get3A_121 = arith.constant 0 : index
    %get3A_122 = arith.constant 0 : index
    %get3A_123 = vector.load %arg11[%get3A_121, %get3A_122] : memref<128x10xf32, #tpu.memory_space<vmem>>, vector<128x10xf32>
    %dot_general3A_124 = arith.constant dense<0.000000e+00> : vector<64x10xf32>
    %dot_general3A_125 = tpu.matmul %mul3A_120, %get3A_123, %dot_general3A_124 {dimension_numbers = #tpu.dot_dimension_numbers<[1], [0], [0], [1], [0, 0, 1, 1], [], []>, transpose_lhs_hint = false} : vector<64x128xf32>, vector<128x10xf32>, vector<64x10xf32> -> vector<64x10xf32>
    %get3A_126 = arith.constant 0 : index
    %get3A_127 = arith.constant 0 : index
    %get3A_128 = vector.load %arg12[%get3A_126, %get3A_127] : memref<1x10xf32, #tpu.memory_space<vmem>>, vector<1x10xf32>
    %add3A_129 = vector.broadcast %get3A_128 : vector<1x10xf32> to vector<64x10xf32>
    %add3A_130 = arith.addf %dot_general3A_125, %add3A_129 : vector<64x10xf32>
    %swap3A = arith.constant 0 : index
    %swap3A_131 = arith.constant 0 : index
    %swap3A_132 = vector.load %arg13[%swap3A, %swap3A_131] : memref<64x10xf32, #tpu.memory_space<vmem>>, vector<64x10xf32>
    tpu.vector_store %arg13[%swap3A, %swap3A_131], %add3A_130 {strides = array<i32>} : memref<64x10xf32, #tpu.memory_space<vmem>>, vector<64x10xf32>,
    return
  }
}

</mosaic_0001>

<sc_bundles>
// kernel: kernel.10.cloned.1.call-start
scs
__scs_entry_jumppad:
0x0: {  	(pc) =	sbr.rel $0x88, $3  }
0x1: {  	(tag) =	ssettag $0x0;
	lr =	simm.s32 $0x1  }
0x2: {  	[smem:$0x3F8C] =	sst lr;
	_ =	strace $0xD0000000  }
0x3: {  	_ = 	snop  }
0x4: {  	_ = 	snop  }
0x5: {  	_ = 	snop  }
0x6: {  	_ = 	snop  }
0x7: {  	_ = 	snop  }
__scs_overlays_trampoline_lowered:
0x8: {  	[smem:$0x3F9B] =	sst s0  }
0x9: {  	[smem:$0x3F9C] =	sst s1  }
0xa: {  	[smem:$0x3F9D] =	sst s2  }
0xb: {  	[smem:$0x3F9E] =	sst s3  }
0xc: {  	[smem:$0x3F9F] =	sst s4  }
0xd: {  	[smem:$0x3FA0] =	sst s5  }
0xe: {  	[smem:$0x3FA1] =	sst s6  }
0xf: {  	[smem:$0x3FA2] =	sst s7  }
0x10: {  	[smem:$0x3FA3] =	sst s8  }
0x11: {  	[smem:$0x3FA4] =	sst s9;
	s0 =	simm.s32 @!p0 $0x0  }
0x12: {  	s1 =	sld [smem:$0x3F8A];
	s0 =	simm.s32 @p0 $0x1  }
0x13: {  	[smem:$0x3FA5] =	sst s0;
	s0 =	simm.s32 @!p1 $0x0  }
0x14: {  	s2 =	sld [smem:$0x3F89];
	s0 =	simm.s32 @p1 $0x1  }
0x15: {  	[smem:$0x3FA6] =	sst s0;
	s0 =	simm.s32 @!p2 $0x0  }
0x16: {  	s3 =	sld [smem:$0x3FDB];
	s0 =	simm.s32 @p2 $0x1  }
0x17: {  	s4 =	simm.s32 $0x1BF5;
	[smem:$0x3FA8] =	sst s0  }
0x18: {  	s0 =	sld [smem:$0x3F8B];
	_ =	swait.ge [sflag:s4], $0x0  }
0x19: {  	s7 =	sld [smem:$0x3F8C]  }
0x1a: {  	s8 =	sadd.s32 $0xFFFFE003, lr  }
0x1b: {  	s9 =	sadd.s32 $0xFFFFFEF7, lr;
	s5 =	simm.s32 $0xFFFFFFFF;
	p2 =	slt.u32 s8, $0xFFFFF086  }
0x1c: {  	p1 =	slt.u32 s9, $0xF7A;
	s5 =	simm.s32 @!p2 $0x0  }
0x1d: {  	s5 =	simm.s32 @p1 $0x1;
	p0 =	seq.s32 s7, s2  }
0x1e: {  	s7 =	smul.u32 @!p0 $0xF7A, s2;
	p2 =	seq.s32 @!p0 s5, $0x0  }
0x1f: {  	s9 =	smul.u32 $0xF7A, s1;
	s8 =	simm.s32 @!p0 $0x1BF5;
	p2 =	por !p2, p0  }
0x20: {  	[sflag:s8] =	ssyncset.s32 @!p0 $0xFFFFF086;
	s6 =	sadd.s32 @!p0 s3, s7;
	s7 =	simm.s32 @!p0 $0x108  }
0x21: {  	s3 =	sadd.s32 s3, s9;
	s6 =	sadd.s32 @!p0 $0x88, s6;
	s7 =	simm.s32 @p2 $0x1082  }
0x22: {  	[simem:s7], [sflag:s8] =	dma.local @!p0 [hbm:s6], $0xF7A  }
0x23: {  	s9 =	sor.u32 $0xD0000000, s2;
	s6 =	simm.s32 $0x108;
	_ =	swait.ge @!p0 [sflag:s8], $0x0  }
0x24: {  	s3 =	sadd.s32 $0x88, s3;
	s6 =	simm.s32 @!p1 $0x1082;
	[sflag:s4] =	ssyncset.s32 $0xFFFFF086  }
0x25: {  	[simem:s6], [sflag:s4] =	dma.local [hbm:s3], $0xF7A  }
0x26: {  	[smem:$0x3F8C] =	sst s1;
	(tag) =	ssettag s2;
	_ =	strace s9  }
0x27: {  	s1 =	sld [smem:$0x3F9C]  }
0x28: {  	s2 =	sld [smem:$0x3F9D]  }
0x29: {  	s4 =	sld [smem:$0x3F9F]  }
0x2a: {  	p0 =	seq.s32 s5, $0x0;
	s5 =	sld [smem:$0x3FA0]  }
0x2b: {  	s6 =	sld [smem:$0x3FA1]  }
0x2c: {  	s7 =	sld [smem:$0x3FA2]  }
0x2d: {  	s3 =	simm.s32 $0x108;
	s8 =	sld [smem:$0x3FA3]  }
0x2e: {  	s3 =	simm.s32 @!p0 $0x1082;
	s9 =	sld [smem:$0x3FA4]  }
0x2f: {  	lr =	sadd.s32 s0, s3;
	s0 =	sld [smem:$0x3F9B]  }
0x30: {  	s3 =	sld [smem:$0x3F9E]  }
0x31: {  	[smem:$0x3FA7] =	sst s10  }
0x32: {  	s10 =	sld [smem:$0x3FA5];
	_ =	sdelay $0x3  }
0x33: {  	p0 =	seq.s32 s10, $0x1;
	s10 =	sld [smem:$0x3FA7];
	_ =	sdelay $0x3  }
0x34: {  	[smem:$0x3FA7] =	sst s10  }
0x35: {  	s10 =	sld [smem:$0x3FA6];
	_ =	sdelay $0x3  }
0x36: {  	p1 =	seq.s32 s10, $0x1;
	s10 =	sld [smem:$0x3FA7];
	_ =	sdelay $0x3  }
0x37: {  	[smem:$0x3FA7] =	sst s10  }
0x38: {  	s10 =	sld [smem:$0x3FA8]  }
0x39: {  	_ = 	snop;
	(pc) =	sbr.ind lr, $3  }
0x3a: {  	_ = 	snop  }
0x3b: {  	_ = 	snop  }
0x3c: {  	p2 =	seq.s32 s10, $0x1;
	s10 =	sld [smem:$0x3FA7]  }
0x3d: {  	_ =	shalt  }
0x3e: {  	_ =	shalt  }
0x3f: {  	_ =	shalt  }
0x40: {  	_ =	shalt  }
0x41: {  	_ =	shalt  }
0x42: {  	_ =	shalt  }
0x43: {  	_ =	shalt  }
0x44: {  	_ =	shalt  }
0x45: {  	_ =	shalt  }
0x46: {  	_ =	shalt  }
0x47: {  	_ =	shalt  }
0x48: {  	_ =	shalt  }
0x49: {  	_ =	shalt  }
0x4a: {  	_ =	shalt  }
0x4b: {  	_ =	shalt  }
0x4c: {  	_ =	shalt  }
0x4d: {  	_ =	shalt  }
0x4e: {  	_ =	shalt  }
0x4f: {  	_ =	shalt  }
0x50: {  	_ =	shalt  }
0x51: {  	_ =	shalt  }
0x52: {  	_ =	shalt  }
0x53: {  	_ =	shalt  }
0x54: {  	_ =	shalt  }
0x55: {  	_ =	shalt  }
0x56: {  	_ =	shalt  }
0x57: {  	_ =	shalt  }
0x58: {  	_ =	shalt  }
0x59: {  	_ =	shalt  }
0x5a: {  	_ =	shalt  }
0x5b: {  	_ =	shalt  }
0x5c: {  	_ =	shalt  }
0x5d: {  	_ =	shalt  }
0x5e: {  	_ =	shalt  }
0x5f: {  	_ =	shalt  }
0x60: {  	_ =	shalt  }
0x61: {  	_ =	shalt  }
0x62: {  	_ =	shalt  }
0x63: {  	_ =	shalt  }
0x64: {  	_ =	shalt  }
0x65: {  	_ =	shalt  }
0x66: {  	_ =	shalt  }
0x67: {  	_ =	shalt  }
0x68: {  	_ =	shalt  }
0x69: {  	_ =	shalt  }
0x6a: {  	_ =	shalt  }
0x6b: {  	_ =	shalt  }
0x6c: {  	_ =	shalt  }
0x6d: {  	_ =	shalt  }
0x6e: {  	_ =	shalt  }
0x6f: {  	_ =	shalt  }
0x70: {  	_ =	shalt  }
0x71: {  	_ =	shalt  }
0x72: {  	_ =	shalt  }
0x73: {  	_ =	shalt  }
0x74: {  	_ =	shalt  }
0x75: {  	_ =	shalt  }
0x76: {  	_ =	shalt  }
0x77: {  	_ =	shalt  }
0x78: {  	_ =	shalt  }
0x79: {  	_ =	shalt  }
0x7a: {  	_ =	shalt  }
0x7b: {  	_ =	shalt  }
0x7c: {  	_ =	shalt  }
0x7d: {  	_ =	shalt  }
0x7e: {  	_ =	shalt  }
0x7f: {  	_ =	shalt  }
0x80: {  	_ =	shalt  }
0x81: {  	_ =	shalt  }
0x82: {  	_ =	shalt  }
0x83: {  	_ =	shalt  }
0x84: {  	_ =	shalt  }
0x85: {  	_ =	shalt  }
0x86: {  	_ =	shalt  }
0x87: {  	_ =	shalt  }
.Lfunc_end0:
.L_simem_size_0:
called_computation_lowered:
.L_overlay_start_0:
0x88: {  	s2 =	sld [smem:$0x3FD9]  }
0x89: {  	s3 =	sld [smem:$0x3FFE];
	_ =	sdelay $0x1  }
0x8a: {  	s1 =	srdreg.scid  }
0x8b: {  	s0 =	sand.u32 $0x1, s1  }
0x8c: {  	s16 =	sshll.u32 s0, $0xA;
	s2 =	sadd.s32 s3, s2  }
0x8d: {  	s2 =	sadd.s32 s2, s16  }
0x8e: {  	[smem:$0x3FB3] =	sst s2  }
0x8f: {  	_ = 	snop  }
0x90: {  	(tm) =	ssettm $0x1  }
0x91: {  	s17 =	sld [smem:$0x3FFB];
	_ =	sdelay $0x3  }
0x92: {  	_ =	strace s17  }
0x93: {  	s2 =	sld [smem:$0x3FFC];
	_ =	sdelay $0x3  }
0x94: {  	_ =	strace s2  }
0x95: {  	s2 =	sld [smem:$0x3FFD];
	_ =	sdelay $0x3  }
0x96: {  	_ =	strace s2  }
0x97: {  	_ =	strace $0x8FFFFFFF  }
0x98: {  	s18 =	sld [smem:$0x3FDB];
	_ =	sdelay $0x1  }
0x99: {  	s19 =	simm.s32 $_scs_section_size  }
0x9a: {  	s4 =	simm.s32 $_size__tile_overlayer_lowered;
	s5 =	simm.s32 $_tile_overlayer_lowered  }
0x9b: {  	s22 =	simm.s32 $0x1BFF;
	s21 =	sshll.u32 s5, $0x1;
	s2 =	sadd.s32 s19, s18  }
0x9c: {  	s6 =	simm.s32 $0x0;
	s20 =	sshll.u32 s4, $0x1;
	s4 =	sadd.s32 s21, s2  }
0x9d: {  	[timem:s6], [sflag:s22] =	dma.local [hbm:s4], s20  }
0x9e: {  	_ =	swait.ge [sflag:s22], s20  }
0x9f: {  	s3 =	ssub.s32 $0x0, s20;
	[sflag:s22] =	ssyncset.done $0x0  }
0xa0: {  	[sflag:s22] =	ssyncadd.s32 s3;
	_ =	sdelay $0x1  }
0xa1: {  	s23 =	simm.s32 $0x1B8B  }
0xa2: {  	_ =	swait.ge [sflag:s23], $0x1  }
0xa3: {  	[sflag:s23] =	ssyncset.done $0x0  }
0xa4: {  	s25 =	simm.s32 $0x1B8E;
	s24 =	sld [smem:$0x3FFE];
	[sflag:s23] =	ssyncadd.s32 $0xFFFFFFFF  }
0xa5: {  	s26 =	simm.s32 $execute0_lowered;
	[smem:$0x3FD2] =	sst s25  }
0xa6: {  	s4 =	sshll.u32 s26, $0x1;
	_ =	strace $0x80000046;
	[dreg:$0x1] =	wrdreg $0xFFFFFFFF  }
0xa7: {  	s28 =	simm.s32 $_size_execute0_lowered;
	s2 =	sadd.s32 s2, s4;
	[dreg:$0x0] =	wrdreg $0x0  }
0xa8: {  	s4 =	sshll.u32 s28, $0x1;
	[dreg:$0x2] =	wrdreg s2  }
0xa9: {  	[dreg:$0x3] =	wrdreg s4  }
0xaa: {  	[dreg:$0x4] =	wrdreg $0xC0  }
0xab: {  	_ =	task [dreg:s6], $0x5FFFF  }
0xac: {  	[dreg:$0x1] =	wrdreg $0xFFFFFFFF  }
0xad: {  	[dreg:$0x0] =	wrdreg $0x60  }
0xae: {  	[dreg:$0x2] =	wrdreg s24  }
0xaf: {  	[dreg:$0x3] =	wrdreg $0x68800  }
0xb0: {  	[dreg:$0x4] =	wrdreg $0x9  }
0xb1: {  	_ =	task.clear_ibuf [dreg:s6], $0x5FFFF;
	_ =	strace $0x90000046  }
0xb2: {  	s29 =	simm.s32 $0x9;
	_ =	strace $0x80000048  }
0xb3: {  	_ =	swait.ge [sflag:s29], $0x1  }
0xb4: {  	[sflag:s29] =	ssyncadd.s32 $0xFFFFFFFF  }
0xb5: {  	_ =	strace $0x90000048  }
0xb6: {  	_ =	sfence  }
0xb7: {  	s30 =	sld [smem:$0x0];
	_ =	sdelay $0x2  }
0xb8: {  	s31 =	sshll.u32 s1, $0xD;
	s1 =	sshrl.u32 s1, $0x2  }
0xb9: {  	s3 =	sand.u32 $0x4000, s31;
	s1 =	sadd.s32 s1, s30  }
0xba: {  	s0 =	sor.u32 s3, s0;
	s1 =	sshll.u32 s1, $0x11  }
0xbb: {  	s0 =	sor.u32 s1, s0  }
0xbc: {  	s0 =	sadd.s32 $0x8F2B, s0  }
0xbd: {  	[sflag:s0] =	ssyncadd.remote.s32 $0x1  }
0xbe: {  	_ =	sfence.sel $0xFFFF  }
0xbf: {  	[dreg:$0x0] =	wrdreg $0xFFFFFFFF;
	(pc) =	sbr.abs _section_cstart, $3  }
0xc0: {  	[dreg:$0x1] =	wrdreg $0xFFFFFFFF  }
0xc1: {  	_ =	task.clear_ibuf [dreg:s6], $0x2FFFF;
	_ =	strace $0x9FFFFFFF  }
0xc2: {  	(tm) =	ssettm $0x7FFFFFFF  }
0xc3: {  	_ =	shalt  }
tec
execute0_lowered:
.L_overlay_start_1:
0x0: {  	(tag) =	ssettag $0x1  }
0x1: {  	s7 =	rddreg [dreg:$0x0]  }
0x2: {  	s0 =	srdreg.scid;
	s2 =	rddreg [dreg:$0x1]  }
0x3: {  	s1 =	rddreg [dreg:$0x2];
	s6 =	sand.u32 $0x1, s0  }
0x4: {  	s3 =	simm.s32 $0x0;
	s0 =	stileid.u32;
	s4 =	smul.u32 $0x27100, s6  }
0x5: {  	s24 =	simm.s32 $0x80;
	s25 =	simm.s32 $0x50;
	s5 =	smul.u32 $0x2710, s0  }
0x6: {  	s26 =	simm.s32 $0x0;
	[smem:$0x7FF] =	sst s3;
	s9 =	smul.u32 $0x50000, s0  }
0x7: {  	s20 =	sadd.s32 $0x18E00, s7;
	s8 =	ssub.s32 $0x2, s6;
	s17 =	smul.u32 $0x140000, s6  }
0x8: {  	_ =	strace $0x80000047;
	s16 =	smul.u32 $0x14000, s0;
	s10 =	sshrl.u32 s8, $0x1  }
0x9: {  	s4 =	sadd.s32 s5, s4;
	s5 =	sadd.s32 $0x18000, s7;
	s8 =	ssub.s32 s8, s10  }
0xa: {  	s30 =	sshrl.u32 s9, $0x2;
	s11 =	sadd.s32 s17, s16;
	s13 =	sadd.s32 $0x4000, s16  }
0xb: {  	s18 =	sadd.s32 $0x8000, s16;
	s19 =	sadd.s32 $0xC000, s16;
	s22 =	sadd.s32 $0x10000, s16  }
0xc: {  	s4 =	sshrl.u32 s4, $0x3;
	s6 =	sadd.s32 s30, s2;
	s12 =	sshrl.u32 s11, $0x3  }
0xd: {  	s14 =	sadd.s32 s17, s13;
	s13 =	sadd.s32 s13, s2;
	s15 =	sadd.s32 s18, s2  }
0xe: {  	s18 =	sadd.s32 s17, s18;
	s31 =	sadd.s32 s17, s19;
	s23 =	sadd.s32 s17, s22  }
0xf: {  	s17 =	sadd.s32 s19, s2;
	s19 =	sadd.s32 s22, s2;
	s22 =	simm.s32 $0x2880  }
0x10: {  	s21 =	sadd.s32 s4, s7;
	s4 =	sadd.s32 $0x18800, s7;
	s7 =	smax.u32 s8, $0x1  }
0x11: {  	s8 =	sadd.s32 $0x4000, s6;
	s9 =	sadd.s32 $0x8000, s6;
	s10 =	sadd.s32 $0xC000, s6  }
0x12: {  	s11 =	sadd.s32 $0x10000, s6;
	s12 =	sadd.s32 s20, s12;
	s14 =	sshrl.u32 s14, $0x3  }
0x13: {  	s18 =	sshrl.u32 s18, $0x3;
	s23 =	sshrl.u32 s23, $0x3;
	s14 =	sadd.s32 s20, s14  }
0x14: {  	s16 =	sadd.s32 s20, s18;
	s18 =	sshrl.u32 s31, $0x3;
	s21 =	sadd.s32 $0xE200, s21  }
0x15: {  	s18 =	sadd.s32 s20, s18;
	s20 =	sadd.s32 s20, s23;
	s23 =	simm.s32 $0x1  }
.LBB2_1:
0x16: {  	[tilespmem:s22], [sflag:$0x1] =	stream.linear.gather [hbm4b:s5+s3], $0x4000, $0x38;
	[tilespmem:$0x1A880] =	vst v63  }
0x17: {  	_ =	swait.ge [sflag:s23], $0x4000  }
0x18: {  	[sflag:s23] =	ssyncset.done $0x0  }
0x19: {  	[sflag:s23] =	ssyncadd.s32 $0xFFFFC000  }
0x1a: {  	[spmem:s6] =	stream.linear.scatter [tilespmem:s22], [sflag:$0x1], $0x4000, $0x38;
	[tilespmem:$0x1A880] =	vst v63  }
0x1b: {  	_ =	swait.ge [sflag:s23], $0x4000  }
0x1c: {  	[sflag:s23] =	ssyncset.done $0x0  }
0x1d: {  	[sflag:s23] =	ssyncadd.s32 $0xFFFFC000  }
0x1e: {  	[spmem:s8] =	stream.linear.scatter [tilespmem:s22], [sflag:$0x1], $0x4000, $0x38;
	[tilespmem:$0x1A880] =	vst v63  }
0x1f: {  	_ =	swait.ge [sflag:s23], $0x4000  }
0x20: {  	[sflag:s23] =	ssyncset.done $0x0  }
0x21: {  	[sflag:s23] =	ssyncadd.s32 $0xFFFFC000  }
0x22: {  	[spmem:s9] =	stream.linear.scatter [tilespmem:s22], [sflag:$0x1], $0x4000, $0x38;
	[tilespmem:$0x1A880] =	vst v63  }
0x23: {  	_ =	swait.ge [sflag:s23], $0x4000  }
0x24: {  	[sflag:s23] =	ssyncset.done $0x0  }
0x25: {  	[sflag:s23] =	ssyncadd.s32 $0xFFFFC000  }
0x26: {  	[spmem:s10] =	stream.linear.scatter [tilespmem:s22], [sflag:$0x1], $0x4000, $0x38;
	[tilespmem:$0x1A880] =	vst v63  }
0x27: {  	_ =	swait.ge [sflag:s23], $0x4000  }
0x28: {  	[sflag:s23] =	ssyncset.done $0x0  }
0x29: {  	[sflag:s23] =	ssyncadd.s32 $0xFFFFC000  }
0x2a: {  	[spmem:s11] =	stream.linear.scatter [tilespmem:s22], [sflag:$0x1], $0x4000, $0x38;
	[tilespmem:$0x1A880] =	vst v63  }
0x2b: {  	_ =	swait.ge [sflag:s23], $0x4000  }
0x2c: {  	[sflag:s23] =	ssyncset.done $0x0  }
0x2d: {  	[sflag:s23] =	ssyncadd.s32 $0xFFFFC000  }
0x2e: {  	[tilespmem:s24], [sflag:$0x1] =	stream.linear.gather [hbm4b:s4+s3], $0x2800, $0x38;
	[tilespmem:$0x1A880] =	vst v63  }
0x2f: {  	_ =	swait.ge [sflag:s23], $0x2800  }
0x30: {  	[sflag:s23] =	ssyncset.done $0x0  }
0x31: {  	[sflag:s23] =	ssyncadd.s32 $0xFFFFD800  }
0x32: {  	s28 =	sadd.s32 $0x0, s21;
	[bflag:$0x0] =	sbarrier.arrive $0xFFFF  }
0x33: {  	[tilespmem:s3], [sflag:$0x1] =	stream.linear.gather [hbm4b:s28+s3], $0x50, $0x38;
	[tilespmem:$0x1A880] =	vst v63  }
0x34: {  	_ =	swait.ge [sflag:s23], $0x50  }
0x35: {  	[sflag:s23] =	ssyncset.done $0x0  }
0x36: {  	[sflag:s23] =	ssyncadd.s32 $0xFFFFFFB0  }
0x37: {  	[spmem:s2] =	stream.indirect.scatter.add.f32 [tilespmem:s24], [sflag:$0x1], $0x80, s3, s25, $0xb8;
	[tilespmem:$0x1A880] =	vst v63  }
0x38: {  	_ =	swait.ge [sflag:s23], $0x2800  }
0x39: {  	s29 =	simm.s32 $0x14;
	s28 =	simm.s32 $0xA;
	[sflag:s23] =	ssyncset.done $0x0  }
.LBB2_2:
0x3a: {  	s30 =	sadd.s32 s28, s21  }
0x3b: {  	[sflag:s23] =	ssyncadd.s32 $0xFFFFD800;
	s28 =	smov.u32 s29;
	s31 =	sadd.s32 $0xA, s29  }
0x3c: {  	[tilespmem:s3], [sflag:$0x1] =	stream.linear.gather [hbm4b:s30+s3], $0x50, $0x38;
	[tilespmem:$0x1A880] =	vst v63  }
0x3d: {  	p0 =	sne.s32 s29, $0x4D8;
	_ =	swait.ge [sflag:s23], $0x50  }
.Ltmp0:
0x3e: {  	[sflag:s23] =	ssyncset.done $0x0;
	(pc) =	sbr.rel @p0 .LBB2_2-.Ltmp0, $4  }
0x3f: {  	[sflag:s23] =	ssyncadd.s32 $0xFFFFFFB0  }
0x40: {  	[spmem:s2] =	stream.indirect.scatter.add.f32 [tilespmem:s24], [sflag:$0x1], $0x80, s3, s25, $0xb8;
	[tilespmem:$0x1A880] =	vst v63  }
0x41: {  	_ =	swait.ge [sflag:s23], $0x2800  }
0x42: {  	s29 =	smov.u32 s31;
	[sflag:s23] =	ssyncset.done $0x0  }
0x43: {  	s28 =	sadd.s32 s28, s21;
	[sflag:s23] =	ssyncadd.s32 $0xFFFFD800  }
0x44: {  	[tilespmem:s3], [sflag:$0x1] =	stream.linear.gather [hbm4b:s28+s3], $0x50, $0x38;
	[tilespmem:$0x1A880] =	vst v63  }
0x45: {  	_ =	swait.ge [sflag:s23], $0x50  }
0x46: {  	[sflag:s23] =	ssyncset.done $0x0  }
0x47: {  	[sflag:s23] =	ssyncadd.s32 $0xFFFFFFB0  }
0x48: {  	[spmem:s2] =	stream.indirect.scatter.add.f32 [tilespmem:s24], [sflag:$0x1], $0x80, s3, s25, $0xb8;
	[tilespmem:$0x1A880] =	vst v63  }
0x49: {  	_ =	swait.ge [sflag:s23], $0x2800  }
0x4a: {  	[sflag:s23] =	ssyncset.done $0x0  }
0x4b: {  	[sflag:s23] =	ssyncadd.s32 $0xFFFFD800  }
0x4c: {  	[bflag:$0x0] =	sbarrier.arrive $0xFFFF  }
0x4d: {  	[tilespmem:s22], [sflag:$0x1] =	stream.linear.gather [spmem:s6], $0x4000, $0x38;
	[tilespmem:$0x1A880] =	vst v63  }
0x4e: {  	_ =	swait.ge [sflag:s23], $0x4000  }
0x4f: {  	[sflag:s23] =	ssyncset.done $0x0  }
0x50: {  	[sflag:s23] =	ssyncadd.s32 $0xFFFFC000  }
0x51: {  	[hbm4b:s12+s3] =	stream.linear.scatter [tilespmem:s22], [sflag:$0x1], $0x4000, $0x38;
	[tilespmem:$0x1A880] =	vst v63  }
0x52: {  	_ =	swait.ge [sflag:s23], $0x4000  }
0x53: {  	[sflag:s23] =	ssyncset.done $0x0  }
0x54: {  	[sflag:s23] =	ssyncadd.s32 $0xFFFFC000  }
0x55: {  	[tilespmem:s22], [sflag:$0x1] =	stream.linear.gather [spmem:s13], $0x4000, $0x38;
	[tilespmem:$0x1A880] =	vst v63  }
0x56: {  	_ =	swait.ge [sflag:s23], $0x4000  }
0x57: {  	[sflag:s23] =	ssyncset.done $0x0  }
0x58: {  	[sflag:s23] =	ssyncadd.s32 $0xFFFFC000  }
0x59: {  	[hbm4b:s14+s3] =	stream.linear.scatter [tilespmem:s22], [sflag:$0x1], $0x4000, $0x38;
	[tilespmem:$0x1A880] =	vst v63  }
0x5a: {  	_ =	swait.ge [sflag:s23], $0x4000  }
0x5b: {  	[sflag:s23] =	ssyncset.done $0x0  }
0x5c: {  	[sflag:s23] =	ssyncadd.s32 $0xFFFFC000  }
0x5d: {  	[tilespmem:s22], [sflag:$0x1] =	stream.linear.gather [spmem:s15], $0x4000, $0x38;
	[tilespmem:$0x1A880] =	vst v63  }
0x5e: {  	_ =	swait.ge [sflag:s23], $0x4000  }
0x5f: {  	[sflag:s23] =	ssyncset.done $0x0  }
0x60: {  	[sflag:s23] =	ssyncadd.s32 $0xFFFFC000  }
0x61: {  	[hbm4b:s16+s3] =	stream.linear.scatter [tilespmem:s22], [sflag:$0x1], $0x4000, $0x38;
	[tilespmem:$0x1A880] =	vst v63  }
0x62: {  	_ =	swait.ge [sflag:s23], $0x4000  }
0x63: {  	[sflag:s23] =	ssyncset.done $0x0  }
0x64: {  	[sflag:s23] =	ssyncadd.s32 $0xFFFFC000  }
0x65: {  	[tilespmem:s22], [sflag:$0x1] =	stream.linear.gather [spmem:s17], $0x4000, $0x38;
	[tilespmem:$0x1A880] =	vst v63  }
0x66: {  	_ =	swait.ge [sflag:s23], $0x4000  }
0x67: {  	[sflag:s23] =	ssyncset.done $0x0  }
0x68: {  	[sflag:s23] =	ssyncadd.s32 $0xFFFFC000  }
0x69: {  	[hbm4b:s18+s3] =	stream.linear.scatter [tilespmem:s22], [sflag:$0x1], $0x4000, $0x38;
	[tilespmem:$0x1A880] =	vst v63  }
0x6a: {  	_ =	swait.ge [sflag:s23], $0x4000  }
0x6b: {  	[sflag:s23] =	ssyncset.done $0x0  }
0x6c: {  	[sflag:s23] =	ssyncadd.s32 $0xFFFFC000  }
0x6d: {  	[tilespmem:s22], [sflag:$0x1] =	stream.linear.gather [spmem:s19], $0x4000, $0x38;
	[tilespmem:$0x1A880] =	vst v63  }
0x6e: {  	s26 =	sadd.s32 $0x1, s26;
	_ =	swait.ge [sflag:s23], $0x4000  }
0x6f: {  	p0 =	sne.s32 s26, s7;
	[sflag:s23] =	ssyncset.done $0x0  }
.Ltmp1:
0x70: {  	[sflag:s23] =	ssyncadd.s32 $0xFFFFC000;
	(pc) =	sbr.rel @p0 .LBB2_1-.Ltmp1, $4  }
0x71: {  	[hbm4b:s20+s3] =	stream.linear.scatter [tilespmem:s22], [sflag:$0x1], $0x4000, $0x38;
	[tilespmem:$0x1A880] =	vst v63  }
0x72: {  	_ =	swait.ge [sflag:s23], $0x4000  }
0x73: {  	[sflag:s23] =	ssyncset.done $0x0  }
0x74: {  	[sflag:s23] =	ssyncadd.s32 $0xFFFFC000  }
0x75: {  	_ =	sfence.sel $0x180000  }
0x76: {  	[bflag:$0x0] =	sbarrier.arrive $0xFFFF  }
0x77: {  	p0 =	sne.s32 s0, $0x0;
	_ =	strace $0x90000047  }
0x78: {  	s0 =	sadd.s32 @!p0 $0x100000, s1;
	[bflag:$0x2] =	sbarrier.arrive $0xFFFF  }
0x79: {  	[sflag:s0] =	ssyncadd.tile.s32 @!p0 $0x1;
	_ =	shalt  }
.Lfunc_end2:
_tile_overlayer_lowered:
.L_overlay_start_2:
0x7a: {  	(tag) =	ssettag $0x2  }
0x7b: {  	s0 =	rddreg [dreg:$0x0];
	s2 =	stileid.u32  }
0x7c: {  	s1 =	rddreg [dreg:$0x1];
	p0 =	sne.s32 s2, $0x0  }
0x7d: {  	s3 =	rddreg [dreg:$0x2];
	[bflag:$0x3] =	sbarrier.arrive $0xFFFF;
	s2 =	simm.s32 @!p0 $0x1C01  }
0x7e: {  	[timem:s3], [sflag:s2] =	dma.local @!p0 [hbm:s0], s1  }
0x7f: {  	s0 =	simm.s32 @!p0 $0x1  }
0x80: {  	_ =	swait.ge @!p0 [sflag:s0], s1  }
0x81: {  	s1 =	ssub.s32 @!p0 $0x0, s1;
	[sflag:s0] =	ssyncset.done @!p0 $0x0  }
0x82: {  	[sflag:s0] =	ssyncadd.s32 @!p0 s1  }
0x83: {  	[bflag:$0x3] =	sbarrier.arrive $0xFFFF  }
0x84: {  	_ =	shalt  }

// kernel: kernel.13.cloned.1.call-start
scs
__scs_entry_jumppad:
0x0: {  	(pc) =	sbr.rel $0x88, $3  }
0x1: {  	(tag) =	ssettag $0x0;
	lr =	simm.s32 $0x1  }
0x2: {  	[smem:$0x3F8C] =	sst lr;
	_ =	strace $0xD0000000  }
0x3: {  	_ = 	snop  }
0x4: {  	_ = 	snop  }
0x5: {  	_ = 	snop  }
0x6: {  	_ = 	snop  }
0x7: {  	_ = 	snop  }
__scs_overlays_trampoline_lowered:
0x8: {  	[smem:$0x3F9B] =	sst s0  }
0x9: {  	[smem:$0x3F9C] =	sst s1  }
0xa: {  	[smem:$0x3F9D] =	sst s2  }
0xb: {  	[smem:$0x3F9E] =	sst s3  }
0xc: {  	[smem:$0x3F9F] =	sst s4  }
0xd: {  	[smem:$0x3FA0] =	sst s5  }
0xe: {  	[smem:$0x3FA1] =	sst s6  }
0xf: {  	[smem:$0x3FA2] =	sst s7  }
0x10: {  	[smem:$0x3FA3] =	sst s8  }
0x11: {  	[smem:$0x3FA4] =	sst s9;
	s0 =	simm.s32 @!p0 $0x0  }
0x12: {  	s1 =	sld [smem:$0x3F8A];
	s0 =	simm.s32 @p0 $0x1  }
0x13: {  	[smem:$0x3FA5] =	sst s0;
	s0 =	simm.s32 @!p1 $0x0  }
0x14: {  	s2 =	sld [smem:$0x3F89];
	s0 =	simm.s32 @p1 $0x1  }
0x15: {  	[smem:$0x3FA6] =	sst s0;
	s0 =	simm.s32 @!p2 $0x0  }
0x16: {  	s3 =	sld [smem:$0x3FDB];
	s0 =	simm.s32 @p2 $0x1  }
0x17: {  	s4 =	simm.s32 $0x1BF5;
	[smem:$0x3FA8] =	sst s0  }
0x18: {  	s0 =	sld [smem:$0x3F8B];
	_ =	swait.ge [sflag:s4], $0x0  }
0x19: {  	s7 =	sld [smem:$0x3F8C]  }
0x1a: {  	s8 =	sadd.s32 $0xFFFFE003, lr  }
0x1b: {  	s9 =	sadd.s32 $0xFFFFFEF7, lr;
	s5 =	simm.s32 $0xFFFFFFFF;
	p2 =	slt.u32 s8, $0xFFFFF086  }
0x1c: {  	p1 =	slt.u32 s9, $0xF7A;
	s5 =	simm.s32 @!p2 $0x0  }
0x1d: {  	s5 =	simm.s32 @p1 $0x1;
	p0 =	seq.s32 s7, s2  }
0x1e: {  	s7 =	smul.u32 @!p0 $0xF7A, s2;
	p2 =	seq.s32 @!p0 s5, $0x0  }
0x1f: {  	s9 =	smul.u32 $0xF7A, s1;
	s8 =	simm.s32 @!p0 $0x1BF5;
	p2 =	por !p2, p0  }
0x20: {  	[sflag:s8] =	ssyncset.s32 @!p0 $0xFFFFF086;
	s6 =	sadd.s32 @!p0 s3, s7;
	s7 =	simm.s32 @!p0 $0x108  }
0x21: {  	s3 =	sadd.s32 s3, s9;
	s6 =	sadd.s32 @!p0 $0x88, s6;
	s7 =	simm.s32 @p2 $0x1082  }
0x22: {  	[simem:s7], [sflag:s8] =	dma.local @!p0 [hbm:s6], $0xF7A  }
0x23: {  	s9 =	sor.u32 $0xD0000000, s2;
	s6 =	simm.s32 $0x108;
	_ =	swait.ge @!p0 [sflag:s8], $0x0  }
0x24: {  	s3 =	sadd.s32 $0x88, s3;
	s6 =	simm.s32 @!p1 $0x1082;
	[sflag:s4] =	ssyncset.s32 $0xFFFFF086  }
0x25: {  	[simem:s6], [sflag:s4] =	dma.local [hbm:s3], $0xF7A  }
0x26: {  	[smem:$0x3F8C] =	sst s1;
	(tag) =	ssettag s2;
	_ =	strace s9  }
0x27: {  	s1 =	sld [smem:$0x3F9C]  }
0x28: {  	s2 =	sld [smem:$0x3F9D]  }
0x29: {  	s4 =	sld [smem:$0x3F9F]  }
0x2a: {  	p0 =	seq.s32 s5, $0x0;
	s5 =	sld [smem:$0x3FA0]  }
0x2b: {  	s6 =	sld [smem:$0x3FA1]  }
0x2c: {  	s7 =	sld [smem:$0x3FA2]  }
0x2d: {  	s3 =	simm.s32 $0x108;
	s8 =	sld [smem:$0x3FA3]  }
0x2e: {  	s3 =	simm.s32 @!p0 $0x1082;
	s9 =	sld [smem:$0x3FA4]  }
0x2f: {  	lr =	sadd.s32 s0, s3;
	s0 =	sld [smem:$0x3F9B]  }
0x30: {  	s3 =	sld [smem:$0x3F9E]  }
0x31: {  	[smem:$0x3FA7] =	sst s10  }
0x32: {  	s10 =	sld [smem:$0x3FA5];
	_ =	sdelay $0x3  }
0x33: {  	p0 =	seq.s32 s10, $0x1;
	s10 =	sld [smem:$0x3FA7];
	_ =	sdelay $0x3  }
0x34: {  	[smem:$0x3FA7] =	sst s10  }
0x35: {  	s10 =	sld [smem:$0x3FA6];
	_ =	sdelay $0x3  }
0x36: {  	p1 =	seq.s32 s10, $0x1;
	s10 =	sld [smem:$0x3FA7];
	_ =	sdelay $0x3  }
0x37: {  	[smem:$0x3FA7] =	sst s10  }
0x38: {  	s10 =	sld [smem:$0x3FA8]  }
0x39: {  	_ = 	snop;
	(pc) =	sbr.ind lr, $3  }
0x3a: {  	_ = 	snop  }
0x3b: {  	_ = 	snop  }
0x3c: {  	p2 =	seq.s32 s10, $0x1;
	s10 =	sld [smem:$0x3FA7]  }
0x3d: {  	_ =	shalt  }
0x3e: {  	_ =	shalt  }
0x3f: {  	_ =	shalt  }
0x40: {  	_ =	shalt  }
0x41: {  	_ =	shalt  }
0x42: {  	_ =	shalt  }
0x43: {  	_ =	shalt  }
0x44: {  	_ =	shalt  }
0x45: {  	_ =	shalt  }
0x46: {  	_ =	shalt  }
0x47: {  	_ =	shalt  }
0x48: {  	_ =	shalt  }
0x49: {  	_ =	shalt  }
0x4a: {  	_ =	shalt  }
0x4b: {  	_ =	shalt  }
0x4c: {  	_ =	shalt  }
0x4d: {  	_ =	shalt  }
0x4e: {  	_ =	shalt  }
0x4f: {  	_ =	shalt  }
0x50: {  	_ =	shalt  }
0x51: {  	_ =	shalt  }
0x52: {  	_ =	shalt  }
0x53: {  	_ =	shalt  }
0x54: {  	_ =	shalt  }
0x55: {  	_ =	shalt  }
0x56: {  	_ =	shalt  }
0x57: {  	_ =	shalt  }
0x58: {  	_ =	shalt  }
0x59: {  	_ =	shalt  }
0x5a: {  	_ =	shalt  }
0x5b: {  	_ =	shalt  }
0x5c: {  	_ =	shalt  }
0x5d: {  	_ =	shalt  }
0x5e: {  	_ =	shalt  }
0x5f: {  	_ =	shalt  }
0x60: {  	_ =	shalt  }
0x61: {  	_ =	shalt  }
0x62: {  	_ =	shalt  }
0x63: {  	_ =	shalt  }
0x64: {  	_ =	shalt  }
0x65: {  	_ =	shalt  }
0x66: {  	_ =	shalt  }
0x67: {  	_ =	shalt  }
0x68: {  	_ =	shalt  }
0x69: {  	_ =	shalt  }
0x6a: {  	_ =	shalt  }
0x6b: {  	_ =	shalt  }
0x6c: {  	_ =	shalt  }
0x6d: {  	_ =	shalt  }
0x6e: {  	_ =	shalt  }
0x6f: {  	_ =	shalt  }
0x70: {  	_ =	shalt  }
0x71: {  	_ =	shalt  }
0x72: {  	_ =	shalt  }
0x73: {  	_ =	shalt  }
0x74: {  	_ =	shalt  }
0x75: {  	_ =	shalt  }
0x76: {  	_ =	shalt  }
0x77: {  	_ =	shalt  }
0x78: {  	_ =	shalt  }
0x79: {  	_ =	shalt  }
0x7a: {  	_ =	shalt  }
0x7b: {  	_ =	shalt  }
0x7c: {  	_ =	shalt  }
0x7d: {  	_ =	shalt  }
0x7e: {  	_ =	shalt  }
0x7f: {  	_ =	shalt  }
0x80: {  	_ =	shalt  }
0x81: {  	_ =	shalt  }
0x82: {  	_ =	shalt  }
0x83: {  	_ =	shalt  }
0x84: {  	_ =	shalt  }
0x85: {  	_ =	shalt  }
0x86: {  	_ =	shalt  }
0x87: {  	_ =	shalt  }
.Lfunc_end0:
.L_simem_size_0:
called_computation.1_lowered:
.L_overlay_start_0:
0x88: {  	s2 =	sld [smem:$0x3FD9]  }
0x89: {  	s3 =	sld [smem:$0x3FFE];
	_ =	sdelay $0x1  }
0x8a: {  	s1 =	srdreg.scid  }
0x8b: {  	s0 =	sand.u32 $0x1, s1  }
0x8c: {  	s16 =	sshll.u32 s0, $0xA;
	s2 =	sadd.s32 s3, s2  }
0x8d: {  	s2 =	sadd.s32 s2, s16  }
0x8e: {  	[smem:$0x3FB3] =	sst s2  }
0x8f: {  	_ = 	snop  }
0x90: {  	(tm) =	ssettm $0x1  }
0x91: {  	s17 =	sld [smem:$0x3FFB];
	_ =	sdelay $0x3  }
0x92: {  	_ =	strace s17  }
0x93: {  	s2 =	sld [smem:$0x3FFC];
	_ =	sdelay $0x3  }
0x94: {  	_ =	strace s2  }
0x95: {  	s2 =	sld [smem:$0x3FFD];
	_ =	sdelay $0x3  }
0x96: {  	_ =	strace s2  }
0x97: {  	_ =	strace $0x8FFFFFFF  }
0x98: {  	s18 =	sld [smem:$0x3FDB];
	_ =	sdelay $0x1  }
0x99: {  	s19 =	simm.s32 $_scs_section_size  }
0x9a: {  	s4 =	simm.s32 $_size__tile_overlayer_lowered;
	s5 =	simm.s32 $_tile_overlayer_lowered  }
0x9b: {  	s22 =	simm.s32 $0x1BFF;
	s21 =	sshll.u32 s5, $0x1;
	s2 =	sadd.s32 s19, s18  }
0x9c: {  	s6 =	simm.s32 $0x0;
	s20 =	sshll.u32 s4, $0x1;
	s4 =	sadd.s32 s21, s2  }
0x9d: {  	[timem:s6], [sflag:s22] =	dma.local [hbm:s4], s20  }
0x9e: {  	_ =	swait.ge [sflag:s22], s20  }
0x9f: {  	s3 =	ssub.s32 $0x0, s20;
	[sflag:s22] =	ssyncset.done $0x0  }
0xa0: {  	[sflag:s22] =	ssyncadd.s32 s3;
	_ =	sdelay $0x1  }
0xa1: {  	s23 =	simm.s32 $0x1B8B  }
0xa2: {  	_ =	swait.ge [sflag:s23], $0x1  }
0xa3: {  	[sflag:s23] =	ssyncset.done $0x0  }
0xa4: {  	s25 =	simm.s32 $0x1B8E;
	s24 =	sld [smem:$0x3FFE];
	[sflag:s23] =	ssyncadd.s32 $0xFFFFFFFF  }
0xa5: {  	s26 =	simm.s32 $execute0_lowered;
	[smem:$0x3FD2] =	sst s25  }
0xa6: {  	s4 =	sshll.u32 s26, $0x1;
	_ =	strace $0x80000049;
	[dreg:$0x1] =	wrdreg $0xFFFFFFFF  }
0xa7: {  	s28 =	simm.s32 $_size_execute0_lowered;
	s2 =	sadd.s32 s2, s4;
	[dreg:$0x0] =	wrdreg $0x0  }
0xa8: {  	s4 =	sshll.u32 s28, $0x1;
	[dreg:$0x2] =	wrdreg s2  }
0xa9: {  	[dreg:$0x3] =	wrdreg s4  }
0xaa: {  	[dreg:$0x4] =	wrdreg $0xC0  }
0xab: {  	_ =	task [dreg:s6], $0x5FFFF  }
0xac: {  	[dreg:$0x1] =	wrdreg $0xFFFFFFFF  }
0xad: {  	[dreg:$0x0] =	wrdreg $0x60  }
0xae: {  	[dreg:$0x2] =	wrdreg s24  }
0xaf: {  	[dreg:$0x3] =	wrdreg $0x92000  }
0xb0: {  	[dreg:$0x4] =	wrdreg $0x9  }
0xb1: {  	_ =	task.clear_ibuf [dreg:s6], $0x5FFFF;
	_ =	strace $0x90000049  }
0xb2: {  	s29 =	simm.s32 $0x9;
	_ =	strace $0x8000004B  }
0xb3: {  	_ =	swait.ge [sflag:s29], $0x1  }
0xb4: {  	[sflag:s29] =	ssyncadd.s32 $0xFFFFFFFF  }
0xb5: {  	_ =	strace $0x9000004B  }
0xb6: {  	_ =	sfence  }
0xb7: {  	s30 =	sld [smem:$0x0];
	_ =	sdelay $0x2  }
0xb8: {  	s31 =	sshll.u32 s1, $0xD;
	s1 =	sshrl.u32 s1, $0x2  }
0xb9: {  	s3 =	sand.u32 $0x4000, s31;
	s1 =	sadd.s32 s1, s30  }
0xba: {  	s0 =	sor.u32 s3, s0;
	s1 =	sshll.u32 s1, $0x11  }
0xbb: {  	s0 =	sor.u32 s1, s0  }
0xbc: {  	s0 =	sadd.s32 $0x8F2B, s0  }
0xbd: {  	[sflag:s0] =	ssyncadd.remote.s32 $0x1  }
0xbe: {  	_ =	sfence.sel $0xFFFF  }
0xbf: {  	[dreg:$0x0] =	wrdreg $0xFFFFFFFF;
	(pc) =	sbr.abs _section_cstart, $3  }
0xc0: {  	[dreg:$0x1] =	wrdreg $0xFFFFFFFF  }
0xc1: {  	_ =	task.clear_ibuf [dreg:s6], $0x2FFFF;
	_ =	strace $0x9FFFFFFF  }
0xc2: {  	(tm) =	ssettm $0x7FFFFFFF  }
0xc3: {  	_ =	shalt  }
tec
execute0_lowered:
.L_overlay_start_1:
0x0: {  	(tag) =	ssettag $0x1  }
0x1: {  	s0 =	rddreg [dreg:$0x0]  }
0x2: {  	s1 =	rddreg [dreg:$0x1];
	s2 =	simm.s32 $0x0  }
0x3: {  	s3 =	srdreg.scid;
	s13 =	stileid.u32;
	s29 =	simm.s32 $0x5200  }
0x4: {  	s30 =	simm.s32 $0x3;
	s31 =	simm.s32 $0x80;
	[smem:$0x7FF] =	sst s2  }
0x5: {  	s4 =	sadd.s32 $0x18800, s0;
	s3 =	sand.u32 $0x1, s3;
	s8 =	smul.u32 $0x50000, s13  }
0x6: {  	s5 =	sadd.s32 $0x4400, s0;
	s6 =	sadd.s32 $0xE200, s0;
	s12 =	smul.u32 $0x14000, s13  }
0x7: {  	s9 =	sadd.s32 $0x18000, s0;
	s0 =	sadd.s32 $0x3FA00, s0;
	s22 =	smul.u32 $0x2710, s13  }
0x8: {  	_ =	strace $0x8000004A;
	s7 =	sshll.u32 s3, $0x4;
	s11 =	smul.u32 $0x140000, s3  }
0x9: {  	[dreg:$0x3] =	wrdreg s9;
	s23 =	ssub.s32 $0x2, s3;
	s3 =	smul.u32 $0x27100, s3  }
0xa: {  	s7 =	sor.u32 s13, s7;
	s10 =	sshrl.u32 s23, $0x1;
	s8 =	sshrl.u32 s8, $0x2  }
0xb: {  	s14 =	sadd.s32 $0x4000, s12;
	s17 =	sadd.s32 $0x8000, s12;
	s20 =	sadd.s32 $0xC000, s12  }
0xc: {  	s13 =	simm.s32 $0x0;
	s7 =	smul.u32 $0x2710, s7;
	s9 =	ssub.s32 s23, s10  }
0xd: {  	s8 =	sadd.s32 s8, s1;
	s26 =	sadd.s32 s11, s12;
	s16 =	sadd.s32 s11, s14  }
0xe: {  	s18 =	sadd.s32 s17, s1;
	s19 =	sadd.s32 s11, s17;
	s21 =	sadd.s32 s11, s20  }
0xf: {  	s23 =	sadd.s32 $0x10000, s12;
	s25 =	smax.u32 s9, $0x1;
	[dreg:$0xc] =	wrdreg s18  }
0x10: {  	s3 =	sadd.s32 s22, s3;
	s10 =	sadd.s32 $0x4000, s8;
	[dreg:$0x6] =	wrdreg s25  }
0x11: {  	s12 =	simm.s32 $0x2;
	s15 =	sadd.s32 $0x8000, s8;
	[dreg:$0x7] =	wrdreg s10  }
0x12: {  	s9 =	sadd.s32 s14, s1;
	s28 =	sadd.s32 $0x10000, s8;
	[dreg:$0x8] =	wrdreg s15  }
0x13: {  	s7 =	sshrl.u32 s7, $0x3;
	[dreg:$0xa] =	wrdreg s9;
	s25 =	sadd.s32 $0x50, s3  }
0x14: {  	s15 =	sadd.s32 $0xA0, s3;
	s24 =	sadd.s32 s5, s7;
	s7 =	sadd.s32 s6, s7  }
0x15: {  	s3 =	simm.s32 $0x100;
	[dreg:$0x5] =	wrdreg s7;
	s7 =	sshrl.u32 s26, $0x3  }
0x16: {  	s9 =	simm.s32 $0x2900;
	[dreg:$0x4] =	wrdreg s24;
	s7 =	sadd.s32 s0, s7  }
0x17: {  	s10 =	simm.s32 $0x2980;
	[dreg:$0x9] =	wrdreg s7;
	s7 =	sshrl.u32 s16, $0x3  }
0x18: {  	s24 =	sadd.s32 s11, s23;
	s26 =	sshrl.u32 s25, $0x3;
	s7 =	sadd.s32 s0, s7  }
0x19: {  	s11 =	simm.s32 $0x2A00;
	[dreg:$0xb] =	wrdreg s7;
	s7 =	sshrl.u32 s19, $0x3  }
0x1a: {  	s25 =	sadd.s32 s26, s5;
	s18 =	sadd.s32 s0, s7;
	s7 =	sshrl.u32 s21, $0x3  }
0x1b: {  	s19 =	sadd.s32 s20, s1;
	s21 =	sadd.s32 s23, s1;
	s20 =	sadd.s32 s0, s7  }
0x1c: {  	s7 =	sshrl.u32 s24, $0x3;
	s24 =	sadd.s32 s26, s6;
	s26 =	sadd.s32 $0xC000, s8  }
0x1d: {  	s22 =	sadd.s32 s0, s7;
	s0 =	simm.s32 $0x50;
	s7 =	simm.s32 $0x1  }
.LBB2_1:
0x1e: {  	s14 =	rddreg [dreg:$0x3]  }
0x1f: {  	[tilespmem:s29], [sflag:$0x3] =	stream.linear.gather [hbm4b:s14+s2], $0x4000, $0x38;
	[tilespmem:$0x1D200] =	vst v63  }
0x20: {  	_ =	swait.ge [sflag:s30], $0x4000  }
0x21: {  	[sflag:s30] =	ssyncset.done $0x0  }
0x22: {  	[sflag:s30] =	ssyncadd.s32 $0xFFFFC000  }
0x23: {  	[spmem:s8] =	stream.linear.scatter [tilespmem:s29], [sflag:$0x3], $0x4000, $0x38;
	[tilespmem:$0x1D200] =	vst v63  }
0x24: {  	_ =	swait.ge [sflag:s30], $0x4000  }
0x25: {  	[sflag:s30] =	ssyncset.done $0x0  }
0x26: {  	s17 =	rddreg [dreg:$0x7];
	[sflag:s30] =	ssyncadd.s32 $0xFFFFC000  }
0x27: {  	[spmem:s17] =	stream.linear.scatter [tilespmem:s29], [sflag:$0x3], $0x4000, $0x38;
	[tilespmem:$0x1D200] =	vst v63  }
0x28: {  	_ =	swait.ge [sflag:s30], $0x4000  }
0x29: {  	[sflag:s30] =	ssyncset.done $0x0  }
0x2a: {  	s23 =	rddreg [dreg:$0x8];
	[sflag:s30] =	ssyncadd.s32 $0xFFFFC000  }
0x2b: {  	[spmem:s23] =	stream.linear.scatter [tilespmem:s29], [sflag:$0x3], $0x4000, $0x38;
	[tilespmem:$0x1D200] =	vst v63  }
0x2c: {  	_ =	swait.ge [sflag:s30], $0x4000  }
0x2d: {  	[sflag:s30] =	ssyncset.done $0x0  }
0x2e: {  	[sflag:s30] =	ssyncadd.s32 $0xFFFFC000  }
0x2f: {  	[spmem:s26] =	stream.linear.scatter [tilespmem:s29], [sflag:$0x3], $0x4000, $0x38;
	[tilespmem:$0x1D200] =	vst v63  }
0x30: {  	_ =	swait.ge [sflag:s30], $0x4000  }
0x31: {  	[sflag:s30] =	ssyncset.done $0x0  }
0x32: {  	[sflag:s30] =	ssyncadd.s32 $0xFFFFC000  }
0x33: {  	[spmem:s28] =	stream.linear.scatter [tilespmem:s29], [sflag:$0x3], $0x4000, $0x38;
	[tilespmem:$0x1D200] =	vst v63  }
0x34: {  	_ =	swait.ge [sflag:s30], $0x4000  }
0x35: {  	[sflag:s30] =	ssyncset.done $0x0  }
0x36: {  	[sflag:s30] =	ssyncadd.s32 $0xFFFFC000  }
0x37: {  	[bflag:$0x0] =	sbarrier.arrive $0xFFFF  }
0x38: {  	s16 =	rddreg [dreg:$0x4]  }
0x39: {  	[tilespmem:s2], [sflag:$0x3] =	stream.linear.gather [hbm4b:s16+s2], $0x50, $0x38;
	[tilespmem:$0x1D200] =	vst v63  }
0x3a: {  	_ =	swait.ge [sflag:s30], $0x50  }
0x3b: {  	[sflag:s30] =	ssyncset.done $0x0  }
0x3c: {  	s17 =	rddreg [dreg:$0x5];
	[sflag:s30] =	ssyncadd.s32 $0xFFFFFFB0  }
0x3d: {  	[tilespmem:s31], [sflag:$0x3] =	stream.linear.gather [hbm4b:s17+s2], $0x50, $0x38;
	[tilespmem:$0x1D200] =	vst v63  }
0x3e: {  	_ =	swait.ge [sflag:s30], $0x50  }
0x3f: {  	[sflag:s30] =	ssyncset.done $0x0  }
0x40: {  	[sflag:s30] =	ssyncadd.s32 $0xFFFFFFB0  }
0x41: {  	[tilespmem:s3], [sflag:$0x1] =	stream.indirect.gather [hbm4b:s4+s0], $0x80, s2, s0, $0xb8;
	[tilespmem:$0x1D200] =	vst v63  }
0x42: {  	_ =	swait.ge [sflag:s7], $0x2800  }
0x43: {  	[sflag:s7] =	ssyncset.done $0x0  }
0x44: {  	s23 =	sadd.s32 $0x0, s25;
	[sflag:s7] =	ssyncadd.s32 $0xFFFFD800  }
0x45: {  	[tilespmem:s9], [sflag:$0x3] =	stream.linear.gather [hbm4b:s23+s2], $0x50, $0x38;
	[tilespmem:$0x1D200] =	vst v63  }
0x46: {  	_ =	swait.ge [sflag:s30], $0x50  }
0x47: {  	[sflag:s30] =	ssyncset.done $0x0  }
0x48: {  	s16 =	sadd.s32 $0x0, s24;
	[sflag:s30] =	ssyncadd.s32 $0xFFFFFFB0  }
0x49: {  	[tilespmem:s10], [sflag:$0x3] =	stream.linear.gather [hbm4b:s16+s2], $0x50, $0x38;
	[tilespmem:$0x1D200] =	vst v63  }
0x4a: {  	_ =	swait.ge [sflag:s30], $0x50  }
0x4b: {  	[sflag:s30] =	ssyncset.done $0x0  }
0x4c: {  	[sflag:s30] =	ssyncadd.s32 $0xFFFFFFB0  }
0x4d: {  	[tilespmem:s11], [sflag:$0x2] =	stream.indirect.gather [hbm4b:s4+s0], $0x80, s9, s0, $0xb8;
	[tilespmem:$0x1D200] =	vst v63  }
0x4e: {  	_ = 	snop  }
0x4f: {  	[spmem:s1] =	stream.indirect.scatter.add.f32 [tilespmem:s3], [sflag:$0x3], $0x80, s31, s0, $0xb8;
	[tilespmem:$0x1D200] =	vst v63  }
0x50: {  	_ =	swait.ge [sflag:s30], $0x2800  }
0x51: {  	[sflag:s30] =	ssyncset.done $0x0  }
0x52: {  	[sflag:s30] =	ssyncadd.s32 $0xFFFFD800  }
0x53: {  	_ =	swait.ge [sflag:s12], $0x2800  }
0x54: {  	s17 =	sshrl.u32 s15, $0x3;
	[sflag:s12] =	ssyncset.done $0x0  }
0x55: {  	s23 =	sadd.s32 s5, s17;
	[sflag:s12] =	ssyncadd.s32 $0xFFFFD800  }
0x56: {  	[tilespmem:s2], [sflag:$0x3] =	stream.linear.gather [hbm4b:s23+s2], $0x50, $0x38;
	[tilespmem:$0x1D200] =	vst v63  }
0x57: {  	_ =	swait.ge [sflag:s30], $0x50  }
0x58: {  	[sflag:s30] =	ssyncset.done $0x0  }
0x59: {  	s14 =	sadd.s32 s6, s17;
	[sflag:s30] =	ssyncadd.s32 $0xFFFFFFB0  }
0x5a: {  	[tilespmem:s31], [sflag:$0x3] =	stream.linear.gather [hbm4b:s14+s2], $0x50, $0x38;
	[tilespmem:$0x1D200] =	vst v63  }
0x5b: {  	_ =	swait.ge [sflag:s30], $0x50  }
0x5c: {  	[sflag:s30] =	ssyncset.done $0x0  }
0x5d: {  	[sflag:s30] =	ssyncadd.s32 $0xFFFFFFB0  }
0x5e: {  	[tilespmem:s3], [sflag:$0x1] =	stream.indirect.gather [hbm4b:s4+s0], $0x80, s2, s0, $0xb8;
	[tilespmem:$0x1D200] =	vst v63  }
0x5f: {  	_ = 	snop  }
0x60: {  	[spmem:s1] =	stream.indirect.scatter.add.f32 [tilespmem:s11], [sflag:$0x3], $0x80, s10, s0, $0xb8;
	[tilespmem:$0x1D200] =	vst v63  }
0x61: {  	_ =	swait.ge [sflag:s30], $0x2800  }
0x62: {  	s23 =	smov.u32 s15;
	s14 =	simm.s32 $0x14;
	[sflag:s30] =	ssyncset.done $0x0  }
.LBB2_2:
0x63: {  	p0 =	sne.s32 s14, $0x4C4;
	[sflag:s30] =	ssyncadd.s32 $0xFFFFD800;
	s23 =	sadd.s32 $0xA0, s23  }
0x64: {  	s16 =	smov.u32 s14;
	s14 =	sadd.s32 $0x14, s14  }
0x65: {  	_ =	swait.ge [sflag:s7], $0x2800  }
0x66: {  	[sflag:s7] =	ssyncset.done $0x0  }
0x67: {  	s17 =	sadd.s32 s16, s25;
	[sflag:s7] =	ssyncadd.s32 $0xFFFFD800  }
0x68: {  	[tilespmem:s9], [sflag:$0x3] =	stream.linear.gather [hbm4b:s17+s2], $0x50, $0x38;
	[tilespmem:$0x1D200] =	vst v63  }
0x69: {  	_ =	swait.ge [sflag:s30], $0x50  }
0x6a: {  	[sflag:s30] =	ssyncset.done $0x0  }
0x6b: {  	s16 =	sadd.s32 s16, s24;
	[sflag:s30] =	ssyncadd.s32 $0xFFFFFFB0  }
0x6c: {  	[tilespmem:s10], [sflag:$0x3] =	stream.linear.gather [hbm4b:s16+s2], $0x50, $0x38;
	[tilespmem:$0x1D200] =	vst v63  }
0x6d: {  	_ =	swait.ge [sflag:s30], $0x50  }
0x6e: {  	[sflag:s30] =	ssyncset.done $0x0  }
0x6f: {  	[sflag:s30] =	ssyncadd.s32 $0xFFFFFFB0  }
0x70: {  	[tilespmem:s11], [sflag:$0x2] =	stream.indirect.gather [hbm4b:s4+s0], $0x80, s9, s0, $0xb8;
	[tilespmem:$0x1D200] =	vst v63  }
0x71: {  	_ = 	snop  }
0x72: {  	[spmem:s1] =	stream.indirect.scatter.add.f32 [tilespmem:s3], [sflag:$0x3], $0x80, s31, s0, $0xb8;
	[tilespmem:$0x1D200] =	vst v63  }
0x73: {  	_ =	swait.ge [sflag:s30], $0x2800  }
0x74: {  	[sflag:s30] =	ssyncset.done $0x0  }
0x75: {  	[sflag:s30] =	ssyncadd.s32 $0xFFFFD800  }
0x76: {  	_ =	swait.ge [sflag:s12], $0x2800  }
0x77: {  	s16 =	sshrl.u32 s23, $0x3;
	[sflag:s12] =	ssyncset.done $0x0  }
0x78: {  	s17 =	sadd.s32 s5, s16;
	[sflag:s12] =	ssyncadd.s32 $0xFFFFD800  }
0x79: {  	[tilespmem:s2], [sflag:$0x3] =	stream.linear.gather [hbm4b:s17+s2], $0x50, $0x38;
	[tilespmem:$0x1D200] =	vst v63  }
0x7a: {  	_ =	swait.ge [sflag:s30], $0x50  }
0x7b: {  	[sflag:s30] =	ssyncset.done $0x0  }
0x7c: {  	s16 =	sadd.s32 s6, s16;
	[sflag:s30] =	ssyncadd.s32 $0xFFFFFFB0  }
0x7d: {  	[tilespmem:s31], [sflag:$0x3] =	stream.linear.gather [hbm4b:s16+s2], $0x50, $0x38;
	[tilespmem:$0x1D200] =	vst v63  }
0x7e: {  	_ =	swait.ge [sflag:s30], $0x50  }
0x7f: {  	[sflag:s30] =	ssyncset.done $0x0  }
0x80: {  	[sflag:s30] =	ssyncadd.s32 $0xFFFFFFB0  }
0x81: {  	[tilespmem:s3], [sflag:$0x1] =	stream.indirect.gather [hbm4b:s4+s0], $0x80, s2, s0, $0xb8;
	[tilespmem:$0x1D200] =	vst v63  }
.Ltmp0:
0x82: {  	_ = 	snop;
	(pc) =	sbr.rel @p0 .LBB2_2-.Ltmp0, $4  }
0x83: {  	_ = 	snop  }
0x84: {  	[spmem:s1] =	stream.indirect.scatter.add.f32 [tilespmem:s11], [sflag:$0x3], $0x80, s10, s0, $0xb8;
	[tilespmem:$0x1D200] =	vst v63  }
0x85: {  	_ =	swait.ge [sflag:s30], $0x2800  }
0x86: {  	[sflag:s30] =	ssyncset.done $0x0  }
0x87: {  	[sflag:s30] =	ssyncadd.s32 $0xFFFFD800  }
0x88: {  	_ =	swait.ge [sflag:s7], $0x2800  }
0x89: {  	[sflag:s7] =	ssyncset.done $0x0  }
0x8a: {  	[sflag:s7] =	ssyncadd.s32 $0xFFFFD800  }
0x8b: {  	[spmem:s1] =	stream.indirect.scatter.add.f32 [tilespmem:s3], [sflag:$0x3], $0x80, s31, s0, $0xb8;
	[tilespmem:$0x1D200] =	vst v63  }
0x8c: {  	_ =	swait.ge [sflag:s30], $0x2800  }
0x8d: {  	[sflag:s30] =	ssyncset.done $0x0  }
0x8e: {  	[sflag:s30] =	ssyncadd.s32 $0xFFFFD800  }
0x8f: {  	[bflag:$0x0] =	sbarrier.arrive $0xFFFF  }
0x90: {  	[tilespmem:s29], [sflag:$0x3] =	stream.linear.gather [spmem:s8], $0x4000, $0x38;
	[tilespmem:$0x1D200] =	vst v63  }
0x91: {  	_ =	swait.ge [sflag:s30], $0x4000  }
0x92: {  	[sflag:s30] =	ssyncset.done $0x0  }
0x93: {  	s14 =	rddreg [dreg:$0x9];
	[sflag:s30] =	ssyncadd.s32 $0xFFFFC000  }
0x94: {  	[hbm4b:s14+s2] =	stream.linear.scatter [tilespmem:s29], [sflag:$0x3], $0x4000, $0x38;
	[tilespmem:$0x1D200] =	vst v63  }
0x95: {  	_ =	swait.ge [sflag:s30], $0x4000  }
0x96: {  	[sflag:s30] =	ssyncset.done $0x0  }
0x97: {  	s23 =	rddreg [dreg:$0xa];
	[sflag:s30] =	ssyncadd.s32 $0xFFFFC000  }
0x98: {  	[tilespmem:s29], [sflag:$0x3] =	stream.linear.gather [spmem:s23], $0x4000, $0x38;
	[tilespmem:$0x1D200] =	vst v63  }
0x99: {  	_ =	swait.ge [sflag:s30], $0x4000  }
0x9a: {  	[sflag:s30] =	ssyncset.done $0x0  }
0x9b: {  	s16 =	rddreg [dreg:$0xb];
	[sflag:s30] =	ssyncadd.s32 $0xFFFFC000  }
0x9c: {  	[hbm4b:s16+s2] =	stream.linear.scatter [tilespmem:s29], [sflag:$0x3], $0x4000, $0x38;
	[tilespmem:$0x1D200] =	vst v63  }
0x9d: {  	_ =	swait.ge [sflag:s30], $0x4000  }
0x9e: {  	[sflag:s30] =	ssyncset.done $0x0  }
0x9f: {  	s17 =	rddreg [dreg:$0xc];
	[sflag:s30] =	ssyncadd.s32 $0xFFFFC000  }
0xa0: {  	[tilespmem:s29], [sflag:$0x3] =	stream.linear.gather [spmem:s17], $0x4000, $0x38;
	[tilespmem:$0x1D200] =	vst v63  }
0xa1: {  	_ =	swait.ge [sflag:s30], $0x4000  }
0xa2: {  	[sflag:s30] =	ssyncset.done $0x0  }
0xa3: {  	[sflag:s30] =	ssyncadd.s32 $0xFFFFC000  }
0xa4: {  	[hbm4b:s18+s2] =	stream.linear.scatter [tilespmem:s29], [sflag:$0x3], $0x4000, $0x38;
	[tilespmem:$0x1D200] =	vst v63  }
0xa5: {  	_ =	swait.ge [sflag:s30], $0x4000  }
0xa6: {  	[sflag:s30] =	ssyncset.done $0x0  }
0xa7: {  	[sflag:s30] =	ssyncadd.s32 $0xFFFFC000  }
0xa8: {  	[tilespmem:s29], [sflag:$0x3] =	stream.linear.gather [spmem:s19], $0x4000, $0x38;
	[tilespmem:$0x1D200] =	vst v63  }
0xa9: {  	_ =	swait.ge [sflag:s30], $0x4000  }
0xaa: {  	[sflag:s30] =	ssyncset.done $0x0  }
0xab: {  	[sflag:s30] =	ssyncadd.s32 $0xFFFFC000  }
0xac: {  	[hbm4b:s20+s2] =	stream.linear.scatter [tilespmem:s29], [sflag:$0x3], $0x4000, $0x38;
	[tilespmem:$0x1D200] =	vst v63  }
0xad: {  	_ =	swait.ge [sflag:s30], $0x4000  }
0xae: {  	[sflag:s30] =	ssyncset.done $0x0  }
0xaf: {  	[sflag:s30] =	ssyncadd.s32 $0xFFFFC000  }
0xb0: {  	[tilespmem:s29], [sflag:$0x3] =	stream.linear.gather [spmem:s21], $0x4000, $0x38;
	[tilespmem:$0x1D200] =	vst v63  }
0xb1: {  	_ =	swait.ge [sflag:s30], $0x4000  }
0xb2: {  	[sflag:s30] =	ssyncset.done $0x0  }
0xb3: {  	[sflag:s30] =	ssyncadd.s32 $0xFFFFC000  }
0xb4: {  	[hbm4b:s22+s2] =	stream.linear.scatter [tilespmem:s29], [sflag:$0x3], $0x4000, $0x38;
	[tilespmem:$0x1D200] =	vst v63  }
0xb5: {  	_ =	swait.ge [sflag:s30], $0x4000  }
0xb6: {  	s13 =	sadd.s32 $0x1, s13;
	s23 =	rddreg [dreg:$0x6]  }
0xb7: {  	p0 =	sne.s32 s13, s23  }
.Ltmp1:
0xb8: {  	_ = 	snop;
	(pc) =	sbr.rel @p0 .LBB2_1-.Ltmp1, $3  }
0xb9: {  	_ =	sdelay $0x1  }
0xba: {  	[sflag:s30] =	ssyncset.done $0x0  }
0xbb: {  	[sflag:s30] =	ssyncadd.s32 $0xFFFFC000  }
0xbc: {  	_ =	sfence.sel $0x180000  }
0xbd: {  	[bflag:$0x0] =	sbarrier.arrive $0xFFFF  }
0xbe: {  	_ =	strace $0x9000004A  }
0xbf: {  	s0 =	stileid.u32;
	[bflag:$0x2] =	sbarrier.arrive $0xFFFF  }
0xc0: {  	p0 =	sne.s32 s0, $0x0;
	s0 =	rddreg [dreg:$0x2]  }
0xc1: {  	s0 =	sadd.s32 @!p0 $0x100000, s0  }
0xc2: {  	[sflag:s0] =	ssyncadd.tile.s32 @!p0 $0x1;
	_ =	shalt  }
.Lfunc_end2:
_tile_overlayer_lowered:
.L_overlay_start_2:
0xc3: {  	(tag) =	ssettag $0x2  }
0xc4: {  	s0 =	rddreg [dreg:$0x0];
	s2 =	stileid.u32  }
0xc5: {  	s1 =	rddreg [dreg:$0x1];
	p0 =	sne.s32 s2, $0x0  }
0xc6: {  	s3 =	rddreg [dreg:$0x2];
	[bflag:$0x3] =	sbarrier.arrive $0xFFFF;
	s2 =	simm.s32 @!p0 $0x1C03  }
0xc7: {  	[timem:s3], [sflag:s2] =	dma.local @!p0 [hbm:s0], s1  }
0xc8: {  	s0 =	simm.s32 @!p0 $0x3  }
0xc9: {  	_ =	swait.ge @!p0 [sflag:s0], s1  }
0xca: {  	s1 =	ssub.s32 @!p0 $0x0, s1;
	[sflag:s0] =	ssyncset.done @!p0 $0x0  }
0xcb: {  	[sflag:s0] =	ssyncadd.s32 @!p0 s1  }
0xcc: {  	[bflag:$0x3] =	sbarrier.arrive $0xFFFF  }
0xcd: {  	_ =	shalt  }

// kernel: kernel.16.cloned.1.call-start
scs
__scs_entry_jumppad:
0x0: {  	(pc) =	sbr.rel $0x88, $3  }
0x1: {  	(tag) =	ssettag $0x0;
	lr =	simm.s32 $0x1  }
0x2: {  	[smem:$0x3F8C] =	sst lr;
	_ =	strace $0xD0000000  }
0x3: {  	_ = 	snop  }
0x4: {  	_ = 	snop  }
0x5: {  	_ = 	snop  }
0x6: {  	_ = 	snop  }
0x7: {  	_ = 	snop  }
__scs_overlays_trampoline_lowered:
0x8: {  	[smem:$0x3F9B] =	sst s0  }
0x9: {  	[smem:$0x3F9C] =	sst s1  }
0xa: {  	[smem:$0x3F9D] =	sst s2  }
0xb: {  	[smem:$0x3F9E] =	sst s3  }
0xc: {  	[smem:$0x3F9F] =	sst s4  }
0xd: {  	[smem:$0x3FA0] =	sst s5  }
0xe: {  	[smem:$0x3FA1] =	sst s6  }
0xf: {  	[smem:$0x3FA2] =	sst s7  }
0x10: {  	[smem:$0x3FA3] =	sst s8  }
0x11: {  	[smem:$0x3FA4] =	sst s9;
	s0 =	simm.s32 @!p0 $0x0  }
0x12: {  	s1 =	sld [smem:$0x3F8A];
	s0 =	simm.s32 @p0 $0x1  }
0x13: {  	[smem:$0x3FA5] =	sst s0;
	s0 =	simm.s32 @!p1 $0x0  }
0x14: {  	s2 =	sld [smem:$0x3F89];
	s0 =	simm.s32 @p1 $0x1  }
0x15: {  	[smem:$0x3FA6] =	sst s0;
	s0 =	simm.s32 @!p2 $0x0  }
0x16: {  	s3 =	sld [smem:$0x3FDB];
	s0 =	simm.s32 @p2 $0x1  }
0x17: {  	s4 =	simm.s32 $0x1BF5;
	[smem:$0x3FA8] =	sst s0  }
0x18: {  	s0 =	sld [smem:$0x3F8B];
	_ =	swait.ge [sflag:s4], $0x0  }
0x19: {  	s7 =	sld [smem:$0x3F8C]  }
0x1a: {  	s8 =	sadd.s32 $0xFFFFE003, lr  }
0x1b: {  	s9 =	sadd.s32 $0xFFFFFEF7, lr;
	s5 =	simm.s32 $0xFFFFFFFF;
	p2 =	slt.u32 s8, $0xFFFFF086  }
0x1c: {  	p1 =	slt.u32 s9, $0xF7A;
	s5 =	simm.s32 @!p2 $0x0  }
0x1d: {  	s5 =	simm.s32 @p1 $0x1;
	p0 =	seq.s32 s7, s2  }
0x1e: {  	s7 =	smul.u32 @!p0 $0xF7A, s2;
	p2 =	seq.s32 @!p0 s5, $0x0  }
0x1f: {  	s9 =	smul.u32 $0xF7A, s1;
	s8 =	simm.s32 @!p0 $0x1BF5;
	p2 =	por !p2, p0  }
0x20: {  	[sflag:s8] =	ssyncset.s32 @!p0 $0xFFFFF086;
	s6 =	sadd.s32 @!p0 s3, s7;
	s7 =	simm.s32 @!p0 $0x108  }
0x21: {  	s3 =	sadd.s32 s3, s9;
	s6 =	sadd.s32 @!p0 $0x88, s6;
	s7 =	simm.s32 @p2 $0x1082  }
0x22: {  	[simem:s7], [sflag:s8] =	dma.local @!p0 [hbm:s6], $0xF7A  }
0x23: {  	s9 =	sor.u32 $0xD0000000, s2;
	s6 =	simm.s32 $0x108;
	_ =	swait.ge @!p0 [sflag:s8], $0x0  }
0x24: {  	s3 =	sadd.s32 $0x88, s3;
	s6 =	simm.s32 @!p1 $0x1082;
	[sflag:s4] =	ssyncset.s32 $0xFFFFF086  }
0x25: {  	[simem:s6], [sflag:s4] =	dma.local [hbm:s3], $0xF7A  }
0x26: {  	[smem:$0x3F8C] =	sst s1;
	(tag) =	ssettag s2;
	_ =	strace s9  }
0x27: {  	s1 =	sld [smem:$0x3F9C]  }
0x28: {  	s2 =	sld [smem:$0x3F9D]  }
0x29: {  	s4 =	sld [smem:$0x3F9F]  }
0x2a: {  	p0 =	seq.s32 s5, $0x0;
	s5 =	sld [smem:$0x3FA0]  }
0x2b: {  	s6 =	sld [smem:$0x3FA1]  }
0x2c: {  	s7 =	sld [smem:$0x3FA2]  }
0x2d: {  	s3 =	simm.s32 $0x108;
	s8 =	sld [smem:$0x3FA3]  }
0x2e: {  	s3 =	simm.s32 @!p0 $0x1082;
	s9 =	sld [smem:$0x3FA4]  }
0x2f: {  	lr =	sadd.s32 s0, s3;
	s0 =	sld [smem:$0x3F9B]  }
0x30: {  	s3 =	sld [smem:$0x3F9E]  }
0x31: {  	[smem:$0x3FA7] =	sst s10  }
0x32: {  	s10 =	sld [smem:$0x3FA5];
	_ =	sdelay $0x3  }
0x33: {  	p0 =	seq.s32 s10, $0x1;
	s10 =	sld [smem:$0x3FA7];
	_ =	sdelay $0x3  }
0x34: {  	[smem:$0x3FA7] =	sst s10  }
0x35: {  	s10 =	sld [smem:$0x3FA6];
	_ =	sdelay $0x3  }
0x36: {  	p1 =	seq.s32 s10, $0x1;
	s10 =	sld [smem:$0x3FA7];
	_ =	sdelay $0x3  }
0x37: {  	[smem:$0x3FA7] =	sst s10  }
0x38: {  	s10 =	sld [smem:$0x3FA8]  }
0x39: {  	_ = 	snop;
	(pc) =	sbr.ind lr, $3  }
0x3a: {  	_ = 	snop  }
0x3b: {  	_ = 	snop  }
0x3c: {  	p2 =	seq.s32 s10, $0x1;
	s10 =	sld [smem:$0x3FA7]  }
0x3d: {  	_ =	shalt  }
0x3e: {  	_ =	shalt  }
0x3f: {  	_ =	shalt  }
0x40: {  	_ =	shalt  }
0x41: {  	_ =	shalt  }
0x42: {  	_ =	shalt  }
0x43: {  	_ =	shalt  }
0x44: {  	_ =	shalt  }
0x45: {  	_ =	shalt  }
0x46: {  	_ =	shalt  }
0x47: {  	_ =	shalt  }
0x48: {  	_ =	shalt  }
0x49: {  	_ =	shalt  }
0x4a: {  	_ =	shalt  }
0x4b: {  	_ =	shalt  }
0x4c: {  	_ =	shalt  }
0x4d: {  	_ =	shalt  }
0x4e: {  	_ =	shalt  }
0x4f: {  	_ =	shalt  }
0x50: {  	_ =	shalt  }
0x51: {  	_ =	shalt  }
0x52: {  	_ =	shalt  }
0x53: {  	_ =	shalt  }
0x54: {  	_ =	shalt  }
0x55: {  	_ =	shalt  }
0x56: {  	_ =	shalt  }
0x57: {  	_ =	shalt  }
0x58: {  	_ =	shalt  }
0x59: {  	_ =	shalt  }
0x5a: {  	_ =	shalt  }
0x5b: {  	_ =	shalt  }
0x5c: {  	_ =	shalt  }
0x5d: {  	_ =	shalt  }
0x5e: {  	_ =	shalt  }
0x5f: {  	_ =	shalt  }
0x60: {  	_ =	shalt  }
0x61: {  	_ =	shalt  }
0x62: {  	_ =	shalt  }
0x63: {  	_ =	shalt  }
0x64: {  	_ =	shalt  }
0x65: {  	_ =	shalt  }
0x66: {  	_ =	shalt  }
0x67: {  	_ =	shalt  }
0x68: {  	_ =	shalt  }
0x69: {  	_ =	shalt  }
0x6a: {  	_ =	shalt  }
0x6b: {  	_ =	shalt  }
0x6c: {  	_ =	shalt  }
0x6d: {  	_ =	shalt  }
0x6e: {  	_ =	shalt  }
0x6f: {  	_ =	shalt  }
0x70: {  	_ =	shalt  }
0x71: {  	_ =	shalt  }
0x72: {  	_ =	shalt  }
0x73: {  	_ =	shalt  }
0x74: {  	_ =	shalt  }
0x75: {  	_ =	shalt  }
0x76: {  	_ =	shalt  }
0x77: {  	_ =	shalt  }
0x78: {  	_ =	shalt  }
0x79: {  	_ =	shalt  }
0x7a: {  	_ =	shalt  }
0x7b: {  	_ =	shalt  }
0x7c: {  	_ =	shalt  }
0x7d: {  	_ =	shalt  }
0x7e: {  	_ =	shalt  }
0x7f: {  	_ =	shalt  }
0x80: {  	_ =	shalt  }
0x81: {  	_ =	shalt  }
0x82: {  	_ =	shalt  }
0x83: {  	_ =	shalt  }
0x84: {  	_ =	shalt  }
0x85: {  	_ =	shalt  }
0x86: {  	_ =	shalt  }
0x87: {  	_ =	shalt  }
.Lfunc_end0:
.L_simem_size_0:
called_computation.2_lowered:
.L_overlay_start_0:
0x88: {  	s2 =	sld [smem:$0x3FD9]  }
0x89: {  	s3 =	sld [smem:$0x3FFE];
	_ =	sdelay $0x1  }
0x8a: {  	s1 =	srdreg.scid  }
0x8b: {  	s0 =	sand.u32 $0x1, s1  }
0x8c: {  	s16 =	sshll.u32 s0, $0xA;
	s2 =	sadd.s32 s3, s2  }
0x8d: {  	s2 =	sadd.s32 s2, s16  }
0x8e: {  	[smem:$0x3FB3] =	sst s2  }
0x8f: {  	_ = 	snop  }
0x90: {  	(tm) =	ssettm $0x1  }
0x91: {  	s17 =	sld [smem:$0x3FFB];
	_ =	sdelay $0x3  }
0x92: {  	_ =	strace s17  }
0x93: {  	s2 =	sld [smem:$0x3FFC];
	_ =	sdelay $0x3  }
0x94: {  	_ =	strace s2  }
0x95: {  	s2 =	sld [smem:$0x3FFD];
	_ =	sdelay $0x3  }
0x96: {  	_ =	strace s2  }
0x97: {  	_ =	strace $0x8FFFFFFF  }
0x98: {  	s18 =	sld [smem:$0x3FDB];
	_ =	sdelay $0x1  }
0x99: {  	s19 =	simm.s32 $_scs_section_size  }
0x9a: {  	s4 =	simm.s32 $_size__tile_overlayer_lowered;
	s5 =	simm.s32 $_tile_overlayer_lowered  }
0x9b: {  	s22 =	simm.s32 $0x1BFF;
	s21 =	sshll.u32 s5, $0x1;
	s2 =	sadd.s32 s19, s18  }
0x9c: {  	s6 =	simm.s32 $0x0;
	s20 =	sshll.u32 s4, $0x1;
	s4 =	sadd.s32 s21, s2  }
0x9d: {  	[timem:s6], [sflag:s22] =	dma.local [hbm:s4], s20  }
0x9e: {  	_ =	swait.ge [sflag:s22], s20  }
0x9f: {  	s3 =	ssub.s32 $0x0, s20;
	[sflag:s22] =	ssyncset.done $0x0  }
0xa0: {  	[sflag:s22] =	ssyncadd.s32 s3;
	_ =	sdelay $0x1  }
0xa1: {  	s23 =	simm.s32 $0x1B8B  }
0xa2: {  	_ =	swait.ge [sflag:s23], $0x1  }
0xa3: {  	[sflag:s23] =	ssyncset.done $0x0  }
0xa4: {  	s25 =	simm.s32 $0x1B8E;
	s24 =	sld [smem:$0x3FFE];
	[sflag:s23] =	ssyncadd.s32 $0xFFFFFFFF  }
0xa5: {  	s26 =	simm.s32 $execute0_lowered;
	[smem:$0x3FD2] =	sst s25  }
0xa6: {  	s4 =	sshll.u32 s26, $0x1;
	_ =	strace $0x8000004C;
	[dreg:$0x1] =	wrdreg $0xFFFFFFFF  }
0xa7: {  	s28 =	simm.s32 $_size_execute0_lowered;
	s2 =	sadd.s32 s2, s4;
	[dreg:$0x0] =	wrdreg $0x0  }
0xa8: {  	s4 =	sshll.u32 s28, $0x1;
	[dreg:$0x2] =	wrdreg s2  }
0xa9: {  	[dreg:$0x3] =	wrdreg s4  }
0xaa: {  	[dreg:$0x4] =	wrdreg $0xC0  }
0xab: {  	_ =	task [dreg:s6], $0x5FFFF  }
0xac: {  	[dreg:$0x1] =	wrdreg $0xFFFFFFFF  }
0xad: {  	[dreg:$0x0] =	wrdreg $0x60  }
0xae: {  	[dreg:$0x2] =	wrdreg s24  }
0xaf: {  	[dreg:$0x3] =	wrdreg $0x92000  }
0xb0: {  	[dreg:$0x4] =	wrdreg $0x9  }
0xb1: {  	_ =	task.clear_ibuf [dreg:s6], $0x5FFFF;
	_ =	strace $0x9000004C  }
0xb2: {  	s29 =	simm.s32 $0x9;
	_ =	strace $0x8000004E  }
0xb3: {  	_ =	swait.ge [sflag:s29], $0x1  }
0xb4: {  	[sflag:s29] =	ssyncadd.s32 $0xFFFFFFFF  }
0xb5: {  	_ =	strace $0x9000004E  }
0xb6: {  	_ =	sfence  }
0xb7: {  	s30 =	sld [smem:$0x0];
	_ =	sdelay $0x2  }
0xb8: {  	s31 =	sshll.u32 s1, $0xD;
	s1 =	sshrl.u32 s1, $0x2  }
0xb9: {  	s3 =	sand.u32 $0x4000, s31;
	s1 =	sadd.s32 s1, s30  }
0xba: {  	s0 =	sor.u32 s3, s0;
	s1 =	sshll.u32 s1, $0x11  }
0xbb: {  	s0 =	sor.u32 s1, s0  }
0xbc: {  	s0 =	sadd.s32 $0x8F2B, s0  }
0xbd: {  	[sflag:s0] =	ssyncadd.remote.s32 $0x1  }
0xbe: {  	_ =	sfence.sel $0xFFFF  }
0xbf: {  	[dreg:$0x0] =	wrdreg $0xFFFFFFFF;
	(pc) =	sbr.abs _section_cstart, $3  }
0xc0: {  	[dreg:$0x1] =	wrdreg $0xFFFFFFFF  }
0xc1: {  	_ =	task.clear_ibuf [dreg:s6], $0x2FFFF;
	_ =	strace $0x9FFFFFFF  }
0xc2: {  	(tm) =	ssettm $0x7FFFFFFF  }
0xc3: {  	_ =	shalt  }
tec
execute0_lowered:
.L_overlay_start_1:
0x0: {  	(tag) =	ssettag $0x1  }
0x1: {  	s0 =	rddreg [dreg:$0x0]  }
0x2: {  	s1 =	rddreg [dreg:$0x1];
	s2 =	simm.s32 $0x0  }
0x3: {  	s3 =	srdreg.scid;
	s13 =	stileid.u32;
	s29 =	simm.s32 $0x5200  }
0x4: {  	s30 =	simm.s32 $0x3;
	s31 =	simm.s32 $0x80;
	[smem:$0x7FF] =	sst s2  }
0x5: {  	s4 =	sadd.s32 $0x18800, s0;
	s3 =	sand.u32 $0x1, s3;
	s8 =	smul.u32 $0x50000, s13  }
0x6: {  	s5 =	sadd.s32 $0x4400, s0;
	s6 =	sadd.s32 $0xE200, s0;
	s12 =	smul.u32 $0x14000, s13  }
0x7: {  	s9 =	sadd.s32 $0x18000, s0;
	s0 =	sadd.s32 $0x3FA00, s0;
	s22 =	smul.u32 $0x2710, s13  }
0x8: {  	_ =	strace $0x8000004D;
	s7 =	sshll.u32 s3, $0x4;
	s11 =	smul.u32 $0x140000, s3  }
0x9: {  	[dreg:$0x3] =	wrdreg s9;
	s23 =	ssub.s32 $0x2, s3;
	s3 =	smul.u32 $0x27100, s3  }
0xa: {  	s7 =	sor.u32 s13, s7;
	s10 =	sshrl.u32 s23, $0x1;
	s8 =	sshrl.u32 s8, $0x2  }
0xb: {  	s14 =	sadd.s32 $0x4000, s12;
	s17 =	sadd.s32 $0x8000, s12;
	s20 =	sadd.s32 $0xC000, s12  }
0xc: {  	s13 =	simm.s32 $0x0;
	s7 =	smul.u32 $0x2710, s7;
	s9 =	ssub.s32 s23, s10  }
0xd: {  	s8 =	sadd.s32 s8, s1;
	s26 =	sadd.s32 s11, s12;
	s16 =	sadd.s32 s11, s14  }
0xe: {  	s18 =	sadd.s32 s17, s1;
	s19 =	sadd.s32 s11, s17;
	s21 =	sadd.s32 s11, s20  }
0xf: {  	s23 =	sadd.s32 $0x10000, s12;
	s25 =	smax.u32 s9, $0x1;
	[dreg:$0xc] =	wrdreg s18  }
0x10: {  	s3 =	sadd.s32 s22, s3;
	s10 =	sadd.s32 $0x4000, s8;
	[dreg:$0x6] =	wrdreg s25  }
0x11: {  	s12 =	simm.s32 $0x2;
	s15 =	sadd.s32 $0x8000, s8;
	[dreg:$0x7] =	wrdreg s10  }
0x12: {  	s9 =	sadd.s32 s14, s1;
	s28 =	sadd.s32 $0x10000, s8;
	[dreg:$0x8] =	wrdreg s15  }
0x13: {  	s7 =	sshrl.u32 s7, $0x3;
	[dreg:$0xa] =	wrdreg s9;
	s25 =	sadd.s32 $0x50, s3  }
0x14: {  	s15 =	sadd.s32 $0xA0, s3;
	s24 =	sadd.s32 s5, s7;
	s7 =	sadd.s32 s6, s7  }
0x15: {  	s3 =	simm.s32 $0x100;
	[dreg:$0x5] =	wrdreg s7;
	s7 =	sshrl.u32 s26, $0x3  }
0x16: {  	s9 =	simm.s32 $0x2900;
	[dreg:$0x4] =	wrdreg s24;
	s7 =	sadd.s32 s0, s7  }
0x17: {  	s10 =	simm.s32 $0x2980;
	[dreg:$0x9] =	wrdreg s7;
	s7 =	sshrl.u32 s16, $0x3  }
0x18: {  	s24 =	sadd.s32 s11, s23;
	s26 =	sshrl.u32 s25, $0x3;
	s7 =	sadd.s32 s0, s7  }
0x19: {  	s11 =	simm.s32 $0x2A00;
	[dreg:$0xb] =	wrdreg s7;
	s7 =	sshrl.u32 s19, $0x3  }
0x1a: {  	s25 =	sadd.s32 s26, s5;
	s18 =	sadd.s32 s0, s7;
	s7 =	sshrl.u32 s21, $0x3  }
0x1b: {  	s19 =	sadd.s32 s20, s1;
	s21 =	sadd.s32 s23, s1;
	s20 =	sadd.s32 s0, s7  }
0x1c: {  	s7 =	sshrl.u32 s24, $0x3;
	s24 =	sadd.s32 s26, s6;
	s26 =	sadd.s32 $0xC000, s8  }
0x1d: {  	s22 =	sadd.s32 s0, s7;
	s0 =	simm.s32 $0x50;
	s7 =	simm.s32 $0x1  }
.LBB2_1:
0x1e: {  	s14 =	rddreg [dreg:$0x3]  }
0x1f: {  	[tilespmem:s29], [sflag:$0x3] =	stream.linear.gather [hbm4b:s14+s2], $0x4000, $0x38;
	[tilespmem:$0x1D200] =	vst v63  }
0x20: {  	_ =	swait.ge [sflag:s30], $0x4000  }
0x21: {  	[sflag:s30] =	ssyncset.done $0x0  }
0x22: {  	[sflag:s30] =	ssyncadd.s32 $0xFFFFC000  }
0x23: {  	[spmem:s8] =	stream.linear.scatter [tilespmem:s29], [sflag:$0x3], $0x4000, $0x38;
	[tilespmem:$0x1D200] =	vst v63  }
0x24: {  	_ =	swait.ge [sflag:s30], $0x4000  }
0x25: {  	[sflag:s30] =	ssyncset.done $0x0  }
0x26: {  	s17 =	rddreg [dreg:$0x7];
	[sflag:s30] =	ssyncadd.s32 $0xFFFFC000  }
0x27: {  	[spmem:s17] =	stream.linear.scatter [tilespmem:s29], [sflag:$0x3], $0x4000, $0x38;
	[tilespmem:$0x1D200] =	vst v63  }
0x28: {  	_ =	swait.ge [sflag:s30], $0x4000  }
0x29: {  	[sflag:s30] =	ssyncset.done $0x0  }
0x2a: {  	s23 =	rddreg [dreg:$0x8];
	[sflag:s30] =	ssyncadd.s32 $0xFFFFC000  }
0x2b: {  	[spmem:s23] =	stream.linear.scatter [tilespmem:s29], [sflag:$0x3], $0x4000, $0x38;
	[tilespmem:$0x1D200] =	vst v63  }
0x2c: {  	_ =	swait.ge [sflag:s30], $0x4000  }
0x2d: {  	[sflag:s30] =	ssyncset.done $0x0  }
0x2e: {  	[sflag:s30] =	ssyncadd.s32 $0xFFFFC000  }
0x2f: {  	[spmem:s26] =	stream.linear.scatter [tilespmem:s29], [sflag:$0x3], $0x4000, $0x38;
	[tilespmem:$0x1D200] =	vst v63  }
0x30: {  	_ =	swait.ge [sflag:s30], $0x4000  }
0x31: {  	[sflag:s30] =	ssyncset.done $0x0  }
0x32: {  	[sflag:s30] =	ssyncadd.s32 $0xFFFFC000  }
0x33: {  	[spmem:s28] =	stream.linear.scatter [tilespmem:s29], [sflag:$0x3], $0x4000, $0x38;
	[tilespmem:$0x1D200] =	vst v63  }
0x34: {  	_ =	swait.ge [sflag:s30], $0x4000  }
0x35: {  	[sflag:s30] =	ssyncset.done $0x0  }
0x36: {  	[sflag:s30] =	ssyncadd.s32 $0xFFFFC000  }
0x37: {  	[bflag:$0x0] =	sbarrier.arrive $0xFFFF  }
0x38: {  	s16 =	rddreg [dreg:$0x4]  }
0x39: {  	[tilespmem:s2], [sflag:$0x3] =	stream.linear.gather [hbm4b:s16+s2], $0x50, $0x38;
	[tilespmem:$0x1D200] =	vst v63  }
0x3a: {  	_ =	swait.ge [sflag:s30], $0x50  }
0x3b: {  	[sflag:s30] =	ssyncset.done $0x0  }
0x3c: {  	s17 =	rddreg [dreg:$0x5];
	[sflag:s30] =	ssyncadd.s32 $0xFFFFFFB0  }
0x3d: {  	[tilespmem:s31], [sflag:$0x3] =	stream.linear.gather [hbm4b:s17+s2], $0x50, $0x38;
	[tilespmem:$0x1D200] =	vst v63  }
0x3e: {  	_ =	swait.ge [sflag:s30], $0x50  }
0x3f: {  	[sflag:s30] =	ssyncset.done $0x0  }
0x40: {  	[sflag:s30] =	ssyncadd.s32 $0xFFFFFFB0  }
0x41: {  	[tilespmem:s3], [sflag:$0x1] =	stream.indirect.gather [hbm4b:s4+s0], $0x80, s2, s0, $0xb8;
	[tilespmem:$0x1D200] =	vst v63  }
0x42: {  	_ =	swait.ge [sflag:s7], $0x2800  }
0x43: {  	[sflag:s7] =	ssyncset.done $0x0  }
0x44: {  	s23 =	sadd.s32 $0x0, s25;
	[sflag:s7] =	ssyncadd.s32 $0xFFFFD800  }
0x45: {  	[tilespmem:s9], [sflag:$0x3] =	stream.linear.gather [hbm4b:s23+s2], $0x50, $0x38;
	[tilespmem:$0x1D200] =	vst v63  }
0x46: {  	_ =	swait.ge [sflag:s30], $0x50  }
0x47: {  	[sflag:s30] =	ssyncset.done $0x0  }
0x48: {  	s16 =	sadd.s32 $0x0, s24;
	[sflag:s30] =	ssyncadd.s32 $0xFFFFFFB0  }
0x49: {  	[tilespmem:s10], [sflag:$0x3] =	stream.linear.gather [hbm4b:s16+s2], $0x50, $0x38;
	[tilespmem:$0x1D200] =	vst v63  }
0x4a: {  	_ =	swait.ge [sflag:s30], $0x50  }
0x4b: {  	[sflag:s30] =	ssyncset.done $0x0  }
0x4c: {  	[sflag:s30] =	ssyncadd.s32 $0xFFFFFFB0  }
0x4d: {  	[tilespmem:s11], [sflag:$0x2] =	stream.indirect.gather [hbm4b:s4+s0], $0x80, s9, s0, $0xb8;
	[tilespmem:$0x1D200] =	vst v63  }
0x4e: {  	_ = 	snop  }
0x4f: {  	[spmem:s1] =	stream.indirect.scatter.add.f32 [tilespmem:s3], [sflag:$0x3], $0x80, s31, s0, $0xb8;
	[tilespmem:$0x1D200] =	vst v63  }
0x50: {  	_ =	swait.ge [sflag:s30], $0x2800  }
0x51: {  	[sflag:s30] =	ssyncset.done $0x0  }
0x52: {  	[sflag:s30] =	ssyncadd.s32 $0xFFFFD800  }
0x53: {  	_ =	swait.ge [sflag:s12], $0x2800  }
0x54: {  	s17 =	sshrl.u32 s15, $0x3;
	[sflag:s12] =	ssyncset.done $0x0  }
0x55: {  	s23 =	sadd.s32 s5, s17;
	[sflag:s12] =	ssyncadd.s32 $0xFFFFD800  }
0x56: {  	[tilespmem:s2], [sflag:$0x3] =	stream.linear.gather [hbm4b:s23+s2], $0x50, $0x38;
	[tilespmem:$0x1D200] =	vst v63  }
0x57: {  	_ =	swait.ge [sflag:s30], $0x50  }
0x58: {  	[sflag:s30] =	ssyncset.done $0x0  }
0x59: {  	s14 =	sadd.s32 s6, s17;
	[sflag:s30] =	ssyncadd.s32 $0xFFFFFFB0  }
0x5a: {  	[tilespmem:s31], [sflag:$0x3] =	stream.linear.gather [hbm4b:s14+s2], $0x50, $0x38;
	[tilespmem:$0x1D200] =	vst v63  }
0x5b: {  	_ =	swait.ge [sflag:s30], $0x50  }
0x5c: {  	[sflag:s30] =	ssyncset.done $0x0  }
0x5d: {  	[sflag:s30] =	ssyncadd.s32 $0xFFFFFFB0  }
0x5e: {  	[tilespmem:s3], [sflag:$0x1] =	stream.indirect.gather [hbm4b:s4+s0], $0x80, s2, s0, $0xb8;
	[tilespmem:$0x1D200] =	vst v63  }
0x5f: {  	_ = 	snop  }
0x60: {  	[spmem:s1] =	stream.indirect.scatter.add.f32 [tilespmem:s11], [sflag:$0x3], $0x80, s10, s0, $0xb8;
	[tilespmem:$0x1D200] =	vst v63  }
0x61: {  	_ =	swait.ge [sflag:s30], $0x2800  }
0x62: {  	s23 =	smov.u32 s15;
	s14 =	simm.s32 $0x14;
	[sflag:s30] =	ssyncset.done $0x0  }
.LBB2_2:
0x63: {  	p0 =	sne.s32 s14, $0x4C4;
	[sflag:s30] =	ssyncadd.s32 $0xFFFFD800;
	s23 =	sadd.s32 $0xA0, s23  }
0x64: {  	s16 =	smov.u32 s14;
	s14 =	sadd.s32 $0x14, s14  }
0x65: {  	_ =	swait.ge [sflag:s7], $0x2800  }
0x66: {  	[sflag:s7] =	ssyncset.done $0x0  }
0x67: {  	s17 =	sadd.s32 s16, s25;
	[sflag:s7] =	ssyncadd.s32 $0xFFFFD800  }
0x68: {  	[tilespmem:s9], [sflag:$0x3] =	stream.linear.gather [hbm4b:s17+s2], $0x50, $0x38;
	[tilespmem:$0x1D200] =	vst v63  }
0x69: {  	_ =	swait.ge [sflag:s30], $0x50  }
0x6a: {  	[sflag:s30] =	ssyncset.done $0x0  }
0x6b: {  	s16 =	sadd.s32 s16, s24;
	[sflag:s30] =	ssyncadd.s32 $0xFFFFFFB0  }
0x6c: {  	[tilespmem:s10], [sflag:$0x3] =	stream.linear.gather [hbm4b:s16+s2], $0x50, $0x38;
	[tilespmem:$0x1D200] =	vst v63  }
0x6d: {  	_ =	swait.ge [sflag:s30], $0x50  }
0x6e: {  	[sflag:s30] =	ssyncset.done $0x0  }
0x6f: {  	[sflag:s30] =	ssyncadd.s32 $0xFFFFFFB0  }
0x70: {  	[tilespmem:s11], [sflag:$0x2] =	stream.indirect.gather [hbm4b:s4+s0], $0x80, s9, s0, $0xb8;
	[tilespmem:$0x1D200] =	vst v63  }
0x71: {  	_ = 	snop  }
0x72: {  	[spmem:s1] =	stream.indirect.scatter.add.f32 [tilespmem:s3], [sflag:$0x3], $0x80, s31, s0, $0xb8;
	[tilespmem:$0x1D200] =	vst v63  }
0x73: {  	_ =	swait.ge [sflag:s30], $0x2800  }
0x74: {  	[sflag:s30] =	ssyncset.done $0x0  }
0x75: {  	[sflag:s30] =	ssyncadd.s32 $0xFFFFD800  }
0x76: {  	_ =	swait.ge [sflag:s12], $0x2800  }
0x77: {  	s16 =	sshrl.u32 s23, $0x3;
	[sflag:s12] =	ssyncset.done $0x0  }
0x78: {  	s17 =	sadd.s32 s5, s16;
	[sflag:s12] =	ssyncadd.s32 $0xFFFFD800  }
0x79: {  	[tilespmem:s2], [sflag:$0x3] =	stream.linear.gather [hbm4b:s17+s2], $0x50, $0x38;
	[tilespmem:$0x1D200] =	vst v63  }
0x7a: {  	_ =	swait.ge [sflag:s30], $0x50  }
0x7b: {  	[sflag:s30] =	ssyncset.done $0x0  }
0x7c: {  	s16 =	sadd.s32 s6, s16;
	[sflag:s30] =	ssyncadd.s32 $0xFFFFFFB0  }
0x7d: {  	[tilespmem:s31], [sflag:$0x3] =	stream.linear.gather [hbm4b:s16+s2], $0x50, $0x38;
	[tilespmem:$0x1D200] =	vst v63  }
0x7e: {  	_ =	swait.ge [sflag:s30], $0x50  }
0x7f: {  	[sflag:s30] =	ssyncset.done $0x0  }
0x80: {  	[sflag:s30] =	ssyncadd.s32 $0xFFFFFFB0  }
0x81: {  	[tilespmem:s3], [sflag:$0x1] =	stream.indirect.gather [hbm4b:s4+s0], $0x80, s2, s0, $0xb8;
	[tilespmem:$0x1D200] =	vst v63  }
.Ltmp0:
0x82: {  	_ = 	snop;
	(pc) =	sbr.rel @p0 .LBB2_2-.Ltmp0, $4  }
0x83: {  	_ = 	snop  }
0x84: {  	[spmem:s1] =	stream.indirect.scatter.add.f32 [tilespmem:s11], [sflag:$0x3], $0x80, s10, s0, $0xb8;
	[tilespmem:$0x1D200] =	vst v63  }
0x85: {  	_ =	swait.ge [sflag:s30], $0x2800  }
0x86: {  	[sflag:s30] =	ssyncset.done $0x0  }
0x87: {  	[sflag:s30] =	ssyncadd.s32 $0xFFFFD800  }
0x88: {  	_ =	swait.ge [sflag:s7], $0x2800  }
0x89: {  	[sflag:s7] =	ssyncset.done $0x0  }
0x8a: {  	[sflag:s7] =	ssyncadd.s32 $0xFFFFD800  }
0x8b: {  	[spmem:s1] =	stream.indirect.scatter.add.f32 [tilespmem:s3], [sflag:$0x3], $0x80, s31, s0, $0xb8;
	[tilespmem:$0x1D200] =	vst v63  }
0x8c: {  	_ =	swait.ge [sflag:s30], $0x2800  }
0x8d: {  	[sflag:s30] =	ssyncset.done $0x0  }
0x8e: {  	[sflag:s30] =	ssyncadd.s32 $0xFFFFD800  }
0x8f: {  	[bflag:$0x0] =	sbarrier.arrive $0xFFFF  }
0x90: {  	[tilespmem:s29], [sflag:$0x3] =	stream.linear.gather [spmem:s8], $0x4000, $0x38;
	[tilespmem:$0x1D200] =	vst v63  }
0x91: {  	_ =	swait.ge [sflag:s30], $0x4000  }
0x92: {  	[sflag:s30] =	ssyncset.done $0x0  }
0x93: {  	s14 =	rddreg [dreg:$0x9];
	[sflag:s30] =	ssyncadd.s32 $0xFFFFC000  }
0x94: {  	[hbm4b:s14+s2] =	stream.linear.scatter [tilespmem:s29], [sflag:$0x3], $0x4000, $0x38;
	[tilespmem:$0x1D200] =	vst v63  }
0x95: {  	_ =	swait.ge [sflag:s30], $0x4000  }
0x96: {  	[sflag:s30] =	ssyncset.done $0x0  }
0x97: {  	s23 =	rddreg [dreg:$0xa];
	[sflag:s30] =	ssyncadd.s32 $0xFFFFC000  }
0x98: {  	[tilespmem:s29], [sflag:$0x3] =	stream.linear.gather [spmem:s23], $0x4000, $0x38;
	[tilespmem:$0x1D200] =	vst v63  }
0x99: {  	_ =	swait.ge [sflag:s30], $0x4000  }
0x9a: {  	[sflag:s30] =	ssyncset.done $0x0  }
0x9b: {  	s16 =	rddreg [dreg:$0xb];
	[sflag:s30] =	ssyncadd.s32 $0xFFFFC000  }
0x9c: {  	[hbm4b:s16+s2] =	stream.linear.scatter [tilespmem:s29], [sflag:$0x3], $0x4000, $0x38;
	[tilespmem:$0x1D200] =	vst v63  }
0x9d: {  	_ =	swait.ge [sflag:s30], $0x4000  }
0x9e: {  	[sflag:s30] =	ssyncset.done $0x0  }
0x9f: {  	s17 =	rddreg [dreg:$0xc];
	[sflag:s30] =	ssyncadd.s32 $0xFFFFC000  }
0xa0: {  	[tilespmem:s29], [sflag:$0x3] =	stream.linear.gather [spmem:s17], $0x4000, $0x38;
	[tilespmem:$0x1D200] =	vst v63  }
0xa1: {  	_ =	swait.ge [sflag:s30], $0x4000  }
0xa2: {  	[sflag:s30] =	ssyncset.done $0x0  }
0xa3: {  	[sflag:s30] =	ssyncadd.s32 $0xFFFFC000  }
0xa4: {  	[hbm4b:s18+s2] =	stream.linear.scatter [tilespmem:s29], [sflag:$0x3], $0x4000, $0x38;
	[tilespmem:$0x1D200] =	vst v63  }
0xa5: {  	_ =	swait.ge [sflag:s30], $0x4000  }
0xa6: {  	[sflag:s30] =	ssyncset.done $0x0  }
0xa7: {  	[sflag:s30] =	ssyncadd.s32 $0xFFFFC000  }
0xa8: {  	[tilespmem:s29], [sflag:$0x3] =	stream.linear.gather [spmem:s19], $0x4000, $0x38;
	[tilespmem:$0x1D200] =	vst v63  }
0xa9: {  	_ =	swait.ge [sflag:s30], $0x4000  }
0xaa: {  	[sflag:s30] =	ssyncset.done $0x0  }
0xab: {  	[sflag:s30] =	ssyncadd.s32 $0xFFFFC000  }
0xac: {  	[hbm4b:s20+s2] =	stream.linear.scatter [tilespmem:s29], [sflag:$0x3], $0x4000, $0x38;
	[tilespmem:$0x1D200] =	vst v63  }
0xad: {  	_ =	swait.ge [sflag:s30], $0x4000  }
0xae: {  	[sflag:s30] =	ssyncset.done $0x0  }
0xaf: {  	[sflag:s30] =	ssyncadd.s32 $0xFFFFC000  }
0xb0: {  	[tilespmem:s29], [sflag:$0x3] =	stream.linear.gather [spmem:s21], $0x4000, $0x38;
	[tilespmem:$0x1D200] =	vst v63  }
0xb1: {  	_ =	swait.ge [sflag:s30], $0x4000  }
0xb2: {  	[sflag:s30] =	ssyncset.done $0x0  }
0xb3: {  	[sflag:s30] =	ssyncadd.s32 $0xFFFFC000  }
0xb4: {  	[hbm4b:s22+s2] =	stream.linear.scatter [tilespmem:s29], [sflag:$0x3], $0x4000, $0x38;
	[tilespmem:$0x1D200] =	vst v63  }
0xb5: {  	_ =	swait.ge [sflag:s30], $0x4000  }
0xb6: {  	s13 =	sadd.s32 $0x1, s13;
	s23 =	rddreg [dreg:$0x6]  }
0xb7: {  	p0 =	sne.s32 s13, s23  }
.Ltmp1:
0xb8: {  	_ = 	snop;
	(pc) =	sbr.rel @p0 .LBB2_1-.Ltmp1, $3  }
0xb9: {  	_ =	sdelay $0x1  }
0xba: {  	[sflag:s30] =	ssyncset.done $0x0  }
0xbb: {  	[sflag:s30] =	ssyncadd.s32 $0xFFFFC000  }
0xbc: {  	_ =	sfence.sel $0x180000  }
0xbd: {  	[bflag:$0x0] =	sbarrier.arrive $0xFFFF  }
0xbe: {  	_ =	strace $0x9000004D  }
0xbf: {  	s0 =	stileid.u32;
	[bflag:$0x2] =	sbarrier.arrive $0xFFFF  }
0xc0: {  	p0 =	sne.s32 s0, $0x0;
	s0 =	rddreg [dreg:$0x2]  }
0xc1: {  	s0 =	sadd.s32 @!p0 $0x100000, s0  }
0xc2: {  	[sflag:s0] =	ssyncadd.tile.s32 @!p0 $0x1;
	_ =	shalt  }
.Lfunc_end2:
_tile_overlayer_lowered:
.L_overlay_start_2:
0xc3: {  	(tag) =	ssettag $0x2  }
0xc4: {  	s0 =	rddreg [dreg:$0x0];
	s2 =	stileid.u32  }
0xc5: {  	s1 =	rddreg [dreg:$0x1];
	p0 =	sne.s32 s2, $0x0  }
0xc6: {  	s3 =	rddreg [dreg:$0x2];
	[bflag:$0x3] =	sbarrier.arrive $0xFFFF;
	s2 =	simm.s32 @!p0 $0x1C03  }
0xc7: {  	[timem:s3], [sflag:s2] =	dma.local @!p0 [hbm:s0], s1  }
0xc8: {  	s0 =	simm.s32 @!p0 $0x3  }
0xc9: {  	_ =	swait.ge @!p0 [sflag:s0], s1  }
0xca: {  	s1 =	ssub.s32 @!p0 $0x0, s1;
	[sflag:s0] =	ssyncset.done @!p0 $0x0  }
0xcb: {  	[sflag:s0] =	ssyncadd.s32 @!p0 s1  }
0xcc: {  	[bflag:$0x3] =	sbarrier.arrive $0xFFFF  }
0xcd: {  	_ =	shalt  }

// kernel: kernel.19.cloned.1.call-start
scs
__scs_entry_jumppad:
0x0: {  	(pc) =	sbr.rel $0x88, $3  }
0x1: {  	(tag) =	ssettag $0x0;
	lr =	simm.s32 $0x1  }
0x2: {  	[smem:$0x3F8C] =	sst lr;
	_ =	strace $0xD0000000  }
0x3: {  	_ = 	snop  }
0x4: {  	_ = 	snop  }
0x5: {  	_ = 	snop  }
0x6: {  	_ = 	snop  }
0x7: {  	_ = 	snop  }
__scs_overlays_trampoline_lowered:
0x8: {  	[smem:$0x3F9B] =	sst s0  }
0x9: {  	[smem:$0x3F9C] =	sst s1  }
0xa: {  	[smem:$0x3F9D] =	sst s2  }
0xb: {  	[smem:$0x3F9E] =	sst s3  }
0xc: {  	[smem:$0x3F9F] =	sst s4  }
0xd: {  	[smem:$0x3FA0] =	sst s5  }
0xe: {  	[smem:$0x3FA1] =	sst s6  }
0xf: {  	[smem:$0x3FA2] =	sst s7  }
0x10: {  	[smem:$0x3FA3] =	sst s8  }
0x11: {  	[smem:$0x3FA4] =	sst s9;
	s0 =	simm.s32 @!p0 $0x0  }
0x12: {  	s1 =	sld [smem:$0x3F8A];
	s0 =	simm.s32 @p0 $0x1  }
0x13: {  	[smem:$0x3FA5] =	sst s0;
	s0 =	simm.s32 @!p1 $0x0  }
0x14: {  	s2 =	sld [smem:$0x3F89];
	s0 =	simm.s32 @p1 $0x1  }
0x15: {  	[smem:$0x3FA6] =	sst s0;
	s0 =	simm.s32 @!p2 $0x0  }
0x16: {  	s3 =	sld [smem:$0x3FDB];
	s0 =	simm.s32 @p2 $0x1  }
0x17: {  	s4 =	simm.s32 $0x1BF5;
	[smem:$0x3FA8] =	sst s0  }
0x18: {  	s0 =	sld [smem:$0x3F8B];
	_ =	swait.ge [sflag:s4], $0x0  }
0x19: {  	s7 =	sld [smem:$0x3F8C]  }
0x1a: {  	s8 =	sadd.s32 $0xFFFFE003, lr  }
0x1b: {  	s9 =	sadd.s32 $0xFFFFFEF7, lr;
	s5 =	simm.s32 $0xFFFFFFFF;
	p2 =	slt.u32 s8, $0xFFFFF086  }
0x1c: {  	p1 =	slt.u32 s9, $0xF7A;
	s5 =	simm.s32 @!p2 $0x0  }
0x1d: {  	s5 =	simm.s32 @p1 $0x1;
	p0 =	seq.s32 s7, s2  }
0x1e: {  	s7 =	smul.u32 @!p0 $0xF7A, s2;
	p2 =	seq.s32 @!p0 s5, $0x0  }
0x1f: {  	s9 =	smul.u32 $0xF7A, s1;
	s8 =	simm.s32 @!p0 $0x1BF5;
	p2 =	por !p2, p0  }
0x20: {  	[sflag:s8] =	ssyncset.s32 @!p0 $0xFFFFF086;
	s6 =	sadd.s32 @!p0 s3, s7;
	s7 =	simm.s32 @!p0 $0x108  }
0x21: {  	s3 =	sadd.s32 s3, s9;
	s6 =	sadd.s32 @!p0 $0x88, s6;
	s7 =	simm.s32 @p2 $0x1082  }
0x22: {  	[simem:s7], [sflag:s8] =	dma.local @!p0 [hbm:s6], $0xF7A  }
0x23: {  	s9 =	sor.u32 $0xD0000000, s2;
	s6 =	simm.s32 $0x108;
	_ =	swait.ge @!p0 [sflag:s8], $0x0  }
0x24: {  	s3 =	sadd.s32 $0x88, s3;
	s6 =	simm.s32 @!p1 $0x1082;
	[sflag:s4] =	ssyncset.s32 $0xFFFFF086  }
0x25: {  	[simem:s6], [sflag:s4] =	dma.local [hbm:s3], $0xF7A  }
0x26: {  	[smem:$0x3F8C] =	sst s1;
	(tag) =	ssettag s2;
	_ =	strace s9  }
0x27: {  	s1 =	sld [smem:$0x3F9C]  }
0x28: {  	s2 =	sld [smem:$0x3F9D]  }
0x29: {  	s4 =	sld [smem:$0x3F9F]  }
0x2a: {  	p0 =	seq.s32 s5, $0x0;
	s5 =	sld [smem:$0x3FA0]  }
0x2b: {  	s6 =	sld [smem:$0x3FA1]  }
0x2c: {  	s7 =	sld [smem:$0x3FA2]  }
0x2d: {  	s3 =	simm.s32 $0x108;
	s8 =	sld [smem:$0x3FA3]  }
0x2e: {  	s3 =	simm.s32 @!p0 $0x1082;
	s9 =	sld [smem:$0x3FA4]  }
0x2f: {  	lr =	sadd.s32 s0, s3;
	s0 =	sld [smem:$0x3F9B]  }
0x30: {  	s3 =	sld [smem:$0x3F9E]  }
0x31: {  	[smem:$0x3FA7] =	sst s10  }
0x32: {  	s10 =	sld [smem:$0x3FA5];
	_ =	sdelay $0x3  }
0x33: {  	p0 =	seq.s32 s10, $0x1;
	s10 =	sld [smem:$0x3FA7];
	_ =	sdelay $0x3  }
0x34: {  	[smem:$0x3FA7] =	sst s10  }
0x35: {  	s10 =	sld [smem:$0x3FA6];
	_ =	sdelay $0x3  }
0x36: {  	p1 =	seq.s32 s10, $0x1;
	s10 =	sld [smem:$0x3FA7];
	_ =	sdelay $0x3  }
0x37: {  	[smem:$0x3FA7] =	sst s10  }
0x38: {  	s10 =	sld [smem:$0x3FA8]  }
0x39: {  	_ = 	snop;
	(pc) =	sbr.ind lr, $3  }
0x3a: {  	_ = 	snop  }
0x3b: {  	_ = 	snop  }
0x3c: {  	p2 =	seq.s32 s10, $0x1;
	s10 =	sld [smem:$0x3FA7]  }
0x3d: {  	_ =	shalt  }
0x3e: {  	_ =	shalt  }
0x3f: {  	_ =	shalt  }
0x40: {  	_ =	shalt  }
0x41: {  	_ =	shalt  }
0x42: {  	_ =	shalt  }
0x43: {  	_ =	shalt  }
0x44: {  	_ =	shalt  }
0x45: {  	_ =	shalt  }
0x46: {  	_ =	shalt  }
0x47: {  	_ =	shalt  }
0x48: {  	_ =	shalt  }
0x49: {  	_ =	shalt  }
0x4a: {  	_ =	shalt  }
0x4b: {  	_ =	shalt  }
0x4c: {  	_ =	shalt  }
0x4d: {  	_ =	shalt  }
0x4e: {  	_ =	shalt  }
0x4f: {  	_ =	shalt  }
0x50: {  	_ =	shalt  }
0x51: {  	_ =	shalt  }
0x52: {  	_ =	shalt  }
0x53: {  	_ =	shalt  }
0x54: {  	_ =	shalt  }
0x55: {  	_ =	shalt  }
0x56: {  	_ =	shalt  }
0x57: {  	_ =	shalt  }
0x58: {  	_ =	shalt  }
0x59: {  	_ =	shalt  }
0x5a: {  	_ =	shalt  }
0x5b: {  	_ =	shalt  }
0x5c: {  	_ =	shalt  }
0x5d: {  	_ =	shalt  }
0x5e: {  	_ =	shalt  }
0x5f: {  	_ =	shalt  }
0x60: {  	_ =	shalt  }
0x61: {  	_ =	shalt  }
0x62: {  	_ =	shalt  }
0x63: {  	_ =	shalt  }
0x64: {  	_ =	shalt  }
0x65: {  	_ =	shalt  }
0x66: {  	_ =	shalt  }
0x67: {  	_ =	shalt  }
0x68: {  	_ =	shalt  }
0x69: {  	_ =	shalt  }
0x6a: {  	_ =	shalt  }
0x6b: {  	_ =	shalt  }
0x6c: {  	_ =	shalt  }
0x6d: {  	_ =	shalt  }
0x6e: {  	_ =	shalt  }
0x6f: {  	_ =	shalt  }
0x70: {  	_ =	shalt  }
0x71: {  	_ =	shalt  }
0x72: {  	_ =	shalt  }
0x73: {  	_ =	shalt  }
0x74: {  	_ =	shalt  }
0x75: {  	_ =	shalt  }
0x76: {  	_ =	shalt  }
0x77: {  	_ =	shalt  }
0x78: {  	_ =	shalt  }
0x79: {  	_ =	shalt  }
0x7a: {  	_ =	shalt  }
0x7b: {  	_ =	shalt  }
0x7c: {  	_ =	shalt  }
0x7d: {  	_ =	shalt  }
0x7e: {  	_ =	shalt  }
0x7f: {  	_ =	shalt  }
0x80: {  	_ =	shalt  }
0x81: {  	_ =	shalt  }
0x82: {  	_ =	shalt  }
0x83: {  	_ =	shalt  }
0x84: {  	_ =	shalt  }
0x85: {  	_ =	shalt  }
0x86: {  	_ =	shalt  }
0x87: {  	_ =	shalt  }
.Lfunc_end0:
.L_simem_size_0:
called_computation.3_lowered:
.L_overlay_start_0:
0x88: {  	s2 =	sld [smem:$0x3FD9]  }
0x89: {  	s3 =	sld [smem:$0x3FFE];
	_ =	sdelay $0x1  }
0x8a: {  	s1 =	srdreg.scid  }
0x8b: {  	s0 =	sand.u32 $0x1, s1  }
0x8c: {  	s16 =	sshll.u32 s0, $0xA;
	s2 =	sadd.s32 s3, s2  }
0x8d: {  	s2 =	sadd.s32 s2, s16  }
0x8e: {  	[smem:$0x3FB3] =	sst s2  }
0x8f: {  	_ = 	snop  }
0x90: {  	(tm) =	ssettm $0x1  }
0x91: {  	s17 =	sld [smem:$0x3FFB];
	_ =	sdelay $0x3  }
0x92: {  	_ =	strace s17  }
0x93: {  	s2 =	sld [smem:$0x3FFC];
	_ =	sdelay $0x3  }
0x94: {  	_ =	strace s2  }
0x95: {  	s2 =	sld [smem:$0x3FFD];
	_ =	sdelay $0x3  }
0x96: {  	_ =	strace s2  }
0x97: {  	_ =	strace $0x8FFFFFFF  }
0x98: {  	s18 =	sld [smem:$0x3FDB];
	_ =	sdelay $0x1  }
0x99: {  	s19 =	simm.s32 $_scs_section_size  }
0x9a: {  	s4 =	simm.s32 $_size__tile_overlayer_lowered;
	s5 =	simm.s32 $_tile_overlayer_lowered  }
0x9b: {  	s22 =	simm.s32 $0x1BFF;
	s21 =	sshll.u32 s5, $0x1;
	s2 =	sadd.s32 s19, s18  }
0x9c: {  	s6 =	simm.s32 $0x0;
	s20 =	sshll.u32 s4, $0x1;
	s4 =	sadd.s32 s21, s2  }
0x9d: {  	[timem:s6], [sflag:s22] =	dma.local [hbm:s4], s20  }
0x9e: {  	_ =	swait.ge [sflag:s22], s20  }
0x9f: {  	s3 =	ssub.s32 $0x0, s20;
	[sflag:s22] =	ssyncset.done $0x0  }
0xa0: {  	[sflag:s22] =	ssyncadd.s32 s3;
	_ =	sdelay $0x1  }
0xa1: {  	s23 =	simm.s32 $0x1B8B  }
0xa2: {  	_ =	swait.ge [sflag:s23], $0x1  }
0xa3: {  	[sflag:s23] =	ssyncset.done $0x0  }
0xa4: {  	s25 =	simm.s32 $0x1B8E;
	s24 =	sld [smem:$0x3FFE];
	[sflag:s23] =	ssyncadd.s32 $0xFFFFFFFF  }
0xa5: {  	s26 =	simm.s32 $execute0_lowered;
	[smem:$0x3FD2] =	sst s25  }
0xa6: {  	s4 =	sshll.u32 s26, $0x1;
	_ =	strace $0x8000004F;
	[dreg:$0x1] =	wrdreg $0xFFFFFFFF  }
0xa7: {  	s28 =	simm.s32 $_size_execute0_lowered;
	s2 =	sadd.s32 s2, s4;
	[dreg:$0x0] =	wrdreg $0x0  }
0xa8: {  	s4 =	sshll.u32 s28, $0x1;
	[dreg:$0x2] =	wrdreg s2  }
0xa9: {  	[dreg:$0x3] =	wrdreg s4  }
0xaa: {  	[dreg:$0x4] =	wrdreg $0xC0  }
0xab: {  	_ =	task [dreg:s6], $0x5FFFF  }
0xac: {  	[dreg:$0x1] =	wrdreg $0xFFFFFFFF  }
0xad: {  	[dreg:$0x0] =	wrdreg $0x60  }
0xae: {  	[dreg:$0x2] =	wrdreg s24  }
0xaf: {  	[dreg:$0x3] =	wrdreg $0x92000  }
0xb0: {  	[dreg:$0x4] =	wrdreg $0x9  }
0xb1: {  	_ =	task.clear_ibuf [dreg:s6], $0x5FFFF;
	_ =	strace $0x9000004F  }
0xb2: {  	s29 =	simm.s32 $0x9;
	_ =	strace $0x80000051  }
0xb3: {  	_ =	swait.ge [sflag:s29], $0x1  }
0xb4: {  	[sflag:s29] =	ssyncadd.s32 $0xFFFFFFFF  }
0xb5: {  	_ =	strace $0x90000051  }
0xb6: {  	_ =	sfence  }
0xb7: {  	s30 =	sld [smem:$0x0];
	_ =	sdelay $0x2  }
0xb8: {  	s31 =	sshll.u32 s1, $0xD;
	s1 =	sshrl.u32 s1, $0x2  }
0xb9: {  	s3 =	sand.u32 $0x4000, s31;
	s1 =	sadd.s32 s1, s30  }
0xba: {  	s0 =	sor.u32 s3, s0;
	s1 =	sshll.u32 s1, $0x11  }
0xbb: {  	s0 =	sor.u32 s1, s0  }
0xbc: {  	s0 =	sadd.s32 $0x8F2B, s0  }
0xbd: {  	[sflag:s0] =	ssyncadd.remote.s32 $0x1  }
0xbe: {  	_ =	sfence.sel $0xFFFF  }
0xbf: {  	[dreg:$0x0] =	wrdreg $0xFFFFFFFF;
	(pc) =	sbr.abs _section_cstart, $3  }
0xc0: {  	[dreg:$0x1] =	wrdreg $0xFFFFFFFF  }
0xc1: {  	_ =	task.clear_ibuf [dreg:s6], $0x2FFFF;
	_ =	strace $0x9FFFFFFF  }
0xc2: {  	(tm) =	ssettm $0x7FFFFFFF  }
0xc3: {  	_ =	shalt  }
tec
execute0_lowered:
.L_overlay_start_1:
0x0: {  	(tag) =	ssettag $0x1  }
0x1: {  	s0 =	rddreg [dreg:$0x0]  }
0x2: {  	s1 =	rddreg [dreg:$0x1];
	s2 =	simm.s32 $0x0  }
0x3: {  	s3 =	srdreg.scid;
	s13 =	stileid.u32;
	s29 =	simm.s32 $0x5200  }
0x4: {  	s30 =	simm.s32 $0x3;
	s31 =	simm.s32 $0x80;
	[smem:$0x7FF] =	sst s2  }
0x5: {  	s4 =	sadd.s32 $0x18800, s0;
	s3 =	sand.u32 $0x1, s3;
	s8 =	smul.u32 $0x50000, s13  }
0x6: {  	s5 =	sadd.s32 $0x4400, s0;
	s6 =	sadd.s32 $0xE200, s0;
	s12 =	smul.u32 $0x14000, s13  }
0x7: {  	s9 =	sadd.s32 $0x18000, s0;
	s0 =	sadd.s32 $0x3FA00, s0;
	s22 =	smul.u32 $0x2710, s13  }
0x8: {  	_ =	strace $0x80000050;
	s7 =	sshll.u32 s3, $0x4;
	s11 =	smul.u32 $0x140000, s3  }
0x9: {  	[dreg:$0x3] =	wrdreg s9;
	s23 =	ssub.s32 $0x2, s3;
	s3 =	smul.u32 $0x27100, s3  }
0xa: {  	s7 =	sor.u32 s13, s7;
	s10 =	sshrl.u32 s23, $0x1;
	s8 =	sshrl.u32 s8, $0x2  }
0xb: {  	s14 =	sadd.s32 $0x4000, s12;
	s17 =	sadd.s32 $0x8000, s12;
	s20 =	sadd.s32 $0xC000, s12  }
0xc: {  	s13 =	simm.s32 $0x0;
	s7 =	smul.u32 $0x2710, s7;
	s9 =	ssub.s32 s23, s10  }
0xd: {  	s8 =	sadd.s32 s8, s1;
	s26 =	sadd.s32 s11, s12;
	s16 =	sadd.s32 s11, s14  }
0xe: {  	s18 =	sadd.s32 s17, s1;
	s19 =	sadd.s32 s11, s17;
	s21 =	sadd.s32 s11, s20  }
0xf: {  	s23 =	sadd.s32 $0x10000, s12;
	s25 =	smax.u32 s9, $0x1;
	[dreg:$0xc] =	wrdreg s18  }
0x10: {  	s3 =	sadd.s32 s22, s3;
	s10 =	sadd.s32 $0x4000, s8;
	[dreg:$0x6] =	wrdreg s25  }
0x11: {  	s12 =	simm.s32 $0x2;
	s15 =	sadd.s32 $0x8000, s8;
	[dreg:$0x7] =	wrdreg s10  }
0x12: {  	s9 =	sadd.s32 s14, s1;
	s28 =	sadd.s32 $0x10000, s8;
	[dreg:$0x8] =	wrdreg s15  }
0x13: {  	s7 =	sshrl.u32 s7, $0x3;
	[dreg:$0xa] =	wrdreg s9;
	s25 =	sadd.s32 $0x50, s3  }
0x14: {  	s15 =	sadd.s32 $0xA0, s3;
	s24 =	sadd.s32 s5, s7;
	s7 =	sadd.s32 s6, s7  }
0x15: {  	s3 =	simm.s32 $0x100;
	[dreg:$0x5] =	wrdreg s7;
	s7 =	sshrl.u32 s26, $0x3  }
0x16: {  	s9 =	simm.s32 $0x2900;
	[dreg:$0x4] =	wrdreg s24;
	s7 =	sadd.s32 s0, s7  }
0x17: {  	s10 =	simm.s32 $0x2980;
	[dreg:$0x9] =	wrdreg s7;
	s7 =	sshrl.u32 s16, $0x3  }
0x18: {  	s24 =	sadd.s32 s11, s23;
	s26 =	sshrl.u32 s25, $0x3;
	s7 =	sadd.s32 s0, s7  }
0x19: {  	s11 =	simm.s32 $0x2A00;
	[dreg:$0xb] =	wrdreg s7;
	s7 =	sshrl.u32 s19, $0x3  }
0x1a: {  	s25 =	sadd.s32 s26, s5;
	s18 =	sadd.s32 s0, s7;
	s7 =	sshrl.u32 s21, $0x3  }
0x1b: {  	s19 =	sadd.s32 s20, s1;
	s21 =	sadd.s32 s23, s1;
	s20 =	sadd.s32 s0, s7  }
0x1c: {  	s7 =	sshrl.u32 s24, $0x3;
	s24 =	sadd.s32 s26, s6;
	s26 =	sadd.s32 $0xC000, s8  }
0x1d: {  	s22 =	sadd.s32 s0, s7;
	s0 =	simm.s32 $0x50;
	s7 =	simm.s32 $0x1  }
.LBB2_1:
0x1e: {  	s14 =	rddreg [dreg:$0x3]  }
0x1f: {  	[tilespmem:s29], [sflag:$0x3] =	stream.linear.gather [hbm4b:s14+s2], $0x4000, $0x38;
	[tilespmem:$0x1D200] =	vst v63  }
0x20: {  	_ =	swait.ge [sflag:s30], $0x4000  }
0x21: {  	[sflag:s30] =	ssyncset.done $0x0  }
0x22: {  	[sflag:s30] =	ssyncadd.s32 $0xFFFFC000  }
0x23: {  	[spmem:s8] =	stream.linear.scatter [tilespmem:s29], [sflag:$0x3], $0x4000, $0x38;
	[tilespmem:$0x1D200] =	vst v63  }
0x24: {  	_ =	swait.ge [sflag:s30], $0x4000  }
0x25: {  	[sflag:s30] =	ssyncset.done $0x0  }
0x26: {  	s17 =	rddreg [dreg:$0x7];
	[sflag:s30] =	ssyncadd.s32 $0xFFFFC000  }
0x27: {  	[spmem:s17] =	stream.linear.scatter [tilespmem:s29], [sflag:$0x3], $0x4000, $0x38;
	[tilespmem:$0x1D200] =	vst v63  }
0x28: {  	_ =	swait.ge [sflag:s30], $0x4000  }
0x29: {  	[sflag:s30] =	ssyncset.done $0x0  }
0x2a: {  	s23 =	rddreg [dreg:$0x8];
	[sflag:s30] =	ssyncadd.s32 $0xFFFFC000  }
0x2b: {  	[spmem:s23] =	stream.linear.scatter [tilespmem:s29], [sflag:$0x3], $0x4000, $0x38;
	[tilespmem:$0x1D200] =	vst v63  }
0x2c: {  	_ =	swait.ge [sflag:s30], $0x4000  }
0x2d: {  	[sflag:s30] =	ssyncset.done $0x0  }
0x2e: {  	[sflag:s30] =	ssyncadd.s32 $0xFFFFC000  }
0x2f: {  	[spmem:s26] =	stream.linear.scatter [tilespmem:s29], [sflag:$0x3], $0x4000, $0x38;
	[tilespmem:$0x1D200] =	vst v63  }
0x30: {  	_ =	swait.ge [sflag:s30], $0x4000  }
0x31: {  	[sflag:s30] =	ssyncset.done $0x0  }
0x32: {  	[sflag:s30] =	ssyncadd.s32 $0xFFFFC000  }
0x33: {  	[spmem:s28] =	stream.linear.scatter [tilespmem:s29], [sflag:$0x3], $0x4000, $0x38;
	[tilespmem:$0x1D200] =	vst v63  }
0x34: {  	_ =	swait.ge [sflag:s30], $0x4000  }
0x35: {  	[sflag:s30] =	ssyncset.done $0x0  }
0x36: {  	[sflag:s30] =	ssyncadd.s32 $0xFFFFC000  }
0x37: {  	[bflag:$0x0] =	sbarrier.arrive $0xFFFF  }
0x38: {  	s16 =	rddreg [dreg:$0x4]  }
0x39: {  	[tilespmem:s2], [sflag:$0x3] =	stream.linear.gather [hbm4b:s16+s2], $0x50, $0x38;
	[tilespmem:$0x1D200] =	vst v63  }
0x3a: {  	_ =	swait.ge [sflag:s30], $0x50  }
0x3b: {  	[sflag:s30] =	ssyncset.done $0x0  }
0x3c: {  	s17 =	rddreg [dreg:$0x5];
	[sflag:s30] =	ssyncadd.s32 $0xFFFFFFB0  }
0x3d: {  	[tilespmem:s31], [sflag:$0x3] =	stream.linear.gather [hbm4b:s17+s2], $0x50, $0x38;
	[tilespmem:$0x1D200] =	vst v63  }
0x3e: {  	_ =	swait.ge [sflag:s30], $0x50  }
0x3f: {  	[sflag:s30] =	ssyncset.done $0x0  }
0x40: {  	[sflag:s30] =	ssyncadd.s32 $0xFFFFFFB0  }
0x41: {  	[tilespmem:s3], [sflag:$0x1] =	stream.indirect.gather [hbm4b:s4+s0], $0x80, s2, s0, $0xb8;
	[tilespmem:$0x1D200] =	vst v63  }
0x42: {  	_ =	swait.ge [sflag:s7], $0x2800  }
0x43: {  	[sflag:s7] =	ssyncset.done $0x0  }
0x44: {  	s23 =	sadd.s32 $0x0, s25;
	[sflag:s7] =	ssyncadd.s32 $0xFFFFD800  }
0x45: {  	[tilespmem:s9], [sflag:$0x3] =	stream.linear.gather [hbm4b:s23+s2], $0x50, $0x38;
	[tilespmem:$0x1D200] =	vst v63  }
0x46: {  	_ =	swait.ge [sflag:s30], $0x50  }
0x47: {  	[sflag:s30] =	ssyncset.done $0x0  }
0x48: {  	s16 =	sadd.s32 $0x0, s24;
	[sflag:s30] =	ssyncadd.s32 $0xFFFFFFB0  }
0x49: {  	[tilespmem:s10], [sflag:$0x3] =	stream.linear.gather [hbm4b:s16+s2], $0x50, $0x38;
	[tilespmem:$0x1D200] =	vst v63  }
0x4a: {  	_ =	swait.ge [sflag:s30], $0x50  }
0x4b: {  	[sflag:s30] =	ssyncset.done $0x0  }
0x4c: {  	[sflag:s30] =	ssyncadd.s32 $0xFFFFFFB0  }
0x4d: {  	[tilespmem:s11], [sflag:$0x2] =	stream.indirect.gather [hbm4b:s4+s0], $0x80, s9, s0, $0xb8;
	[tilespmem:$0x1D200] =	vst v63  }
0x4e: {  	_ = 	snop  }
0x4f: {  	[spmem:s1] =	stream.indirect.scatter.add.f32 [tilespmem:s3], [sflag:$0x3], $0x80, s31, s0, $0xb8;
	[tilespmem:$0x1D200] =	vst v63  }
0x50: {  	_ =	swait.ge [sflag:s30], $0x2800  }
0x51: {  	[sflag:s30] =	ssyncset.done $0x0  }
0x52: {  	[sflag:s30] =	ssyncadd.s32 $0xFFFFD800  }
0x53: {  	_ =	swait.ge [sflag:s12], $0x2800  }
0x54: {  	s17 =	sshrl.u32 s15, $0x3;
	[sflag:s12] =	ssyncset.done $0x0  }
0x55: {  	s23 =	sadd.s32 s5, s17;
	[sflag:s12] =	ssyncadd.s32 $0xFFFFD800  }
0x56: {  	[tilespmem:s2], [sflag:$0x3] =	stream.linear.gather [hbm4b:s23+s2], $0x50, $0x38;
	[tilespmem:$0x1D200] =	vst v63  }
0x57: {  	_ =	swait.ge [sflag:s30], $0x50  }
0x58: {  	[sflag:s30] =	ssyncset.done $0x0  }
0x59: {  	s14 =	sadd.s32 s6, s17;
	[sflag:s30] =	ssyncadd.s32 $0xFFFFFFB0  }
0x5a: {  	[tilespmem:s31], [sflag:$0x3] =	stream.linear.gather [hbm4b:s14+s2], $0x50, $0x38;
	[tilespmem:$0x1D200] =	vst v63  }
0x5b: {  	_ =	swait.ge [sflag:s30], $0x50  }
0x5c: {  	[sflag:s30] =	ssyncset.done $0x0  }
0x5d: {  	[sflag:s30] =	ssyncadd.s32 $0xFFFFFFB0  }
0x5e: {  	[tilespmem:s3], [sflag:$0x1] =	stream.indirect.gather [hbm4b:s4+s0], $0x80, s2, s0, $0xb8;
	[tilespmem:$0x1D200] =	vst v63  }
0x5f: {  	_ = 	snop  }
0x60: {  	[spmem:s1] =	stream.indirect.scatter.add.f32 [tilespmem:s11], [sflag:$0x3], $0x80, s10, s0, $0xb8;
	[tilespmem:$0x1D200] =	vst v63  }
0x61: {  	_ =	swait.ge [sflag:s30], $0x2800  }
0x62: {  	s23 =	smov.u32 s15;
	s14 =	simm.s32 $0x14;
	[sflag:s30] =	ssyncset.done $0x0  }
.LBB2_2:
0x63: {  	p0 =	sne.s32 s14, $0x4C4;
	[sflag:s30] =	ssyncadd.s32 $0xFFFFD800;
	s23 =	sadd.s32 $0xA0, s23  }
0x64: {  	s16 =	smov.u32 s14;
	s14 =	sadd.s32 $0x14, s14  }
0x65: {  	_ =	swait.ge [sflag:s7], $0x2800  }
0x66: {  	[sflag:s7] =	ssyncset.done $0x0  }
0x67: {  	s17 =	sadd.s32 s16, s25;
	[sflag:s7] =	ssyncadd.s32 $0xFFFFD800  }
0x68: {  	[tilespmem:s9], [sflag:$0x3] =	stream.linear.gather [hbm4b:s17+s2], $0x50, $0x38;
	[tilespmem:$0x1D200] =	vst v63  }
0x69: {  	_ =	swait.ge [sflag:s30], $0x50  }
0x6a: {  	[sflag:s30] =	ssyncset.done $0x0  }
0x6b: {  	s16 =	sadd.s32 s16, s24;
	[sflag:s30] =	ssyncadd.s32 $0xFFFFFFB0  }
0x6c: {  	[tilespmem:s10], [sflag:$0x3] =	stream.linear.gather [hbm4b:s16+s2], $0x50, $0x38;
	[tilespmem:$0x1D200] =	vst v63  }
0x6d: {  	_ =	swait.ge [sflag:s30], $0x50  }
0x6e: {  	[sflag:s30] =	ssyncset.done $0x0  }
0x6f: {  	[sflag:s30] =	ssyncadd.s32 $0xFFFFFFB0  }
0x70: {  	[tilespmem:s11], [sflag:$0x2] =	stream.indirect.gather [hbm4b:s4+s0], $0x80, s9, s0, $0xb8;
	[tilespmem:$0x1D200] =	vst v63  }
0x71: {  	_ = 	snop  }
0x72: {  	[spmem:s1] =	stream.indirect.scatter.add.f32 [tilespmem:s3], [sflag:$0x3], $0x80, s31, s0, $0xb8;
	[tilespmem:$0x1D200] =	vst v63  }
0x73: {  	_ =	swait.ge [sflag:s30], $0x2800  }
0x74: {  	[sflag:s30] =	ssyncset.done $0x0  }
0x75: {  	[sflag:s30] =	ssyncadd.s32 $0xFFFFD800  }
0x76: {  	_ =	swait.ge [sflag:s12], $0x2800  }
0x77: {  	s16 =	sshrl.u32 s23, $0x3;
	[sflag:s12] =	ssyncset.done $0x0  }
0x78: {  	s17 =	sadd.s32 s5, s16;
	[sflag:s12] =	ssyncadd.s32 $0xFFFFD800  }
0x79: {  	[tilespmem:s2], [sflag:$0x3] =	stream.linear.gather [hbm4b:s17+s2], $0x50, $0x38;
	[tilespmem:$0x1D200] =	vst v63  }
0x7a: {  	_ =	swait.ge [sflag:s30], $0x50  }
0x7b: {  	[sflag:s30] =	ssyncset.done $0x0  }
0x7c: {  	s16 =	sadd.s32 s6, s16;
	[sflag:s30] =	ssyncadd.s32 $0xFFFFFFB0  }
0x7d: {  	[tilespmem:s31], [sflag:$0x3] =	stream.linear.gather [hbm4b:s16+s2], $0x50, $0x38;
	[tilespmem:$0x1D200] =	vst v63  }
0x7e: {  	_ =	swait.ge [sflag:s30], $0x50  }
0x7f: {  	[sflag:s30] =	ssyncset.done $0x0  }
0x80: {  	[sflag:s30] =	ssyncadd.s32 $0xFFFFFFB0  }
0x81: {  	[tilespmem:s3], [sflag:$0x1] =	stream.indirect.gather [hbm4b:s4+s0], $0x80, s2, s0, $0xb8;
	[tilespmem:$0x1D200] =	vst v63  }
.Ltmp0:
0x82: {  	_ = 	snop;
	(pc) =	sbr.rel @p0 .LBB2_2-.Ltmp0, $4  }
0x83: {  	_ = 	snop  }
0x84: {  	[spmem:s1] =	stream.indirect.scatter.add.f32 [tilespmem:s11], [sflag:$0x3], $0x80, s10, s0, $0xb8;
	[tilespmem:$0x1D200] =	vst v63  }
0x85: {  	_ =	swait.ge [sflag:s30], $0x2800  }
0x86: {  	[sflag:s30] =	ssyncset.done $0x0  }
0x87: {  	[sflag:s30] =	ssyncadd.s32 $0xFFFFD800  }
0x88: {  	_ =	swait.ge [sflag:s7], $0x2800  }
0x89: {  	[sflag:s7] =	ssyncset.done $0x0  }
0x8a: {  	[sflag:s7] =	ssyncadd.s32 $0xFFFFD800  }
0x8b: {  	[spmem:s1] =	stream.indirect.scatter.add.f32 [tilespmem:s3], [sflag:$0x3], $0x80, s31, s0, $0xb8;
	[tilespmem:$0x1D200] =	vst v63  }
0x8c: {  	_ =	swait.ge [sflag:s30], $0x2800  }
0x8d: {  	[sflag:s30] =	ssyncset.done $0x0  }
0x8e: {  	[sflag:s30] =	ssyncadd.s32 $0xFFFFD800  }
0x8f: {  	[bflag:$0x0] =	sbarrier.arrive $0xFFFF  }
0x90: {  	[tilespmem:s29], [sflag:$0x3] =	stream.linear.gather [spmem:s8], $0x4000, $0x38;
	[tilespmem:$0x1D200] =	vst v63  }
0x91: {  	_ =	swait.ge [sflag:s30], $0x4000  }
0x92: {  	[sflag:s30] =	ssyncset.done $0x0  }
0x93: {  	s14 =	rddreg [dreg:$0x9];
	[sflag:s30] =	ssyncadd.s32 $0xFFFFC000  }
0x94: {  	[hbm4b:s14+s2] =	stream.linear.scatter [tilespmem:s29], [sflag:$0x3], $0x4000, $0x38;
	[tilespmem:$0x1D200] =	vst v63  }
0x95: {  	_ =	swait.ge [sflag:s30], $0x4000  }
0x96: {  	[sflag:s30] =	ssyncset.done $0x0  }
0x97: {  	s23 =	rddreg [dreg:$0xa];
	[sflag:s30] =	ssyncadd.s32 $0xFFFFC000  }
0x98: {  	[tilespmem:s29], [sflag:$0x3] =	stream.linear.gather [spmem:s23], $0x4000, $0x38;
	[tilespmem:$0x1D200] =	vst v63  }
0x99: {  	_ =	swait.ge [sflag:s30], $0x4000  }
0x9a: {  	[sflag:s30] =	ssyncset.done $0x0  }
0x9b: {  	s16 =	rddreg [dreg:$0xb];
	[sflag:s30] =	ssyncadd.s32 $0xFFFFC000  }
0x9c: {  	[hbm4b:s16+s2] =	stream.linear.scatter [tilespmem:s29], [sflag:$0x3], $0x4000, $0x38;
	[tilespmem:$0x1D200] =	vst v63  }
0x9d: {  	_ =	swait.ge [sflag:s30], $0x4000  }
0x9e: {  	[sflag:s30] =	ssyncset.done $0x0  }
0x9f: {  	s17 =	rddreg [dreg:$0xc];
	[sflag:s30] =	ssyncadd.s32 $0xFFFFC000  }
0xa0: {  	[tilespmem:s29], [sflag:$0x3] =	stream.linear.gather [spmem:s17], $0x4000, $0x38;
	[tilespmem:$0x1D200] =	vst v63  }
0xa1: {  	_ =	swait.ge [sflag:s30], $0x4000  }
0xa2: {  	[sflag:s30] =	ssyncset.done $0x0  }
0xa3: {  	[sflag:s30] =	ssyncadd.s32 $0xFFFFC000  }
0xa4: {  	[hbm4b:s18+s2] =	stream.linear.scatter [tilespmem:s29], [sflag:$0x3], $0x4000, $0x38;
	[tilespmem:$0x1D200] =	vst v63  }
0xa5: {  	_ =	swait.ge [sflag:s30], $0x4000  }
0xa6: {  	[sflag:s30] =	ssyncset.done $0x0  }
0xa7: {  	[sflag:s30] =	ssyncadd.s32 $0xFFFFC000  }
0xa8: {  	[tilespmem:s29], [sflag:$0x3] =	stream.linear.gather [spmem:s19], $0x4000, $0x38;
	[tilespmem:$0x1D200] =	vst v63  }
0xa9: {  	_ =	swait.ge [sflag:s30], $0x4000  }
0xaa: {  	[sflag:s30] =	ssyncset.done $0x0  }
0xab: {  	[sflag:s30] =	ssyncadd.s32 $0xFFFFC000  }
0xac: {  	[hbm4b:s20+s2] =	stream.linear.scatter [tilespmem:s29], [sflag:$0x3], $0x4000, $0x38;
	[tilespmem:$0x1D200] =	vst v63  }
0xad: {  	_ =	swait.ge [sflag:s30], $0x4000  }
0xae: {  	[sflag:s30] =	ssyncset.done $0x0  }
0xaf: {  	[sflag:s30] =	ssyncadd.s32 $0xFFFFC000  }
0xb0: {  	[tilespmem:s29], [sflag:$0x3] =	stream.linear.gather [spmem:s21], $0x4000, $0x38;
	[tilespmem:$0x1D200] =	vst v63  }
0xb1: {  	_ =	swait.ge [sflag:s30], $0x4000  }
0xb2: {  	[sflag:s30] =	ssyncset.done $0x0  }
0xb3: {  	[sflag:s30] =	ssyncadd.s32 $0xFFFFC000  }
0xb4: {  	[hbm4b:s22+s2] =	stream.linear.scatter [tilespmem:s29], [sflag:$0x3], $0x4000, $0x38;
	[tilespmem:$0x1D200] =	vst v63  }
0xb5: {  	_ =	swait.ge [sflag:s30], $0x4000  }
0xb6: {  	s13 =	sadd.s32 $0x1, s13;
	s23 =	rddreg [dreg:$0x6]  }
0xb7: {  	p0 =	sne.s32 s13, s23  }
.Ltmp1:
0xb8: {  	_ = 	snop;
	(pc) =	sbr.rel @p0 .LBB2_1-.Ltmp1, $3  }
0xb9: {  	_ =	sdelay $0x1  }
0xba: {  	[sflag:s30] =	ssyncset.done $0x0  }
0xbb: {  	[sflag:s30] =	ssyncadd.s32 $0xFFFFC000  }
0xbc: {  	_ =	sfence.sel $0x180000  }
0xbd: {  	[bflag:$0x0] =	sbarrier.arrive $0xFFFF  }
0xbe: {  	_ =	strace $0x90000050  }
0xbf: {  	s0 =	stileid.u32;
	[bflag:$0x2] =	sbarrier.arrive $0xFFFF  }
0xc0: {  	p0 =	sne.s32 s0, $0x0;
	s0 =	rddreg [dreg:$0x2]  }
0xc1: {  	s0 =	sadd.s32 @!p0 $0x100000, s0  }
0xc2: {  	[sflag:s0] =	ssyncadd.tile.s32 @!p0 $0x1;
	_ =	shalt  }
.Lfunc_end2:
_tile_overlayer_lowered:
.L_overlay_start_2:
0xc3: {  	(tag) =	ssettag $0x2  }
0xc4: {  	s0 =	rddreg [dreg:$0x0];
	s2 =	stileid.u32  }
0xc5: {  	s1 =	rddreg [dreg:$0x1];
	p0 =	sne.s32 s2, $0x0  }
0xc6: {  	s3 =	rddreg [dreg:$0x2];
	[bflag:$0x3] =	sbarrier.arrive $0xFFFF;
	s2 =	simm.s32 @!p0 $0x1C03  }
0xc7: {  	[timem:s3], [sflag:s2] =	dma.local @!p0 [hbm:s0], s1  }
0xc8: {  	s0 =	simm.s32 @!p0 $0x3  }
0xc9: {  	_ =	swait.ge @!p0 [sflag:s0], s1  }
0xca: {  	s1 =	ssub.s32 @!p0 $0x0, s1;
	[sflag:s0] =	ssyncset.done @!p0 $0x0  }
0xcb: {  	[sflag:s0] =	ssyncadd.s32 @!p0 s1  }
0xcc: {  	[bflag:$0x3] =	sbarrier.arrive $0xFFFF  }
0xcd: {  	_ =	shalt  }

</sc_bundles>
